<compile_context>
chip_gen: v7x
topology: tpu7x:2x2x1
jax: 0.10.2.dev20260603
libtpu: 0.0.44.dev20260713+nightly
codegen_flags: <defaults>
</compile_context>

<pallas_src>
import jax
import jax.numpy as jnp
from jax import lax
from jax.experimental import pallas as pl
from jax.experimental.pallas import tpu as pltpu
from jax.experimental.pallas import tpu_sc as plsc

_CUT = 5
_E = 320000
_D = 128

_NC = 2
_NS = 16
_NW = _NC * _NS
_LANES = 16

_PER_W = _E // _NW
_BLK = 400
_NB = _PER_W // _BLK
_GPB = _BLK // _LANES


def _table_body(de_ref, w_ref, b_ref, t_ref):
    t_ref[...] = (
        jnp.dot(de_ref[...], w_ref[...], preferred_element_type=jnp.float32)
        + b_ref[...]
    )


def _lookup_body(t_hbm, feat_hbm, out_hbm, tbl_v, feat_v, rows_v, sem_f, sem_out):
    c = lax.axis_index("c")
    s = lax.axis_index("s")
    wid = c * _NS + s
    ebase = wid * _PER_W

    pltpu.async_copy(feat_hbm.at[pl.ds(ebase, _BLK)], feat_v.at[pl.ds(0, _BLK)], sem_f)
    pltpu.sync_copy(t_hbm, tbl_v)

    def block(j, carry):
        b = j % 2
        foff = b * _BLK
        roff = b * _BLK * _D
        pltpu.make_async_copy(
            feat_hbm.at[pl.ds(ebase, _BLK)], feat_v.at[pl.ds(0, _BLK)], sem_f
        ).wait()

        @pl.when(j + 1 < _NB)
        def _():
            pltpu.async_copy(
                feat_hbm.at[pl.ds(ebase + (j + 1) * _BLK, _BLK)],
                feat_v.at[pl.ds((1 - b) * _BLK, _BLK)],
                sem_f,
            )

        @pl.when(j >= 2)
        def _():
            pltpu.make_async_copy(
                rows_v.at[pl.ds(roff, _BLK * _D)],
                out_hbm.at[pl.ds((ebase + (j - 2) * _BLK) * _D, _BLK * _D)],
                sem_out,
            ).wait()

        @plsc.parallel_loop(0, _GPB, 1)
        def _group(g):
            x = feat_v[pl.ds(foff + g * _LANES, _LANES)]
            xiv = jnp.clip(x, 1.0, _CUT - 1e-6).astype(jnp.int32) * _D
            ro0 = roff + g * (_LANES * _D)
            for l in range(_LANES):
                si = xiv[l]
                ro = ro0 + l * _D
                for c0 in range(0, _D, _LANES):
                    rows_v[pl.ds(ro + c0, _LANES)] = tbl_v[pl.ds(si + c0, _LANES)]
        pltpu.async_copy(
            rows_v.at[pl.ds(roff, _BLK * _D)],
            out_hbm.at[pl.ds((ebase + j * _BLK) * _D, _BLK * _D)],
            sem_out,
        )
        return carry

    lax.fori_loop(0, _NB, block, 0)
    for j in (_NB - 2, _NB - 1):
        roff = (j % 2) * _BLK * _D
        pltpu.make_async_copy(
            rows_v.at[pl.ds(roff, _BLK * _D)],
            out_hbm.at[pl.ds((ebase + j * _BLK) * _D, _BLK * _D)],
            sem_out,
        ).wait()


def kernel(dist_feat, dist_embed, W_in, b_in):
    table = pl.pallas_call(
        _table_body,
        out_shape=jax.ShapeDtypeStruct((_CUT + 1, _D), jnp.float32),
    )(dist_embed, W_in, b_in.reshape(1, _D))
    table = table.reshape((_CUT + 1) * _D)

    mesh = plsc.VectorSubcoreMesh(core_axis_name="c", subcore_axis_name="s")
    lookup = pl.kernel(
        _lookup_body,
        out_type=jax.ShapeDtypeStruct((_E * _D,), jnp.float32),
        mesh=mesh,
        compiler_params=pltpu.CompilerParams(needs_layout_passes=False),
        scratch_types=[
            pltpu.VMEM(((_CUT + 1) * _D,), jnp.float32),
            pltpu.VMEM((2 * _BLK,), jnp.float32),
            pltpu.VMEM((2 * _BLK * _D,), jnp.float32),
            pltpu.SemaphoreType.DMA,
            pltpu.SemaphoreType.DMA,
        ],
    )
    return lookup(table, dist_feat).reshape(_E, _D)

# --- scband reference (transcript-rebuilt; emitter-appended) ---
"""Pipeline reference for scband-li-gh-tpredictor-12730283066009 (READ-ONLY COPY).

The authoritative reference and input builder live on the scoring server;
editing this copy changes nothing except your own understanding.
"""

import jax, jax.numpy as jnp
import numpy as np

CUT_DIST = 5
EMBED_DIM = 128
D_HIDDEN = 128
E = 320000


def setup_inputs(seed: int = 0) -> dict:
    key = jax.random.key(seed)
    k1, k2, k3, k4 = jax.random.split(key, 4)
    # distances in [0, cut_dist); forward clips to [1, cut_dist-1e-6] then casts to int index
    dist_feat = jax.random.uniform(k1, (E,), dtype=jnp.float32, minval=0.0, maxval=float(CUT_DIST))
    # learned params: embedding table (cut_dist+1, embed_dim), in_proj Linear(embed_dim -> d_hidden)
    dist_embed = jax.random.normal(k2, (CUT_DIST + 1, EMBED_DIM), dtype=jnp.float32) * 0.02
    W_in = jax.random.normal(k3, (EMBED_DIM, D_HIDDEN), dtype=jnp.float32) * (1.0 / np.sqrt(EMBED_DIM))
    b_in = jax.random.normal(k4, (D_HIDDEN,), dtype=jnp.float32) * 0.01
    return {"dist_feat": dist_feat, "dist_embed": dist_embed, "W_in": W_in, "b_in": b_in}


def reference(dist_feat, dist_embed, W_in, b_in):
    # BondEmbedding.forward (eval mode, dropout = identity)
    x = jnp.clip(jnp.squeeze(dist_feat), 1.0, CUT_DIST - 1e-06).astype(jnp.int32)
    edge_h = jnp.take(dist_embed, x, axis=0)          # embedding lookup [E, embed_dim]
    edge_h = edge_h @ W_in + b_in                      # in_proj Linear -> [E, d_hidden]
    return edge_h

if __name__ == "__main__":
    import jax
    _d = setup_inputs()
    print(jax.jit(kernel)(*tuple(_d.values())))

</pallas_src>

<mosaic_0001>
#map = affine_map<(d0, d1) -> (0)>
module attributes {stable_mosaic.version = 14 : i64} {
  func.func @_lookup_body(%arg0: i32, %arg1: i32, %arg2: memref<768xf32, #tpu.memory_space<hbm>>, %arg3: memref<320000xf32, #tpu.memory_space<hbm>>, %arg4: memref<40960000xf32, #tpu.memory_space<hbm>>, %arg5: memref<768xf32, #tpu.memory_space<vmem>>, %arg6: memref<800xf32, #tpu.memory_space<vmem>>, %arg7: memref<102400xf32, #tpu.memory_space<vmem>>, %arg8: memref<!tpu.dma_semaphore, #tpu.memory_space<semaphore_mem>>, %arg9: memref<!tpu.dma_semaphore, #tpu.memory_space<semaphore_mem>>) attributes {dimension_semantics = [#tpu.dimension_semantics<core_parallel>, #tpu.dimension_semantics<subcore_parallel>], iteration_bounds = array<i64: 2, 16>, scalar_prefetch = 0 : i64, scratch_operands = 5 : i64, tpu.core_type = #tpu.core_type<sc_vector_subcore>, window_params = [{transform_indices = #map}, {transform_indices = #map}, {transform_indices = #map}]} {
    %mul3A = arith.constant 16 : i32
    %mul3A_0 = arith.muli %arg0, %mul3A : i32
    %add3A = arith.addi %mul3A_0, %arg1 : i32
    %mul3A_1 = arith.constant 10000 : i32
    %mul3A_2 = arith.muli %add3A, %mul3A_1 : i32
    %dma_start3A = arith.constant 0 : i32
    %dma_start3A_3 = tpu.memref_slice %arg6[%dma_start3A] : memref<800xf32, #tpu.memory_space<vmem>> -> memref<400xf32, #tpu.memory_space<vmem>>
    %dma_start3A_4 = tpu.memref_slice %arg3[%mul3A_2] : memref<320000xf32, #tpu.memory_space<hbm>> -> memref<400xf32, #tpu.memory_space<hbm>>
    %dma_start3A_5 = arith.constant 0 : i32
    %dma_start3A_6 = tpu.memref_slice %arg6[%dma_start3A_5] : memref<800xf32, #tpu.memory_space<vmem>> -> memref<400xf32, #tpu.memory_space<vmem>>
    %dma_start3A_7 = tpu.memref_slice %arg3[%mul3A_2] : memref<320000xf32, #tpu.memory_space<hbm>> -> memref<400xf32, #tpu.memory_space<hbm>>
    tpu.enqueue_dma source(%dma_start3A_7 : memref<400xf32, #tpu.memory_space<hbm>>) target(%dma_start3A_6 : memref<400xf32, #tpu.memory_space<vmem>>) target_semaphore(%arg8 : memref<!tpu.dma_semaphore, #tpu.memory_space<semaphore_mem>>)
    "tpu.region"() ({
      %run_scoped3A = tpu.sem_alloc : memref<!tpu.dma_semaphore, #tpu.memory_space<semaphore_mem>>
      tpu.enqueue_dma source(%arg2 : memref<768xf32, #tpu.memory_space<hbm>>) target(%arg5 : memref<768xf32, #tpu.memory_space<vmem>>) target_semaphore(%run_scoped3A : memref<!tpu.dma_semaphore, #tpu.memory_space<semaphore_mem>>)
      tpu.wait_dma2 semaphore(%run_scoped3A : memref<!tpu.dma_semaphore, #tpu.memory_space<semaphore_mem>>) src(%arg2 : memref<768xf32, #tpu.memory_space<hbm>>) dst(%arg5 : memref<768xf32, #tpu.memory_space<vmem>>)
      tpu.yield
    }) : () -> ()
    %scan3A = arith.constant 0 : i32
    %scan3A_8 = arith.constant 0 : i32
    %scan3A_9 = arith.constant 25 : i32
    %scan3A_10 = arith.addi %scan3A_8, %scan3A_9 : i32
    %scan3A_11 = arith.constant 1 : i32
    scf.for %scan3A_32 = %scan3A_8 to %scan3A_10 step %scan3A_11  : i32 {
      %jit3A = arith.constant 2 : i32
      %eq3A = arith.constant 0 : i32
      %eq3A_33 = arith.cmpi eq, %jit3A, %eq3A : i32
      %jit3A_34 = arith.constant 1 : i32
      %select_n3A = arith.select %eq3A_33, %jit3A_34, %jit3A : i32
      %rem3A = arith.remsi %scan3A_32, %select_n3A : i32
      %ne3A = arith.constant 0 : i32
      %ne3A_35 = arith.cmpi ne, %rem3A, %ne3A : i32
      %lt3A = arith.constant 0 : i32
      %lt3A_36 = arith.cmpi slt, %rem3A, %lt3A : i32
      %lt3A_37 = arith.constant 0 : i32
      %lt3A_38 = arith.cmpi slt, %select_n3A, %lt3A_37 : i32
      %ne3A_39 = arith.xori %lt3A_36, %lt3A_38 : i1
      %and3A = arith.andi %ne3A_39, %ne3A_35 : i1
      %add3A_40 = arith.addi %rem3A, %select_n3A : i32
      %select_n3A_41 = arith.select %and3A, %add3A_40, %rem3A : i32
      %mul3A_42 = arith.constant 400 : i32
      %mul3A_43 = arith.muli %select_n3A_41, %mul3A_42 : i32
      %mul3A_44 = arith.constant 400 : i32
      %mul3A_45 = arith.muli %select_n3A_41, %mul3A_44 : i32
      %mul3A_46 = arith.constant 128 : i32
      %mul3A_47 = arith.muli %mul3A_45, %mul3A_46 : i32
      %dma_wait3A_48 = arith.constant 0 : i32
      %dma_wait3A_49 = tpu.memref_slice %arg6[%dma_wait3A_48] : memref<800xf32, #tpu.memory_space<vmem>> -> memref<400xf32, #tpu.memory_space<vmem>>
      %dma_wait3A_50 = tpu.memref_slice %arg3[%mul3A_2] : memref<320000xf32, #tpu.memory_space<hbm>> -> memref<400xf32, #tpu.memory_space<hbm>>
      %dma_wait3A_51 = arith.constant 0 : i32
      %dma_wait3A_52 = tpu.memref_slice %arg6[%dma_wait3A_51] : memref<800xf32, #tpu.memory_space<vmem>> -> memref<400xf32, #tpu.memory_space<vmem>>
      %dma_wait3A_53 = tpu.memref_slice %arg3[%mul3A_2] : memref<320000xf32, #tpu.memory_space<hbm>> -> memref<400xf32, #tpu.memory_space<hbm>>
      tpu.wait_dma2 semaphore(%arg8 : memref<!tpu.dma_semaphore, #tpu.memory_space<semaphore_mem>>) src(%dma_wait3A_53 : memref<400xf32, #tpu.memory_space<hbm>>) dst(%dma_wait3A_52 : memref<400xf32, #tpu.memory_space<vmem>>)
      %add3A_54 = arith.constant 1 : i32
      %add3A_55 = arith.addi %scan3A_32, %add3A_54 : i32
      %lt3A_56 = arith.constant 25 : i32
      %lt3A_57 = arith.cmpi slt, %add3A_55, %lt3A_56 : i32
      %convert_element_type3A = arith.extui %lt3A_57 : i1 to i32
      %cond3A = arith.constant 0 : i32
      %cond3A_58 = arith.cmpi ne, %convert_element_type3A, %cond3A : i32
      scf.if %cond3A_58 {
        %add3A_74 = arith.constant 1 : i32
        %add3A_75 = arith.addi %scan3A_32, %add3A_74 : i32
        %mul3A_76 = arith.constant 400 : i32
        %mul3A_77 = arith.muli %add3A_75, %mul3A_76 : i32
        %add3A_78 = arith.addi %mul3A_2, %mul3A_77 : i32
        %sub3A = arith.constant 1 : i32
        %sub3A_79 = arith.subi %sub3A, %select_n3A_41 : i32
        %mul3A_80 = arith.constant 400 : i32
        %mul3A_81 = arith.muli %sub3A_79, %mul3A_80 : i32
        %dma_start3A_82 = tpu.memref_slice %arg6[%mul3A_81] : memref<800xf32, #tpu.memory_space<vmem>> -> memref<400xf32, #tpu.memory_space<vmem>>
        %dma_start3A_83 = tpu.memref_slice %arg3[%add3A_78] : memref<320000xf32, #tpu.memory_space<hbm>> -> memref<400xf32, #tpu.memory_space<hbm>>
        %dma_start3A_84 = tpu.memref_slice %arg6[%mul3A_81] : memref<800xf32, #tpu.memory_space<vmem>> -> memref<400xf32, #tpu.memory_space<vmem>>
        %dma_start3A_85 = tpu.memref_slice %arg3[%add3A_78] : memref<320000xf32, #tpu.memory_space<hbm>> -> memref<400xf32, #tpu.memory_space<hbm>>
        tpu.enqueue_dma source(%dma_start3A_85 : memref<400xf32, #tpu.memory_space<hbm>>) target(%dma_start3A_84 : memref<400xf32, #tpu.memory_space<vmem>>) target_semaphore(%arg8 : memref<!tpu.dma_semaphore, #tpu.memory_space<semaphore_mem>>)
      } else {
      }
      %ge3A = arith.constant 2 : i32
      %ge3A_59 = arith.cmpi sge, %scan3A_32, %ge3A : i32
      %convert_element_type3A_60 = arith.extui %ge3A_59 : i1 to i32
      %cond3A_61 = arith.constant 0 : i32
      %cond3A_62 = arith.cmpi ne, %convert_element_type3A_60, %cond3A_61 : i32
      scf.if %cond3A_62 {
        %sub3A = arith.constant 2 : i32
        %sub3A_74 = arith.subi %scan3A_32, %sub3A : i32
        %mul3A_75 = arith.constant 400 : i32
        %mul3A_76 = arith.muli %sub3A_74, %mul3A_75 : i32
        %add3A_77 = arith.addi %mul3A_2, %mul3A_76 : i32
        %mul3A_78 = arith.constant 128 : i32
        %mul3A_79 = arith.muli %add3A_77, %mul3A_78 : i32
        %dma_wait3A_80 = tpu.memref_slice %arg7[%mul3A_47] : memref<102400xf32, #tpu.memory_space<vmem>> -> memref<51200xf32, #tpu.memory_space<vmem>>
        %dma_wait3A_81 = tpu.memref_slice %arg4[%mul3A_79] : memref<40960000xf32, #tpu.memory_space<hbm>> -> memref<51200xf32, #tpu.memory_space<hbm>>
        %dma_wait3A_82 = tpu.memref_slice %arg4[%mul3A_79] : memref<40960000xf32, #tpu.memory_space<hbm>> -> memref<51200xf32, #tpu.memory_space<hbm>>
        %dma_wait3A_83 = tpu.memref_slice %arg7[%mul3A_47] : memref<102400xf32, #tpu.memory_space<vmem>> -> memref<51200xf32, #tpu.memory_space<vmem>>
        tpu.wait_dma2 semaphore(%arg9 : memref<!tpu.dma_semaphore, #tpu.memory_space<semaphore_mem>>) src(%dma_wait3A_83 : memref<51200xf32, #tpu.memory_space<vmem>>) dst(%dma_wait3A_82 : memref<51200xf32, #tpu.memory_space<hbm>>)
      } else {
      }
      %parallel_loop3A = arith.constant 0 : i32
      %parallel_loop3A_63 = arith.constant 25 : i32
      %parallel_loop3A_64 = arith.constant 1 : i32
      scf.for %parallel_loop3A_74 = %parallel_loop3A to %parallel_loop3A_63 step %parallel_loop3A_64  : i32 {
        %parallel_loop3A_75 = arith.constant 16 : i32
        %parallel_loop3A_76 = arith.muli %parallel_loop3A_74, %parallel_loop3A_75 : i32
        %parallel_loop3A_77 = arith.addi %mul3A_43, %parallel_loop3A_76 : i32
        %parallel_loop3A_78 = arith.index_cast %parallel_loop3A_77 : i32 to index
        %parallel_loop3A_79 = tpu.vector_load %arg6[%parallel_loop3A_78] {strides = array<i32>} : memref<800xf32, #tpu.memory_space<vmem>>, vector<16xf32>,
        %parallel_loop3A_80 = arith.constant 1.000000e+00 : f32
        %parallel_loop3A_81 = arith.constant 4.99999905 : f32
        %parallel_loop3A_82 = vector.broadcast %parallel_loop3A_80 : f32 to vector<16xf32>
        %parallel_loop3A_83 = arith.maximumf %parallel_loop3A_82, %parallel_loop3A_79 : vector<16xf32>
        %parallel_loop3A_84 = vector.broadcast %parallel_loop3A_81 : f32 to vector<16xf32>
        %parallel_loop3A_85 = arith.minimumf %parallel_loop3A_84, %parallel_loop3A_83 : vector<16xf32>
        %parallel_loop3A_86 = arith.fptosi %parallel_loop3A_85 : vector<16xf32> to vector<16xi32>
        %parallel_loop3A_87 = arith.constant 128 : i32
        %parallel_loop3A_88 = vector.broadcast %parallel_loop3A_87 : i32 to vector<16xi32>
        %parallel_loop3A_89 = arith.muli %parallel_loop3A_86, %parallel_loop3A_88 : vector<16xi32>
        %parallel_loop3A_90 = arith.constant 2048 : i32
        %parallel_loop3A_91 = arith.muli %parallel_loop3A_74, %parallel_loop3A_90 : i32
        %parallel_loop3A_92 = arith.addi %mul3A_47, %parallel_loop3A_91 : i32
        %parallel_loop3A_93 = vector.extract_strided_slice %parallel_loop3A_89 {offsets = [0], sizes = [1], strides = [1]} : vector<16xi32> to vector<1xi32>
        %parallel_loop3A_94 = vector.extract %parallel_loop3A_93[0] : i32 from vector<1xi32>
        %parallel_loop3A_95 = arith.constant 0 : i32
        %parallel_loop3A_96 = arith.addi %parallel_loop3A_92, %parallel_loop3A_95 : i32
        %parallel_loop3A_97 = arith.constant 0 : i32
        %parallel_loop3A_98 = arith.addi %parallel_loop3A_94, %parallel_loop3A_97 : i32
        %parallel_loop3A_99 = arith.index_cast %parallel_loop3A_98 : i32 to index
        %parallel_loop3A_100 = tpu.vector_load %arg5[%parallel_loop3A_99] {strides = array<i32>} : memref<768xf32, #tpu.memory_space<vmem>>, vector<16xf32>,
        %parallel_loop3A_101 = arith.constant 0 : i32
        %parallel_loop3A_102 = arith.addi %parallel_loop3A_96, %parallel_loop3A_101 : i32
        %parallel_loop3A_103 = arith.index_cast %parallel_loop3A_102 : i32 to index
        %parallel_loop3A_104 = tpu.vector_load %arg7[%parallel_loop3A_103] {strides = array<i32>} : memref<102400xf32, #tpu.memory_space<vmem>>, vector<16xf32>,
        tpu.vector_store %arg7[%parallel_loop3A_103], %parallel_loop3A_100 {strides = array<i32>} : memref<102400xf32, #tpu.memory_space<vmem>>, vector<16xf32>,
        %parallel_loop3A_105 = arith.constant 16 : i32
        %parallel_loop3A_106 = arith.addi %parallel_loop3A_94, %parallel_loop3A_105 : i32
        %parallel_loop3A_107 = arith.index_cast %parallel_loop3A_106 : i32 to index
        %parallel_loop3A_108 = tpu.vector_load %arg5[%parallel_loop3A_107] {strides = array<i32>} : memref<768xf32, #tpu.memory_space<vmem>>, vector<16xf32>,
        %parallel_loop3A_109 = arith.constant 16 : i32
        %parallel_loop3A_110 = arith.addi %parallel_loop3A_96, %parallel_loop3A_109 : i32
        %parallel_loop3A_111 = arith.index_cast %parallel_loop3A_110 : i32 to index
        %parallel_loop3A_112 = tpu.vector_load %arg7[%parallel_loop3A_111] {strides = array<i32>} : memref<102400xf32, #tpu.memory_space<vmem>>, vector<16xf32>,
        tpu.vector_store %arg7[%parallel_loop3A_111], %parallel_loop3A_108 {strides = array<i32>} : memref<102400xf32, #tpu.memory_space<vmem>>, vector<16xf32>,
        %parallel_loop3A_113 = arith.constant 32 : i32
        %parallel_loop3A_114 = arith.addi %parallel_loop3A_94, %parallel_loop3A_113 : i32
        %parallel_loop3A_115 = arith.index_cast %parallel_loop3A_114 : i32 to index
        %parallel_loop3A_116 = tpu.vector_load %arg5[%parallel_loop3A_115] {strides = array<i32>} : memref<768xf32, #tpu.memory_space<vmem>>, vector<16xf32>,
        %parallel_loop3A_117 = arith.constant 32 : i32
        %parallel_loop3A_118 = arith.addi %parallel_loop3A_96, %parallel_loop3A_117 : i32
        %parallel_loop3A_119 = arith.index_cast %parallel_loop3A_118 : i32 to index
        %parallel_loop3A_120 = tpu.vector_load %arg7[%parallel_loop3A_119] {strides = array<i32>} : memref<102400xf32, #tpu.memory_space<vmem>>, vector<16xf32>,
        tpu.vector_store %arg7[%parallel_loop3A_119], %parallel_loop3A_116 {strides = array<i32>} : memref<102400xf32, #tpu.memory_space<vmem>>, vector<16xf32>,
        %parallel_loop3A_121 = arith.constant 48 : i32
        %parallel_loop3A_122 = arith.addi %parallel_loop3A_94, %parallel_loop3A_121 : i32
        %parallel_loop3A_123 = arith.index_cast %parallel_loop3A_122 : i32 to index
        %parallel_loop3A_124 = tpu.vector_load %arg5[%parallel_loop3A_123] {strides = array<i32>} : memref<768xf32, #tpu.memory_space<vmem>>, vector<16xf32>,
        %parallel_loop3A_125 = arith.constant 48 : i32
        %parallel_loop3A_126 = arith.addi %parallel_loop3A_96, %parallel_loop3A_125 : i32
        %parallel_loop3A_127 = arith.index_cast %parallel_loop3A_126 : i32 to index
        %parallel_loop3A_128 = tpu.vector_load %arg7[%parallel_loop3A_127] {strides = array<i32>} : memref<102400xf32, #tpu.memory_space<vmem>>, vector<16xf32>,
        tpu.vector_store %arg7[%parallel_loop3A_127], %parallel_loop3A_124 {strides = array<i32>} : memref<102400xf32, #tpu.memory_space<vmem>>, vector<16xf32>,
        %parallel_loop3A_129 = arith.constant 64 : i32
        %parallel_loop3A_130 = arith.addi %parallel_loop3A_94, %parallel_loop3A_129 : i32
        %parallel_loop3A_131 = arith.index_cast %parallel_loop3A_130 : i32 to index
        %parallel_loop3A_132 = tpu.vector_load %arg5[%parallel_loop3A_131] {strides = array<i32>} : memref<768xf32, #tpu.memory_space<vmem>>, vector<16xf32>,
        %parallel_loop3A_133 = arith.constant 64 : i32
        %parallel_loop3A_134 = arith.addi %parallel_loop3A_96, %parallel_loop3A_133 : i32
        %parallel_loop3A_135 = arith.index_cast %parallel_loop3A_134 : i32 to index
        %parallel_loop3A_136 = tpu.vector_load %arg7[%parallel_loop3A_135] {strides = array<i32>} : memref<102400xf32, #tpu.memory_space<vmem>>, vector<16xf32>,
        tpu.vector_store %arg7[%parallel_loop3A_135], %parallel_loop3A_132 {strides = array<i32>} : memref<102400xf32, #tpu.memory_space<vmem>>, vector<16xf32>,
        %parallel_loop3A_137 = arith.constant 80 : i32
        %parallel_loop3A_138 = arith.addi %parallel_loop3A_94, %parallel_loop3A_137 : i32
        %parallel_loop3A_139 = arith.index_cast %parallel_loop3A_138 : i32 to index
        %parallel_loop3A_140 = tpu.vector_load %arg5[%parallel_loop3A_139] {strides = array<i32>} : memref<768xf32, #tpu.memory_space<vmem>>, vector<16xf32>,
        %parallel_loop3A_141 = arith.constant 80 : i32
        %parallel_loop3A_142 = arith.addi %parallel_loop3A_96, %parallel_loop3A_141 : i32
        %parallel_loop3A_143 = arith.index_cast %parallel_loop3A_142 : i32 to index
        %parallel_loop3A_144 = tpu.vector_load %arg7[%parallel_loop3A_143] {strides = array<i32>} : memref<102400xf32, #tpu.memory_space<vmem>>, vector<16xf32>,
        tpu.vector_store %arg7[%parallel_loop3A_143], %parallel_loop3A_140 {strides = array<i32>} : memref<102400xf32, #tpu.memory_space<vmem>>, vector<16xf32>,
        %parallel_loop3A_145 = arith.constant 96 : i32
        %parallel_loop3A_146 = arith.addi %parallel_loop3A_94, %parallel_loop3A_145 : i32
        %parallel_loop3A_147 = arith.index_cast %parallel_loop3A_146 : i32 to index
        %parallel_loop3A_148 = tpu.vector_load %arg5[%parallel_loop3A_147] {strides = array<i32>} : memref<768xf32, #tpu.memory_space<vmem>>, vector<16xf32>,
        %parallel_loop3A_149 = arith.constant 96 : i32
        %parallel_loop3A_150 = arith.addi %parallel_loop3A_96, %parallel_loop3A_149 : i32
        %parallel_loop3A_151 = arith.index_cast %parallel_loop3A_150 : i32 to index
        %parallel_loop3A_152 = tpu.vector_load %arg7[%parallel_loop3A_151] {strides = array<i32>} : memref<102400xf32, #tpu.memory_space<vmem>>, vector<16xf32>,
        tpu.vector_store %arg7[%parallel_loop3A_151], %parallel_loop3A_148 {strides = array<i32>} : memref<102400xf32, #tpu.memory_space<vmem>>, vector<16xf32>,
        %parallel_loop3A_153 = arith.constant 112 : i32
        %parallel_loop3A_154 = arith.addi %parallel_loop3A_94, %parallel_loop3A_153 : i32
        %parallel_loop3A_155 = arith.index_cast %parallel_loop3A_154 : i32 to index
        %parallel_loop3A_156 = tpu.vector_load %arg5[%parallel_loop3A_155] {strides = array<i32>} : memref<768xf32, #tpu.memory_space<vmem>>, vector<16xf32>,
        %parallel_loop3A_157 = arith.constant 112 : i32
        %parallel_loop3A_158 = arith.addi %parallel_loop3A_96, %parallel_loop3A_157 : i32
        %parallel_loop3A_159 = arith.index_cast %parallel_loop3A_158 : i32 to index
        %parallel_loop3A_160 = tpu.vector_load %arg7[%parallel_loop3A_159] {strides = array<i32>} : memref<102400xf32, #tpu.memory_space<vmem>>, vector<16xf32>,
        tpu.vector_store %arg7[%parallel_loop3A_159], %parallel_loop3A_156 {strides = array<i32>} : memref<102400xf32, #tpu.memory_space<vmem>>, vector<16xf32>,
        %parallel_loop3A_161 = vector.extract_strided_slice %parallel_loop3A_89 {offsets = [1], sizes = [1], strides = [1]} : vector<16xi32> to vector<1xi32>
        %parallel_loop3A_162 = vector.extract %parallel_loop3A_161[0] : i32 from vector<1xi32>
        %parallel_loop3A_163 = arith.constant 128 : i32
        %parallel_loop3A_164 = arith.addi %parallel_loop3A_92, %parallel_loop3A_163 : i32
        %parallel_loop3A_165 = arith.constant 0 : i32
        %parallel_loop3A_166 = arith.addi %parallel_loop3A_162, %parallel_loop3A_165 : i32
        %parallel_loop3A_167 = arith.index_cast %parallel_loop3A_166 : i32 to index
        %parallel_loop3A_168 = tpu.vector_load %arg5[%parallel_loop3A_167] {strides = array<i32>} : memref<768xf32, #tpu.memory_space<vmem>>, vector<16xf32>,
        %parallel_loop3A_169 = arith.constant 0 : i32
        %parallel_loop3A_170 = arith.addi %parallel_loop3A_164, %parallel_loop3A_169 : i32
        %parallel_loop3A_171 = arith.index_cast %parallel_loop3A_170 : i32 to index
        %parallel_loop3A_172 = tpu.vector_load %arg7[%parallel_loop3A_171] {strides = array<i32>} : memref<102400xf32, #tpu.memory_space<vmem>>, vector<16xf32>,
        tpu.vector_store %arg7[%parallel_loop3A_171], %parallel_loop3A_168 {strides = array<i32>} : memref<102400xf32, #tpu.memory_space<vmem>>, vector<16xf32>,
        %parallel_loop3A_173 = arith.constant 16 : i32
        %parallel_loop3A_174 = arith.addi %parallel_loop3A_162, %parallel_loop3A_173 : i32
        %parallel_loop3A_175 = arith.index_cast %parallel_loop3A_174 : i32 to index
        %parallel_loop3A_176 = tpu.vector_load %arg5[%parallel_loop3A_175] {strides = array<i32>} : memref<768xf32, #tpu.memory_space<vmem>>, vector<16xf32>,
        %parallel_loop3A_177 = arith.constant 16 : i32
        %parallel_loop3A_178 = arith.addi %parallel_loop3A_164, %parallel_loop3A_177 : i32
        %parallel_loop3A_179 = arith.index_cast %parallel_loop3A_178 : i32 to index
        %parallel_loop3A_180 = tpu.vector_load %arg7[%parallel_loop3A_179] {strides = array<i32>} : memref<102400xf32, #tpu.memory_space<vmem>>, vector<16xf32>,
        tpu.vector_store %arg7[%parallel_loop3A_179], %parallel_loop3A_176 {strides = array<i32>} : memref<102400xf32, #tpu.memory_space<vmem>>, vector<16xf32>,
        %parallel_loop3A_181 = arith.constant 32 : i32
        %parallel_loop3A_182 = arith.addi %parallel_loop3A_162, %parallel_loop3A_181 : i32
        %parallel_loop3A_183 = arith.index_cast %parallel_loop3A_182 : i32 to index
        %parallel_loop3A_184 = tpu.vector_load %arg5[%parallel_loop3A_183] {strides = array<i32>} : memref<768xf32, #tpu.memory_space<vmem>>, vector<16xf32>,
        %parallel_loop3A_185 = arith.constant 32 : i32
        %parallel_loop3A_186 = arith.addi %parallel_loop3A_164, %parallel_loop3A_185 : i32
        %parallel_loop3A_187 = arith.index_cast %parallel_loop3A_186 : i32 to index
        %parallel_loop3A_188 = tpu.vector_load %arg7[%parallel_loop3A_187] {strides = array<i32>} : memref<102400xf32, #tpu.memory_space<vmem>>, vector<16xf32>,
        tpu.vector_store %arg7[%parallel_loop3A_187], %parallel_loop3A_184 {strides = array<i32>} : memref<102400xf32, #tpu.memory_space<vmem>>, vector<16xf32>,
        %parallel_loop3A_189 = arith.constant 48 : i32
        %parallel_loop3A_190 = arith.addi %parallel_loop3A_162, %parallel_loop3A_189 : i32
        %parallel_loop3A_191 = arith.index_cast %parallel_loop3A_190 : i32 to index
        %parallel_loop3A_192 = tpu.vector_load %arg5[%parallel_loop3A_191] {strides = array<i32>} : memref<768xf32, #tpu.memory_space<vmem>>, vector<16xf32>,
        %parallel_loop3A_193 = arith.constant 48 : i32
        %parallel_loop3A_194 = arith.addi %parallel_loop3A_164, %parallel_loop3A_193 : i32
        %parallel_loop3A_195 = arith.index_cast %parallel_loop3A_194 : i32 to index
        %parallel_loop3A_196 = tpu.vector_load %arg7[%parallel_loop3A_195] {strides = array<i32>} : memref<102400xf32, #tpu.memory_space<vmem>>, vector<16xf32>,
        tpu.vector_store %arg7[%parallel_loop3A_195], %parallel_loop3A_192 {strides = array<i32>} : memref<102400xf32, #tpu.memory_space<vmem>>, vector<16xf32>,
        %parallel_loop3A_197 = arith.constant 64 : i32
        %parallel_loop3A_198 = arith.addi %parallel_loop3A_162, %parallel_loop3A_197 : i32
        %parallel_loop3A_199 = arith.index_cast %parallel_loop3A_198 : i32 to index
        %parallel_loop3A_200 = tpu.vector_load %arg5[%parallel_loop3A_199] {strides = array<i32>} : memref<768xf32, #tpu.memory_space<vmem>>, vector<16xf32>,
        %parallel_loop3A_201 = arith.constant 64 : i32
        %parallel_loop3A_202 = arith.addi %parallel_loop3A_164, %parallel_loop3A_201 : i32
        %parallel_loop3A_203 = arith.index_cast %parallel_loop3A_202 : i32 to index
        %parallel_loop3A_204 = tpu.vector_load %arg7[%parallel_loop3A_203] {strides = array<i32>} : memref<102400xf32, #tpu.memory_space<vmem>>, vector<16xf32>,
        tpu.vector_store %arg7[%parallel_loop3A_203], %parallel_loop3A_200 {strides = array<i32>} : memref<102400xf32, #tpu.memory_space<vmem>>, vector<16xf32>,
        %parallel_loop3A_205 = arith.constant 80 : i32
        %parallel_loop3A_206 = arith.addi %parallel_loop3A_162, %parallel_loop3A_205 : i32
        %parallel_loop3A_207 = arith.index_cast %parallel_loop3A_206 : i32 to index
        %parallel_loop3A_208 = tpu.vector_load %arg5[%parallel_loop3A_207] {strides = array<i32>} : memref<768xf32, #tpu.memory_space<vmem>>, vector<16xf32>,
        %parallel_loop3A_209 = arith.constant 80 : i32
        %parallel_loop3A_210 = arith.addi %parallel_loop3A_164, %parallel_loop3A_209 : i32
        %parallel_loop3A_211 = arith.index_cast %parallel_loop3A_210 : i32 to index
        %parallel_loop3A_212 = tpu.vector_load %arg7[%parallel_loop3A_211] {strides = array<i32>} : memref<102400xf32, #tpu.memory_space<vmem>>, vector<16xf32>,
        tpu.vector_store %arg7[%parallel_loop3A_211], %parallel_loop3A_208 {strides = array<i32>} : memref<102400xf32, #tpu.memory_space<vmem>>, vector<16xf32>,
        %parallel_loop3A_213 = arith.constant 96 : i32
        %parallel_loop3A_214 = arith.addi %parallel_loop3A_162, %parallel_loop3A_213 : i32
        %parallel_loop3A_215 = arith.index_cast %parallel_loop3A_214 : i32 to index
        %parallel_loop3A_216 = tpu.vector_load %arg5[%parallel_loop3A_215] {strides = array<i32>} : memref<768xf32, #tpu.memory_space<vmem>>, vector<16xf32>,
        %parallel_loop3A_217 = arith.constant 96 : i32
        %parallel_loop3A_218 = arith.addi %parallel_loop3A_164, %parallel_loop3A_217 : i32
        %parallel_loop3A_219 = arith.index_cast %parallel_loop3A_218 : i32 to index
        %parallel_loop3A_220 = tpu.vector_load %arg7[%parallel_loop3A_219] {strides = array<i32>} : memref<102400xf32, #tpu.memory_space<vmem>>, vector<16xf32>,
        tpu.vector_store %arg7[%parallel_loop3A_219], %parallel_loop3A_216 {strides = array<i32>} : memref<102400xf32, #tpu.memory_space<vmem>>, vector<16xf32>,
        %parallel_loop3A_221 = arith.constant 112 : i32
        %parallel_loop3A_222 = arith.addi %parallel_loop3A_162, %parallel_loop3A_221 : i32
        %parallel_loop3A_223 = arith.index_cast %parallel_loop3A_222 : i32 to index
        %parallel_loop3A_224 = tpu.vector_load %arg5[%parallel_loop3A_223] {strides = array<i32>} : memref<768xf32, #tpu.memory_space<vmem>>, vector<16xf32>,
        %parallel_loop3A_225 = arith.constant 112 : i32
        %parallel_loop3A_226 = arith.addi %parallel_loop3A_164, %parallel_loop3A_225 : i32
        %parallel_loop3A_227 = arith.index_cast %parallel_loop3A_226 : i32 to index
        %parallel_loop3A_228 = tpu.vector_load %arg7[%parallel_loop3A_227] {strides = array<i32>} : memref<102400xf32, #tpu.memory_space<vmem>>, vector<16xf32>,
        tpu.vector_store %arg7[%parallel_loop3A_227], %parallel_loop3A_224 {strides = array<i32>} : memref<102400xf32, #tpu.memory_space<vmem>>, vector<16xf32>,
        %parallel_loop3A_229 = vector.extract_strided_slice %parallel_loop3A_89 {offsets = [2], sizes = [1], strides = [1]} : vector<16xi32> to vector<1xi32>
        %parallel_loop3A_230 = vector.extract %parallel_loop3A_229[0] : i32 from vector<1xi32>
        %parallel_loop3A_231 = arith.constant 256 : i32
        %parallel_loop3A_232 = arith.addi %parallel_loop3A_92, %parallel_loop3A_231 : i32
        %parallel_loop3A_233 = arith.constant 0 : i32
        %parallel_loop3A_234 = arith.addi %parallel_loop3A_230, %parallel_loop3A_233 : i32
        %parallel_loop3A_235 = arith.index_cast %parallel_loop3A_234 : i32 to index
        %parallel_loop3A_236 = tpu.vector_load %arg5[%parallel_loop3A_235] {strides = array<i32>} : memref<768xf32, #tpu.memory_space<vmem>>, vector<16xf32>,
        %parallel_loop3A_237 = arith.constant 0 : i32
        %parallel_loop3A_238 = arith.addi %parallel_loop3A_232, %parallel_loop3A_237 : i32
        %parallel_loop3A_239 = arith.index_cast %parallel_loop3A_238 : i32 to index
        %parallel_loop3A_240 = tpu.vector_load %arg7[%parallel_loop3A_239] {strides = array<i32>} : memref<102400xf32, #tpu.memory_space<vmem>>, vector<16xf32>,
        tpu.vector_store %arg7[%parallel_loop3A_239], %parallel_loop3A_236 {strides = array<i32>} : memref<102400xf32, #tpu.memory_space<vmem>>, vector<16xf32>,
        %parallel_loop3A_241 = arith.constant 16 : i32
        %parallel_loop3A_242 = arith.addi %parallel_loop3A_230, %parallel_loop3A_241 : i32
        %parallel_loop3A_243 = arith.index_cast %parallel_loop3A_242 : i32 to index
        %parallel_loop3A_244 = tpu.vector_load %arg5[%parallel_loop3A_243] {strides = array<i32>} : memref<768xf32, #tpu.memory_space<vmem>>, vector<16xf32>,
        %parallel_loop3A_245 = arith.constant 16 : i32
        %parallel_loop3A_246 = arith.addi %parallel_loop3A_232, %parallel_loop3A_245 : i32
        %parallel_loop3A_247 = arith.index_cast %parallel_loop3A_246 : i32 to index
        %parallel_loop3A_248 = tpu.vector_load %arg7[%parallel_loop3A_247] {strides = array<i32>} : memref<102400xf32, #tpu.memory_space<vmem>>, vector<16xf32>,
        tpu.vector_store %arg7[%parallel_loop3A_247], %parallel_loop3A_244 {strides = array<i32>} : memref<102400xf32, #tpu.memory_space<vmem>>, vector<16xf32>,
        %parallel_loop3A_249 = arith.constant 32 : i32
        %parallel_loop3A_250 = arith.addi %parallel_loop3A_230, %parallel_loop3A_249 : i32
        %parallel_loop3A_251 = arith.index_cast %parallel_loop3A_250 : i32 to index
        %parallel_loop3A_252 = tpu.vector_load %arg5[%parallel_loop3A_251] {strides = array<i32>} : memref<768xf32, #tpu.memory_space<vmem>>, vector<16xf32>,
        %parallel_loop3A_253 = arith.constant 32 : i32
        %parallel_loop3A_254 = arith.addi %parallel_loop3A_232, %parallel_loop3A_253 : i32
        %parallel_loop3A_255 = arith.index_cast %parallel_loop3A_254 : i32 to index
        %parallel_loop3A_256 = tpu.vector_load %arg7[%parallel_loop3A_255] {strides = array<i32>} : memref<102400xf32, #tpu.memory_space<vmem>>, vector<16xf32>,
        tpu.vector_store %arg7[%parallel_loop3A_255], %parallel_loop3A_252 {strides = array<i32>} : memref<102400xf32, #tpu.memory_space<vmem>>, vector<16xf32>,
        %parallel_loop3A_257 = arith.constant 48 : i32
        %parallel_loop3A_258 = arith.addi %parallel_loop3A_230, %parallel_loop3A_257 : i32
        %parallel_loop3A_259 = arith.index_cast %parallel_loop3A_258 : i32 to index
        %parallel_loop3A_260 = tpu.vector_load %arg5[%parallel_loop3A_259] {strides = array<i32>} : memref<768xf32, #tpu.memory_space<vmem>>, vector<16xf32>,
        %parallel_loop3A_261 = arith.constant 48 : i32
        %parallel_loop3A_262 = arith.addi %parallel_loop3A_232, %parallel_loop3A_261 : i32
        %parallel_loop3A_263 = arith.index_cast %parallel_loop3A_262 : i32 to index
        %parallel_loop3A_264 = tpu.vector_load %arg7[%parallel_loop3A_263] {strides = array<i32>} : memref<102400xf32, #tpu.memory_space<vmem>>, vector<16xf32>,
        tpu.vector_store %arg7[%parallel_loop3A_263], %parallel_loop3A_260 {strides = array<i32>} : memref<102400xf32, #tpu.memory_space<vmem>>, vector<16xf32>,
        %parallel_loop3A_265 = arith.constant 64 : i32
        %parallel_loop3A_266 = arith.addi %parallel_loop3A_230, %parallel_loop3A_265 : i32
        %parallel_loop3A_267 = arith.index_cast %parallel_loop3A_266 : i32 to index
        %parallel_loop3A_268 = tpu.vector_load %arg5[%parallel_loop3A_267] {strides = array<i32>} : memref<768xf32, #tpu.memory_space<vmem>>, vector<16xf32>,
        %parallel_loop3A_269 = arith.constant 64 : i32
        %parallel_loop3A_270 = arith.addi %parallel_loop3A_232, %parallel_loop3A_269 : i32
        %parallel_loop3A_271 = arith.index_cast %parallel_loop3A_270 : i32 to index
        %parallel_loop3A_272 = tpu.vector_load %arg7[%parallel_loop3A_271] {strides = array<i32>} : memref<102400xf32, #tpu.memory_space<vmem>>, vector<16xf32>,
        tpu.vector_store %arg7[%parallel_loop3A_271], %parallel_loop3A_268 {strides = array<i32>} : memref<102400xf32, #tpu.memory_space<vmem>>, vector<16xf32>,
        %parallel_loop3A_273 = arith.constant 80 : i32
        %parallel_loop3A_274 = arith.addi %parallel_loop3A_230, %parallel_loop3A_273 : i32
        %parallel_loop3A_275 = arith.index_cast %parallel_loop3A_274 : i32 to index
        %parallel_loop3A_276 = tpu.vector_load %arg5[%parallel_loop3A_275] {strides = array<i32>} : memref<768xf32, #tpu.memory_space<vmem>>, vector<16xf32>,
        %parallel_loop3A_277 = arith.constant 80 : i32
        %parallel_loop3A_278 = arith.addi %parallel_loop3A_232, %parallel_loop3A_277 : i32
        %parallel_loop3A_279 = arith.index_cast %parallel_loop3A_278 : i32 to index
        %parallel_loop3A_280 = tpu.vector_load %arg7[%parallel_loop3A_279] {strides = array<i32>} : memref<102400xf32, #tpu.memory_space<vmem>>, vector<16xf32>,
        tpu.vector_store %arg7[%parallel_loop3A_279], %parallel_loop3A_276 {strides = array<i32>} : memref<102400xf32, #tpu.memory_space<vmem>>, vector<16xf32>,
        %parallel_loop3A_281 = arith.constant 96 : i32
        %parallel_loop3A_282 = arith.addi %parallel_loop3A_230, %parallel_loop3A_281 : i32
        %parallel_loop3A_283 = arith.index_cast %parallel_loop3A_282 : i32 to index
        %parallel_loop3A_284 = tpu.vector_load %arg5[%parallel_loop3A_283] {strides = array<i32>} : memref<768xf32, #tpu.memory_space<vmem>>, vector<16xf32>,
        %parallel_loop3A_285 = arith.constant 96 : i32
        %parallel_loop3A_286 = arith.addi %parallel_loop3A_232, %parallel_loop3A_285 : i32
        %parallel_loop3A_287 = arith.index_cast %parallel_loop3A_286 : i32 to index
        %parallel_loop3A_288 = tpu.vector_load %arg7[%parallel_loop3A_287] {strides = array<i32>} : memref<102400xf32, #tpu.memory_space<vmem>>, vector<16xf32>,
        tpu.vector_store %arg7[%parallel_loop3A_287], %parallel_loop3A_284 {strides = array<i32>} : memref<102400xf32, #tpu.memory_space<vmem>>, vector<16xf32>,
        %parallel_loop3A_289 = arith.constant 112 : i32
        %parallel_loop3A_290 = arith.addi %parallel_loop3A_230, %parallel_loop3A_289 : i32
        %parallel_loop3A_291 = arith.index_cast %parallel_loop3A_290 : i32 to index
        %parallel_loop3A_292 = tpu.vector_load %arg5[%parallel_loop3A_291] {strides = array<i32>} : memref<768xf32, #tpu.memory_space<vmem>>, vector<16xf32>,
        %parallel_loop3A_293 = arith.constant 112 : i32
        %parallel_loop3A_294 = arith.addi %parallel_loop3A_232, %parallel_loop3A_293 : i32
        %parallel_loop3A_295 = arith.index_cast %parallel_loop3A_294 : i32 to index
        %parallel_loop3A_296 = tpu.vector_load %arg7[%parallel_loop3A_295] {strides = array<i32>} : memref<102400xf32, #tpu.memory_space<vmem>>, vector<16xf32>,
        tpu.vector_store %arg7[%parallel_loop3A_295], %parallel_loop3A_292 {strides = array<i32>} : memref<102400xf32, #tpu.memory_space<vmem>>, vector<16xf32>,
        %parallel_loop3A_297 = vector.extract_strided_slice %parallel_loop3A_89 {offsets = [3], sizes = [1], strides = [1]} : vector<16xi32> to vector<1xi32>
        %parallel_loop3A_298 = vector.extract %parallel_loop3A_297[0] : i32 from vector<1xi32>
        %parallel_loop3A_299 = arith.constant 384 : i32
        %parallel_loop3A_300 = arith.addi %parallel_loop3A_92, %parallel_loop3A_299 : i32
        %parallel_loop3A_301 = arith.constant 0 : i32
        %parallel_loop3A_302 = arith.addi %parallel_loop3A_298, %parallel_loop3A_301 : i32
        %parallel_loop3A_303 = arith.index_cast %parallel_loop3A_302 : i32 to index
        %parallel_loop3A_304 = tpu.vector_load %arg5[%parallel_loop3A_303] {strides = array<i32>} : memref<768xf32, #tpu.memory_space<vmem>>, vector<16xf32>,
        %parallel_loop3A_305 = arith.constant 0 : i32
        %parallel_loop3A_306 = arith.addi %parallel_loop3A_300, %parallel_loop3A_305 : i32
        %parallel_loop3A_307 = arith.index_cast %parallel_loop3A_306 : i32 to index
        %parallel_loop3A_308 = tpu.vector_load %arg7[%parallel_loop3A_307] {strides = array<i32>} : memref<102400xf32, #tpu.memory_space<vmem>>, vector<16xf32>,
        tpu.vector_store %arg7[%parallel_loop3A_307], %parallel_loop3A_304 {strides = array<i32>} : memref<102400xf32, #tpu.memory_space<vmem>>, vector<16xf32>,
        %parallel_loop3A_309 = arith.constant 16 : i32
        %parallel_loop3A_310 = arith.addi %parallel_loop3A_298, %parallel_loop3A_309 : i32
        %parallel_loop3A_311 = arith.index_cast %parallel_loop3A_310 : i32 to index
        %parallel_loop3A_312 = tpu.vector_load %arg5[%parallel_loop3A_311] {strides = array<i32>} : memref<768xf32, #tpu.memory_space<vmem>>, vector<16xf32>,
        %parallel_loop3A_313 = arith.constant 16 : i32
        %parallel_loop3A_314 = arith.addi %parallel_loop3A_300, %parallel_loop3A_313 : i32
        %parallel_loop3A_315 = arith.index_cast %parallel_loop3A_314 : i32 to index
        %parallel_loop3A_316 = tpu.vector_load %arg7[%parallel_loop3A_315] {strides = array<i32>} : memref<102400xf32, #tpu.memory_space<vmem>>, vector<16xf32>,
        tpu.vector_store %arg7[%parallel_loop3A_315], %parallel_loop3A_312 {strides = array<i32>} : memref<102400xf32, #tpu.memory_space<vmem>>, vector<16xf32>,
        %parallel_loop3A_317 = arith.constant 32 : i32
        %parallel_loop3A_318 = arith.addi %parallel_loop3A_298, %parallel_loop3A_317 : i32
        %parallel_loop3A_319 = arith.index_cast %parallel_loop3A_318 : i32 to index
        %parallel_loop3A_320 = tpu.vector_load %arg5[%parallel_loop3A_319] {strides = array<i32>} : memref<768xf32, #tpu.memory_space<vmem>>, vector<16xf32>,
        %parallel_loop3A_321 = arith.constant 32 : i32
        %parallel_loop3A_322 = arith.addi %parallel_loop3A_300, %parallel_loop3A_321 : i32
        %parallel_loop3A_323 = arith.index_cast %parallel_loop3A_322 : i32 to index
        %parallel_loop3A_324 = tpu.vector_load %arg7[%parallel_loop3A_323] {strides = array<i32>} : memref<102400xf32, #tpu.memory_space<vmem>>, vector<16xf32>,
        tpu.vector_store %arg7[%parallel_loop3A_323], %parallel_loop3A_320 {strides = array<i32>} : memref<102400xf32, #tpu.memory_space<vmem>>, vector<16xf32>,
        %parallel_loop3A_325 = arith.constant 48 : i32
        %parallel_loop3A_326 = arith.addi %parallel_loop3A_298, %parallel_loop3A_325 : i32
        %parallel_loop3A_327 = arith.index_cast %parallel_loop3A_326 : i32 to index
        %parallel_loop3A_328 = tpu.vector_load %arg5[%parallel_loop3A_327] {strides = array<i32>} : memref<768xf32, #tpu.memory_space<vmem>>, vector<16xf32>,
        %parallel_loop3A_329 = arith.constant 48 : i32
        %parallel_loop3A_330 = arith.addi %parallel_loop3A_300, %parallel_loop3A_329 : i32
        %parallel_loop3A_331 = arith.index_cast %parallel_loop3A_330 : i32 to index
        %parallel_loop3A_332 = tpu.vector_load %arg7[%parallel_loop3A_331] {strides = array<i32>} : memref<102400xf32, #tpu.memory_space<vmem>>, vector<16xf32>,
        tpu.vector_store %arg7[%parallel_loop3A_331], %parallel_loop3A_328 {strides = array<i32>} : memref<102400xf32, #tpu.memory_space<vmem>>, vector<16xf32>,
        %parallel_loop3A_333 = arith.constant 64 : i32
        %parallel_loop3A_334 = arith.addi %parallel_loop3A_298, %parallel_loop3A_333 : i32
        %parallel_loop3A_335 = arith.index_cast %parallel_loop3A_334 : i32 to index
        %parallel_loop3A_336 = tpu.vector_load %arg5[%parallel_loop3A_335] {strides = array<i32>} : memref<768xf32, #tpu.memory_space<vmem>>, vector<16xf32>,
        %parallel_loop3A_337 = arith.constant 64 : i32
        %parallel_loop3A_338 = arith.addi %parallel_loop3A_300, %parallel_loop3A_337 : i32
        %parallel_loop3A_339 = arith.index_cast %parallel_loop3A_338 : i32 to index
        %parallel_loop3A_340 = tpu.vector_load %arg7[%parallel_loop3A_339] {strides = array<i32>} : memref<102400xf32, #tpu.memory_space<vmem>>, vector<16xf32>,
        tpu.vector_store %arg7[%parallel_loop3A_339], %parallel_loop3A_336 {strides = array<i32>} : memref<102400xf32, #tpu.memory_space<vmem>>, vector<16xf32>,
        %parallel_loop3A_341 = arith.constant 80 : i32
        %parallel_loop3A_342 = arith.addi %parallel_loop3A_298, %parallel_loop3A_341 : i32
        %parallel_loop3A_343 = arith.index_cast %parallel_loop3A_342 : i32 to index
        %parallel_loop3A_344 = tpu.vector_load %arg5[%parallel_loop3A_343] {strides = array<i32>} : memref<768xf32, #tpu.memory_space<vmem>>, vector<16xf32>,
        %parallel_loop3A_345 = arith.constant 80 : i32
        %parallel_loop3A_346 = arith.addi %parallel_loop3A_300, %parallel_loop3A_345 : i32
        %parallel_loop3A_347 = arith.index_cast %parallel_loop3A_346 : i32 to index
        %parallel_loop3A_348 = tpu.vector_load %arg7[%parallel_loop3A_347] {strides = array<i32>} : memref<102400xf32, #tpu.memory_space<vmem>>, vector<16xf32>,
        tpu.vector_store %arg7[%parallel_loop3A_347], %parallel_loop3A_344 {strides = array<i32>} : memref<102400xf32, #tpu.memory_space<vmem>>, vector<16xf32>,
        %parallel_loop3A_349 = arith.constant 96 : i32
        %parallel_loop3A_350 = arith.addi %parallel_loop3A_298, %parallel_loop3A_349 : i32
        %parallel_loop3A_351 = arith.index_cast %parallel_loop3A_350 : i32 to index
        %parallel_loop3A_352 = tpu.vector_load %arg5[%parallel_loop3A_351] {strides = array<i32>} : memref<768xf32, #tpu.memory_space<vmem>>, vector<16xf32>,
        %parallel_loop3A_353 = arith.constant 96 : i32
        %parallel_loop3A_354 = arith.addi %parallel_loop3A_300, %parallel_loop3A_353 : i32
        %parallel_loop3A_355 = arith.index_cast %parallel_loop3A_354 : i32 to index
        %parallel_loop3A_356 = tpu.vector_load %arg7[%parallel_loop3A_355] {strides = array<i32>} : memref<102400xf32, #tpu.memory_space<vmem>>, vector<16xf32>,
        tpu.vector_store %arg7[%parallel_loop3A_355], %parallel_loop3A_352 {strides = array<i32>} : memref<102400xf32, #tpu.memory_space<vmem>>, vector<16xf32>,
        %parallel_loop3A_357 = arith.constant 112 : i32
        %parallel_loop3A_358 = arith.addi %parallel_loop3A_298, %parallel_loop3A_357 : i32
        %parallel_loop3A_359 = arith.index_cast %parallel_loop3A_358 : i32 to index
        %parallel_loop3A_360 = tpu.vector_load %arg5[%parallel_loop3A_359] {strides = array<i32>} : memref<768xf32, #tpu.memory_space<vmem>>, vector<16xf32>,
        %parallel_loop3A_361 = arith.constant 112 : i32
        %parallel_loop3A_362 = arith.addi %parallel_loop3A_300, %parallel_loop3A_361 : i32
        %parallel_loop3A_363 = arith.index_cast %parallel_loop3A_362 : i32 to index
        %parallel_loop3A_364 = tpu.vector_load %arg7[%parallel_loop3A_363] {strides = array<i32>} : memref<102400xf32, #tpu.memory_space<vmem>>, vector<16xf32>,
        tpu.vector_store %arg7[%parallel_loop3A_363], %parallel_loop3A_360 {strides = array<i32>} : memref<102400xf32, #tpu.memory_space<vmem>>, vector<16xf32>,
        %parallel_loop3A_365 = vector.extract_strided_slice %parallel_loop3A_89 {offsets = [4], sizes = [1], strides = [1]} : vector<16xi32> to vector<1xi32>
        %parallel_loop3A_366 = vector.extract %parallel_loop3A_365[0] : i32 from vector<1xi32>
        %parallel_loop3A_367 = arith.constant 512 : i32
        %parallel_loop3A_368 = arith.addi %parallel_loop3A_92, %parallel_loop3A_367 : i32
        %parallel_loop3A_369 = arith.constant 0 : i32
        %parallel_loop3A_370 = arith.addi %parallel_loop3A_366, %parallel_loop3A_369 : i32
        %parallel_loop3A_371 = arith.index_cast %parallel_loop3A_370 : i32 to index
        %parallel_loop3A_372 = tpu.vector_load %arg5[%parallel_loop3A_371] {strides = array<i32>} : memref<768xf32, #tpu.memory_space<vmem>>, vector<16xf32>,
        %parallel_loop3A_373 = arith.constant 0 : i32
        %parallel_loop3A_374 = arith.addi %parallel_loop3A_368, %parallel_loop3A_373 : i32
        %parallel_loop3A_375 = arith.index_cast %parallel_loop3A_374 : i32 to index
        %parallel_loop3A_376 = tpu.vector_load %arg7[%parallel_loop3A_375] {strides = array<i32>} : memref<102400xf32, #tpu.memory_space<vmem>>, vector<16xf32>,
        tpu.vector_store %arg7[%parallel_loop3A_375], %parallel_loop3A_372 {strides = array<i32>} : memref<102400xf32, #tpu.memory_space<vmem>>, vector<16xf32>,
        %parallel_loop3A_377 = arith.constant 16 : i32
        %parallel_loop3A_378 = arith.addi %parallel_loop3A_366, %parallel_loop3A_377 : i32
        %parallel_loop3A_379 = arith.index_cast %parallel_loop3A_378 : i32 to index
        %parallel_loop3A_380 = tpu.vector_load %arg5[%parallel_loop3A_379] {strides = array<i32>} : memref<768xf32, #tpu.memory_space<vmem>>, vector<16xf32>,
        %parallel_loop3A_381 = arith.constant 16 : i32
        %parallel_loop3A_382 = arith.addi %parallel_loop3A_368, %parallel_loop3A_381 : i32
        %parallel_loop3A_383 = arith.index_cast %parallel_loop3A_382 : i32 to index
        %parallel_loop3A_384 = tpu.vector_load %arg7[%parallel_loop3A_383] {strides = array<i32>} : memref<102400xf32, #tpu.memory_space<vmem>>, vector<16xf32>,
        tpu.vector_store %arg7[%parallel_loop3A_383], %parallel_loop3A_380 {strides = array<i32>} : memref<102400xf32, #tpu.memory_space<vmem>>, vector<16xf32>,
        %parallel_loop3A_385 = arith.constant 32 : i32
        %parallel_loop3A_386 = arith.addi %parallel_loop3A_366, %parallel_loop3A_385 : i32
        %parallel_loop3A_387 = arith.index_cast %parallel_loop3A_386 : i32 to index
        %parallel_loop3A_388 = tpu.vector_load %arg5[%parallel_loop3A_387] {strides = array<i32>} : memref<768xf32, #tpu.memory_space<vmem>>, vector<16xf32>,
        %parallel_loop3A_389 = arith.constant 32 : i32
        %parallel_loop3A_390 = arith.addi %parallel_loop3A_368, %parallel_loop3A_389 : i32
        %parallel_loop3A_391 = arith.index_cast %parallel_loop3A_390 : i32 to index
        %parallel_loop3A_392 = tpu.vector_load %arg7[%parallel_loop3A_391] {strides = array<i32>} : memref<102400xf32, #tpu.memory_space<vmem>>, vector<16xf32>,
        tpu.vector_store %arg7[%parallel_loop3A_391], %parallel_loop3A_388 {strides = array<i32>} : memref<102400xf32, #tpu.memory_space<vmem>>, vector<16xf32>,
        %parallel_loop3A_393 = arith.constant 48 : i32
        %parallel_loop3A_394 = arith.addi %parallel_loop3A_366, %parallel_loop3A_393 : i32
        %parallel_loop3A_395 = arith.index_cast %parallel_loop3A_394 : i32 to index
        %parallel_loop3A_396 = tpu.vector_load %arg5[%parallel_loop3A_395] {strides = array<i32>} : memref<768xf32, #tpu.memory_space<vmem>>, vector<16xf32>,
        %parallel_loop3A_397 = arith.constant 48 : i32
        %parallel_loop3A_398 = arith.addi %parallel_loop3A_368, %parallel_loop3A_397 : i32
        %parallel_loop3A_399 = arith.index_cast %parallel_loop3A_398 : i32 to index
        %parallel_loop3A_400 = tpu.vector_load %arg7[%parallel_loop3A_399] {strides = array<i32>} : memref<102400xf32, #tpu.memory_space<vmem>>, vector<16xf32>,
        tpu.vector_store %arg7[%parallel_loop3A_399], %parallel_loop3A_396 {strides = array<i32>} : memref<102400xf32, #tpu.memory_space<vmem>>, vector<16xf32>,
        %parallel_loop3A_401 = arith.constant 64 : i32
        %parallel_loop3A_402 = arith.addi %parallel_loop3A_366, %parallel_loop3A_401 : i32
        %parallel_loop3A_403 = arith.index_cast %parallel_loop3A_402 : i32 to index
        %parallel_loop3A_404 = tpu.vector_load %arg5[%parallel_loop3A_403] {strides = array<i32>} : memref<768xf32, #tpu.memory_space<vmem>>, vector<16xf32>,
        %parallel_loop3A_405 = arith.constant 64 : i32
        %parallel_loop3A_406 = arith.addi %parallel_loop3A_368, %parallel_loop3A_405 : i32
        %parallel_loop3A_407 = arith.index_cast %parallel_loop3A_406 : i32 to index
        %parallel_loop3A_408 = tpu.vector_load %arg7[%parallel_loop3A_407] {strides = array<i32>} : memref<102400xf32, #tpu.memory_space<vmem>>, vector<16xf32>,
        tpu.vector_store %arg7[%parallel_loop3A_407], %parallel_loop3A_404 {strides = array<i32>} : memref<102400xf32, #tpu.memory_space<vmem>>, vector<16xf32>,
        %parallel_loop3A_409 = arith.constant 80 : i32
        %parallel_loop3A_410 = arith.addi %parallel_loop3A_366, %parallel_loop3A_409 : i32
        %parallel_loop3A_411 = arith.index_cast %parallel_loop3A_410 : i32 to index
        %parallel_loop3A_412 = tpu.vector_load %arg5[%parallel_loop3A_411] {strides = array<i32>} : memref<768xf32, #tpu.memory_space<vmem>>, vector<16xf32>,
        %parallel_loop3A_413 = arith.constant 80 : i32
        %parallel_loop3A_414 = arith.addi %parallel_loop3A_368, %parallel_loop3A_413 : i32
        %parallel_loop3A_415 = arith.index_cast %parallel_loop3A_414 : i32 to index
        %parallel_loop3A_416 = tpu.vector_load %arg7[%parallel_loop3A_415] {strides = array<i32>} : memref<102400xf32, #tpu.memory_space<vmem>>, vector<16xf32>,
        tpu.vector_store %arg7[%parallel_loop3A_415], %parallel_loop3A_412 {strides = array<i32>} : memref<102400xf32, #tpu.memory_space<vmem>>, vector<16xf32>,
        %parallel_loop3A_417 = arith.constant 96 : i32
        %parallel_loop3A_418 = arith.addi %parallel_loop3A_366, %parallel_loop3A_417 : i32
        %parallel_loop3A_419 = arith.index_cast %parallel_loop3A_418 : i32 to index
        %parallel_loop3A_420 = tpu.vector_load %arg5[%parallel_loop3A_419] {strides = array<i32>} : memref<768xf32, #tpu.memory_space<vmem>>, vector<16xf32>,
        %parallel_loop3A_421 = arith.constant 96 : i32
        %parallel_loop3A_422 = arith.addi %parallel_loop3A_368, %parallel_loop3A_421 : i32
        %parallel_loop3A_423 = arith.index_cast %parallel_loop3A_422 : i32 to index
        %parallel_loop3A_424 = tpu.vector_load %arg7[%parallel_loop3A_423] {strides = array<i32>} : memref<102400xf32, #tpu.memory_space<vmem>>, vector<16xf32>,
        tpu.vector_store %arg7[%parallel_loop3A_423], %parallel_loop3A_420 {strides = array<i32>} : memref<102400xf32, #tpu.memory_space<vmem>>, vector<16xf32>,
        %parallel_loop3A_425 = arith.constant 112 : i32
        %parallel_loop3A_426 = arith.addi %parallel_loop3A_366, %parallel_loop3A_425 : i32
        %parallel_loop3A_427 = arith.index_cast %parallel_loop3A_426 : i32 to index
        %parallel_loop3A_428 = tpu.vector_load %arg5[%parallel_loop3A_427] {strides = array<i32>} : memref<768xf32, #tpu.memory_space<vmem>>, vector<16xf32>,
        %parallel_loop3A_429 = arith.constant 112 : i32
        %parallel_loop3A_430 = arith.addi %parallel_loop3A_368, %parallel_loop3A_429 : i32
        %parallel_loop3A_431 = arith.index_cast %parallel_loop3A_430 : i32 to index
        %parallel_loop3A_432 = tpu.vector_load %arg7[%parallel_loop3A_431] {strides = array<i32>} : memref<102400xf32, #tpu.memory_space<vmem>>, vector<16xf32>,
        tpu.vector_store %arg7[%parallel_loop3A_431], %parallel_loop3A_428 {strides = array<i32>} : memref<102400xf32, #tpu.memory_space<vmem>>, vector<16xf32>,
        %parallel_loop3A_433 = vector.extract_strided_slice %parallel_loop3A_89 {offsets = [5], sizes = [1], strides = [1]} : vector<16xi32> to vector<1xi32>
        %parallel_loop3A_434 = vector.extract %parallel_loop3A_433[0] : i32 from vector<1xi32>
        %parallel_loop3A_435 = arith.constant 640 : i32
        %parallel_loop3A_436 = arith.addi %parallel_loop3A_92, %parallel_loop3A_435 : i32
        %parallel_loop3A_437 = arith.constant 0 : i32
        %parallel_loop3A_438 = arith.addi %parallel_loop3A_434, %parallel_loop3A_437 : i32
        %parallel_loop3A_439 = arith.index_cast %parallel_loop3A_438 : i32 to index
        %parallel_loop3A_440 = tpu.vector_load %arg5[%parallel_loop3A_439] {strides = array<i32>} : memref<768xf32, #tpu.memory_space<vmem>>, vector<16xf32>,
        %parallel_loop3A_441 = arith.constant 0 : i32
        %parallel_loop3A_442 = arith.addi %parallel_loop3A_436, %parallel_loop3A_441 : i32
        %parallel_loop3A_443 = arith.index_cast %parallel_loop3A_442 : i32 to index
        %parallel_loop3A_444 = tpu.vector_load %arg7[%parallel_loop3A_443] {strides = array<i32>} : memref<102400xf32, #tpu.memory_space<vmem>>, vector<16xf32>,
        tpu.vector_store %arg7[%parallel_loop3A_443], %parallel_loop3A_440 {strides = array<i32>} : memref<102400xf32, #tpu.memory_space<vmem>>, vector<16xf32>,
        %parallel_loop3A_445 = arith.constant 16 : i32
        %parallel_loop3A_446 = arith.addi %parallel_loop3A_434, %parallel_loop3A_445 : i32
        %parallel_loop3A_447 = arith.index_cast %parallel_loop3A_446 : i32 to index
        %parallel_loop3A_448 = tpu.vector_load %arg5[%parallel_loop3A_447] {strides = array<i32>} : memref<768xf32, #tpu.memory_space<vmem>>, vector<16xf32>,
        %parallel_loop3A_449 = arith.constant 16 : i32
        %parallel_loop3A_450 = arith.addi %parallel_loop3A_436, %parallel_loop3A_449 : i32
        %parallel_loop3A_451 = arith.index_cast %parallel_loop3A_450 : i32 to index
        %parallel_loop3A_452 = tpu.vector_load %arg7[%parallel_loop3A_451] {strides = array<i32>} : memref<102400xf32, #tpu.memory_space<vmem>>, vector<16xf32>,
        tpu.vector_store %arg7[%parallel_loop3A_451], %parallel_loop3A_448 {strides = array<i32>} : memref<102400xf32, #tpu.memory_space<vmem>>, vector<16xf32>,
        %parallel_loop3A_453 = arith.constant 32 : i32
        %parallel_loop3A_454 = arith.addi %parallel_loop3A_434, %parallel_loop3A_453 : i32
        %parallel_loop3A_455 = arith.index_cast %parallel_loop3A_454 : i32 to index
        %parallel_loop3A_456 = tpu.vector_load %arg5[%parallel_loop3A_455] {strides = array<i32>} : memref<768xf32, #tpu.memory_space<vmem>>, vector<16xf32>,
        %parallel_loop3A_457 = arith.constant 32 : i32
        %parallel_loop3A_458 = arith.addi %parallel_loop3A_436, %parallel_loop3A_457 : i32
        %parallel_loop3A_459 = arith.index_cast %parallel_loop3A_458 : i32 to index
        %parallel_loop3A_460 = tpu.vector_load %arg7[%parallel_loop3A_459] {strides = array<i32>} : memref<102400xf32, #tpu.memory_space<vmem>>, vector<16xf32>,
        tpu.vector_store %arg7[%parallel_loop3A_459], %parallel_loop3A_456 {strides = array<i32>} : memref<102400xf32, #tpu.memory_space<vmem>>, vector<16xf32>,
        %parallel_loop3A_461 = arith.constant 48 : i32
        %parallel_loop3A_462 = arith.addi %parallel_loop3A_434, %parallel_loop3A_461 : i32
        %parallel_loop3A_463 = arith.index_cast %parallel_loop3A_462 : i32 to index
        %parallel_loop3A_464 = tpu.vector_load %arg5[%parallel_loop3A_463] {strides = array<i32>} : memref<768xf32, #tpu.memory_space<vmem>>, vector<16xf32>,
        %parallel_loop3A_465 = arith.constant 48 : i32
        %parallel_loop3A_466 = arith.addi %parallel_loop3A_436, %parallel_loop3A_465 : i32
        %parallel_loop3A_467 = arith.index_cast %parallel_loop3A_466 : i32 to index
        %parallel_loop3A_468 = tpu.vector_load %arg7[%parallel_loop3A_467] {strides = array<i32>} : memref<102400xf32, #tpu.memory_space<vmem>>, vector<16xf32>,
        tpu.vector_store %arg7[%parallel_loop3A_467], %parallel_loop3A_464 {strides = array<i32>} : memref<102400xf32, #tpu.memory_space<vmem>>, vector<16xf32>,
        %parallel_loop3A_469 = arith.constant 64 : i32
        %parallel_loop3A_470 = arith.addi %parallel_loop3A_434, %parallel_loop3A_469 : i32
        %parallel_loop3A_471 = arith.index_cast %parallel_loop3A_470 : i32 to index
        %parallel_loop3A_472 = tpu.vector_load %arg5[%parallel_loop3A_471] {strides = array<i32>} : memref<768xf32, #tpu.memory_space<vmem>>, vector<16xf32>,
        %parallel_loop3A_473 = arith.constant 64 : i32
        %parallel_loop3A_474 = arith.addi %parallel_loop3A_436, %parallel_loop3A_473 : i32
        %parallel_loop3A_475 = arith.index_cast %parallel_loop3A_474 : i32 to index
        %parallel_loop3A_476 = tpu.vector_load %arg7[%parallel_loop3A_475] {strides = array<i32>} : memref<102400xf32, #tpu.memory_space<vmem>>, vector<16xf32>,
        tpu.vector_store %arg7[%parallel_loop3A_475], %parallel_loop3A_472 {strides = array<i32>} : memref<102400xf32, #tpu.memory_space<vmem>>, vector<16xf32>,
        %parallel_loop3A_477 = arith.constant 80 : i32
        %parallel_loop3A_478 = arith.addi %parallel_loop3A_434, %parallel_loop3A_477 : i32
        %parallel_loop3A_479 = arith.index_cast %parallel_loop3A_478 : i32 to index
        %parallel_loop3A_480 = tpu.vector_load %arg5[%parallel_loop3A_479] {strides = array<i32>} : memref<768xf32, #tpu.memory_space<vmem>>, vector<16xf32>,
        %parallel_loop3A_481 = arith.constant 80 : i32
        %parallel_loop3A_482 = arith.addi %parallel_loop3A_436, %parallel_loop3A_481 : i32
        %parallel_loop3A_483 = arith.index_cast %parallel_loop3A_482 : i32 to index
        %parallel_loop3A_484 = tpu.vector_load %arg7[%parallel_loop3A_483] {strides = array<i32>} : memref<102400xf32, #tpu.memory_space<vmem>>, vector<16xf32>,
        tpu.vector_store %arg7[%parallel_loop3A_483], %parallel_loop3A_480 {strides = array<i32>} : memref<102400xf32, #tpu.memory_space<vmem>>, vector<16xf32>,
        %parallel_loop3A_485 = arith.constant 96 : i32
        %parallel_loop3A_486 = arith.addi %parallel_loop3A_434, %parallel_loop3A_485 : i32
        %parallel_loop3A_487 = arith.index_cast %parallel_loop3A_486 : i32 to index
        %parallel_loop3A_488 = tpu.vector_load %arg5[%parallel_loop3A_487] {strides = array<i32>} : memref<768xf32, #tpu.memory_space<vmem>>, vector<16xf32>,
        %parallel_loop3A_489 = arith.constant 96 : i32
        %parallel_loop3A_490 = arith.addi %parallel_loop3A_436, %parallel_loop3A_489 : i32
        %parallel_loop3A_491 = arith.index_cast %parallel_loop3A_490 : i32 to index
        %parallel_loop3A_492 = tpu.vector_load %arg7[%parallel_loop3A_491] {strides = array<i32>} : memref<102400xf32, #tpu.memory_space<vmem>>, vector<16xf32>,
        tpu.vector_store %arg7[%parallel_loop3A_491], %parallel_loop3A_488 {strides = array<i32>} : memref<102400xf32, #tpu.memory_space<vmem>>, vector<16xf32>,
        %parallel_loop3A_493 = arith.constant 112 : i32
        %parallel_loop3A_494 = arith.addi %parallel_loop3A_434, %parallel_loop3A_493 : i32
        %parallel_loop3A_495 = arith.index_cast %parallel_loop3A_494 : i32 to index
        %parallel_loop3A_496 = tpu.vector_load %arg5[%parallel_loop3A_495] {strides = array<i32>} : memref<768xf32, #tpu.memory_space<vmem>>, vector<16xf32>,
        %parallel_loop3A_497 = arith.constant 112 : i32
        %parallel_loop3A_498 = arith.addi %parallel_loop3A_436, %parallel_loop3A_497 : i32
        %parallel_loop3A_499 = arith.index_cast %parallel_loop3A_498 : i32 to index
        %parallel_loop3A_500 = tpu.vector_load %arg7[%parallel_loop3A_499] {strides = array<i32>} : memref<102400xf32, #tpu.memory_space<vmem>>, vector<16xf32>,
        tpu.vector_store %arg7[%parallel_loop3A_499], %parallel_loop3A_496 {strides = array<i32>} : memref<102400xf32, #tpu.memory_space<vmem>>, vector<16xf32>,
        %parallel_loop3A_501 = vector.extract_strided_slice %parallel_loop3A_89 {offsets = [6], sizes = [1], strides = [1]} : vector<16xi32> to vector<1xi32>
        %parallel_loop3A_502 = vector.extract %parallel_loop3A_501[0] : i32 from vector<1xi32>
        %parallel_loop3A_503 = arith.constant 768 : i32
        %parallel_loop3A_504 = arith.addi %parallel_loop3A_92, %parallel_loop3A_503 : i32
        %parallel_loop3A_505 = arith.constant 0 : i32
        %parallel_loop3A_506 = arith.addi %parallel_loop3A_502, %parallel_loop3A_505 : i32
        %parallel_loop3A_507 = arith.index_cast %parallel_loop3A_506 : i32 to index
        %parallel_loop3A_508 = tpu.vector_load %arg5[%parallel_loop3A_507] {strides = array<i32>} : memref<768xf32, #tpu.memory_space<vmem>>, vector<16xf32>,
        %parallel_loop3A_509 = arith.constant 0 : i32
        %parallel_loop3A_510 = arith.addi %parallel_loop3A_504, %parallel_loop3A_509 : i32
        %parallel_loop3A_511 = arith.index_cast %parallel_loop3A_510 : i32 to index
        %parallel_loop3A_512 = tpu.vector_load %arg7[%parallel_loop3A_511] {strides = array<i32>} : memref<102400xf32, #tpu.memory_space<vmem>>, vector<16xf32>,
        tpu.vector_store %arg7[%parallel_loop3A_511], %parallel_loop3A_508 {strides = array<i32>} : memref<102400xf32, #tpu.memory_space<vmem>>, vector<16xf32>,
        %parallel_loop3A_513 = arith.constant 16 : i32
        %parallel_loop3A_514 = arith.addi %parallel_loop3A_502, %parallel_loop3A_513 : i32
        %parallel_loop3A_515 = arith.index_cast %parallel_loop3A_514 : i32 to index
        %parallel_loop3A_516 = tpu.vector_load %arg5[%parallel_loop3A_515] {strides = array<i32>} : memref<768xf32, #tpu.memory_space<vmem>>, vector<16xf32>,
        %parallel_loop3A_517 = arith.constant 16 : i32
        %parallel_loop3A_518 = arith.addi %parallel_loop3A_504, %parallel_loop3A_517 : i32
        %parallel_loop3A_519 = arith.index_cast %parallel_loop3A_518 : i32 to index
        %parallel_loop3A_520 = tpu.vector_load %arg7[%parallel_loop3A_519] {strides = array<i32>} : memref<102400xf32, #tpu.memory_space<vmem>>, vector<16xf32>,
        tpu.vector_store %arg7[%parallel_loop3A_519], %parallel_loop3A_516 {strides = array<i32>} : memref<102400xf32, #tpu.memory_space<vmem>>, vector<16xf32>,
        %parallel_loop3A_521 = arith.constant 32 : i32
        %parallel_loop3A_522 = arith.addi %parallel_loop3A_502, %parallel_loop3A_521 : i32
        %parallel_loop3A_523 = arith.index_cast %parallel_loop3A_522 : i32 to index
        %parallel_loop3A_524 = tpu.vector_load %arg5[%parallel_loop3A_523] {strides = array<i32>} : memref<768xf32, #tpu.memory_space<vmem>>, vector<16xf32>,
        %parallel_loop3A_525 = arith.constant 32 : i32
        %parallel_loop3A_526 = arith.addi %parallel_loop3A_504, %parallel_loop3A_525 : i32
        %parallel_loop3A_527 = arith.index_cast %parallel_loop3A_526 : i32 to index
        %parallel_loop3A_528 = tpu.vector_load %arg7[%parallel_loop3A_527] {strides = array<i32>} : memref<102400xf32, #tpu.memory_space<vmem>>, vector<16xf32>,
        tpu.vector_store %arg7[%parallel_loop3A_527], %parallel_loop3A_524 {strides = array<i32>} : memref<102400xf32, #tpu.memory_space<vmem>>, vector<16xf32>,
        %parallel_loop3A_529 = arith.constant 48 : i32
        %parallel_loop3A_530 = arith.addi %parallel_loop3A_502, %parallel_loop3A_529 : i32
        %parallel_loop3A_531 = arith.index_cast %parallel_loop3A_530 : i32 to index
        %parallel_loop3A_532 = tpu.vector_load %arg5[%parallel_loop3A_531] {strides = array<i32>} : memref<768xf32, #tpu.memory_space<vmem>>, vector<16xf32>,
        %parallel_loop3A_533 = arith.constant 48 : i32
        %parallel_loop3A_534 = arith.addi %parallel_loop3A_504, %parallel_loop3A_533 : i32
        %parallel_loop3A_535 = arith.index_cast %parallel_loop3A_534 : i32 to index
        %parallel_loop3A_536 = tpu.vector_load %arg7[%parallel_loop3A_535] {strides = array<i32>} : memref<102400xf32, #tpu.memory_space<vmem>>, vector<16xf32>,
        tpu.vector_store %arg7[%parallel_loop3A_535], %parallel_loop3A_532 {strides = array<i32>} : memref<102400xf32, #tpu.memory_space<vmem>>, vector<16xf32>,
        %parallel_loop3A_537 = arith.constant 64 : i32
        %parallel_loop3A_538 = arith.addi %parallel_loop3A_502, %parallel_loop3A_537 : i32
        %parallel_loop3A_539 = arith.index_cast %parallel_loop3A_538 : i32 to index
        %parallel_loop3A_540 = tpu.vector_load %arg5[%parallel_loop3A_539] {strides = array<i32>} : memref<768xf32, #tpu.memory_space<vmem>>, vector<16xf32>,
        %parallel_loop3A_541 = arith.constant 64 : i32
        %parallel_loop3A_542 = arith.addi %parallel_loop3A_504, %parallel_loop3A_541 : i32
        %parallel_loop3A_543 = arith.index_cast %parallel_loop3A_542 : i32 to index
        %parallel_loop3A_544 = tpu.vector_load %arg7[%parallel_loop3A_543] {strides = array<i32>} : memref<102400xf32, #tpu.memory_space<vmem>>, vector<16xf32>,
        tpu.vector_store %arg7[%parallel_loop3A_543], %parallel_loop3A_540 {strides = array<i32>} : memref<102400xf32, #tpu.memory_space<vmem>>, vector<16xf32>,
        %parallel_loop3A_545 = arith.constant 80 : i32
        %parallel_loop3A_546 = arith.addi %parallel_loop3A_502, %parallel_loop3A_545 : i32
        %parallel_loop3A_547 = arith.index_cast %parallel_loop3A_546 : i32 to index
        %parallel_loop3A_548 = tpu.vector_load %arg5[%parallel_loop3A_547] {strides = array<i32>} : memref<768xf32, #tpu.memory_space<vmem>>, vector<16xf32>,
        %parallel_loop3A_549 = arith.constant 80 : i32
        %parallel_loop3A_550 = arith.addi %parallel_loop3A_504, %parallel_loop3A_549 : i32
        %parallel_loop3A_551 = arith.index_cast %parallel_loop3A_550 : i32 to index
        %parallel_loop3A_552 = tpu.vector_load %arg7[%parallel_loop3A_551] {strides = array<i32>} : memref<102400xf32, #tpu.memory_space<vmem>>, vector<16xf32>,
        tpu.vector_store %arg7[%parallel_loop3A_551], %parallel_loop3A_548 {strides = array<i32>} : memref<102400xf32, #tpu.memory_space<vmem>>, vector<16xf32>,
        %parallel_loop3A_553 = arith.constant 96 : i32
        %parallel_loop3A_554 = arith.addi %parallel_loop3A_502, %parallel_loop3A_553 : i32
        %parallel_loop3A_555 = arith.index_cast %parallel_loop3A_554 : i32 to index
        %parallel_loop3A_556 = tpu.vector_load %arg5[%parallel_loop3A_555] {strides = array<i32>} : memref<768xf32, #tpu.memory_space<vmem>>, vector<16xf32>,
        %parallel_loop3A_557 = arith.constant 96 : i32
        %parallel_loop3A_558 = arith.addi %parallel_loop3A_504, %parallel_loop3A_557 : i32
        %parallel_loop3A_559 = arith.index_cast %parallel_loop3A_558 : i32 to index
        %parallel_loop3A_560 = tpu.vector_load %arg7[%parallel_loop3A_559] {strides = array<i32>} : memref<102400xf32, #tpu.memory_space<vmem>>, vector<16xf32>,
        tpu.vector_store %arg7[%parallel_loop3A_559], %parallel_loop3A_556 {strides = array<i32>} : memref<102400xf32, #tpu.memory_space<vmem>>, vector<16xf32>,
        %parallel_loop3A_561 = arith.constant 112 : i32
        %parallel_loop3A_562 = arith.addi %parallel_loop3A_502, %parallel_loop3A_561 : i32
        %parallel_loop3A_563 = arith.index_cast %parallel_loop3A_562 : i32 to index
        %parallel_loop3A_564 = tpu.vector_load %arg5[%parallel_loop3A_563] {strides = array<i32>} : memref<768xf32, #tpu.memory_space<vmem>>, vector<16xf32>,
        %parallel_loop3A_565 = arith.constant 112 : i32
        %parallel_loop3A_566 = arith.addi %parallel_loop3A_504, %parallel_loop3A_565 : i32
        %parallel_loop3A_567 = arith.index_cast %parallel_loop3A_566 : i32 to index
        %parallel_loop3A_568 = tpu.vector_load %arg7[%parallel_loop3A_567] {strides = array<i32>} : memref<102400xf32, #tpu.memory_space<vmem>>, vector<16xf32>,
        tpu.vector_store %arg7[%parallel_loop3A_567], %parallel_loop3A_564 {strides = array<i32>} : memref<102400xf32, #tpu.memory_space<vmem>>, vector<16xf32>,
        %parallel_loop3A_569 = vector.extract_strided_slice %parallel_loop3A_89 {offsets = [7], sizes = [1], strides = [1]} : vector<16xi32> to vector<1xi32>
        %parallel_loop3A_570 = vector.extract %parallel_loop3A_569[0] : i32 from vector<1xi32>
        %parallel_loop3A_571 = arith.constant 896 : i32
        %parallel_loop3A_572 = arith.addi %parallel_loop3A_92, %parallel_loop3A_571 : i32
        %parallel_loop3A_573 = arith.constant 0 : i32
        %parallel_loop3A_574 = arith.addi %parallel_loop3A_570, %parallel_loop3A_573 : i32
        %parallel_loop3A_575 = arith.index_cast %parallel_loop3A_574 : i32 to index
        %parallel_loop3A_576 = tpu.vector_load %arg5[%parallel_loop3A_575] {strides = array<i32>} : memref<768xf32, #tpu.memory_space<vmem>>, vector<16xf32>,
        %parallel_loop3A_577 = arith.constant 0 : i32
        %parallel_loop3A_578 = arith.addi %parallel_loop3A_572, %parallel_loop3A_577 : i32
        %parallel_loop3A_579 = arith.index_cast %parallel_loop3A_578 : i32 to index
        %parallel_loop3A_580 = tpu.vector_load %arg7[%parallel_loop3A_579] {strides = array<i32>} : memref<102400xf32, #tpu.memory_space<vmem>>, vector<16xf32>,
        tpu.vector_store %arg7[%parallel_loop3A_579], %parallel_loop3A_576 {strides = array<i32>} : memref<102400xf32, #tpu.memory_space<vmem>>, vector<16xf32>,
        %parallel_loop3A_581 = arith.constant 16 : i32
        %parallel_loop3A_582 = arith.addi %parallel_loop3A_570, %parallel_loop3A_581 : i32
        %parallel_loop3A_583 = arith.index_cast %parallel_loop3A_582 : i32 to index
        %parallel_loop3A_584 = tpu.vector_load %arg5[%parallel_loop3A_583] {strides = array<i32>} : memref<768xf32, #tpu.memory_space<vmem>>, vector<16xf32>,
        %parallel_loop3A_585 = arith.constant 16 : i32
        %parallel_loop3A_586 = arith.addi %parallel_loop3A_572, %parallel_loop3A_585 : i32
        %parallel_loop3A_587 = arith.index_cast %parallel_loop3A_586 : i32 to index
        %parallel_loop3A_588 = tpu.vector_load %arg7[%parallel_loop3A_587] {strides = array<i32>} : memref<102400xf32, #tpu.memory_space<vmem>>, vector<16xf32>,
        tpu.vector_store %arg7[%parallel_loop3A_587], %parallel_loop3A_584 {strides = array<i32>} : memref<102400xf32, #tpu.memory_space<vmem>>, vector<16xf32>,
        %parallel_loop3A_589 = arith.constant 32 : i32
        %parallel_loop3A_590 = arith.addi %parallel_loop3A_570, %parallel_loop3A_589 : i32
        %parallel_loop3A_591 = arith.index_cast %parallel_loop3A_590 : i32 to index
        %parallel_loop3A_592 = tpu.vector_load %arg5[%parallel_loop3A_591] {strides = array<i32>} : memref<768xf32, #tpu.memory_space<vmem>>, vector<16xf32>,
        %parallel_loop3A_593 = arith.constant 32 : i32
        %parallel_loop3A_594 = arith.addi %parallel_loop3A_572, %parallel_loop3A_593 : i32
        %parallel_loop3A_595 = arith.index_cast %parallel_loop3A_594 : i32 to index
        %parallel_loop3A_596 = tpu.vector_load %arg7[%parallel_loop3A_595] {strides = array<i32>} : memref<102400xf32, #tpu.memory_space<vmem>>, vector<16xf32>,
        tpu.vector_store %arg7[%parallel_loop3A_595], %parallel_loop3A_592 {strides = array<i32>} : memref<102400xf32, #tpu.memory_space<vmem>>, vector<16xf32>,
        %parallel_loop3A_597 = arith.constant 48 : i32
        %parallel_loop3A_598 = arith.addi %parallel_loop3A_570, %parallel_loop3A_597 : i32
        %parallel_loop3A_599 = arith.index_cast %parallel_loop3A_598 : i32 to index
        %parallel_loop3A_600 = tpu.vector_load %arg5[%parallel_loop3A_599] {strides = array<i32>} : memref<768xf32, #tpu.memory_space<vmem>>, vector<16xf32>,
        %parallel_loop3A_601 = arith.constant 48 : i32
        %parallel_loop3A_602 = arith.addi %parallel_loop3A_572, %parallel_loop3A_601 : i32
        %parallel_loop3A_603 = arith.index_cast %parallel_loop3A_602 : i32 to index
        %parallel_loop3A_604 = tpu.vector_load %arg7[%parallel_loop3A_603] {strides = array<i32>} : memref<102400xf32, #tpu.memory_space<vmem>>, vector<16xf32>,
        tpu.vector_store %arg7[%parallel_loop3A_603], %parallel_loop3A_600 {strides = array<i32>} : memref<102400xf32, #tpu.memory_space<vmem>>, vector<16xf32>,
        %parallel_loop3A_605 = arith.constant 64 : i32
        %parallel_loop3A_606 = arith.addi %parallel_loop3A_570, %parallel_loop3A_605 : i32
        %parallel_loop3A_607 = arith.index_cast %parallel_loop3A_606 : i32 to index
        %parallel_loop3A_608 = tpu.vector_load %arg5[%parallel_loop3A_607] {strides = array<i32>} : memref<768xf32, #tpu.memory_space<vmem>>, vector<16xf32>,
        %parallel_loop3A_609 = arith.constant 64 : i32
        %parallel_loop3A_610 = arith.addi %parallel_loop3A_572, %parallel_loop3A_609 : i32
        %parallel_loop3A_611 = arith.index_cast %parallel_loop3A_610 : i32 to index
        %parallel_loop3A_612 = tpu.vector_load %arg7[%parallel_loop3A_611] {strides = array<i32>} : memref<102400xf32, #tpu.memory_space<vmem>>, vector<16xf32>,
        tpu.vector_store %arg7[%parallel_loop3A_611], %parallel_loop3A_608 {strides = array<i32>} : memref<102400xf32, #tpu.memory_space<vmem>>, vector<16xf32>,
        %parallel_loop3A_613 = arith.constant 80 : i32
        %parallel_loop3A_614 = arith.addi %parallel_loop3A_570, %parallel_loop3A_613 : i32
        %parallel_loop3A_615 = arith.index_cast %parallel_loop3A_614 : i32 to index
        %parallel_loop3A_616 = tpu.vector_load %arg5[%parallel_loop3A_615] {strides = array<i32>} : memref<768xf32, #tpu.memory_space<vmem>>, vector<16xf32>,
        %parallel_loop3A_617 = arith.constant 80 : i32
        %parallel_loop3A_618 = arith.addi %parallel_loop3A_572, %parallel_loop3A_617 : i32
        %parallel_loop3A_619 = arith.index_cast %parallel_loop3A_618 : i32 to index
        %parallel_loop3A_620 = tpu.vector_load %arg7[%parallel_loop3A_619] {strides = array<i32>} : memref<102400xf32, #tpu.memory_space<vmem>>, vector<16xf32>,
        tpu.vector_store %arg7[%parallel_loop3A_619], %parallel_loop3A_616 {strides = array<i32>} : memref<102400xf32, #tpu.memory_space<vmem>>, vector<16xf32>,
        %parallel_loop3A_621 = arith.constant 96 : i32
        %parallel_loop3A_622 = arith.addi %parallel_loop3A_570, %parallel_loop3A_621 : i32
        %parallel_loop3A_623 = arith.index_cast %parallel_loop3A_622 : i32 to index
        %parallel_loop3A_624 = tpu.vector_load %arg5[%parallel_loop3A_623] {strides = array<i32>} : memref<768xf32, #tpu.memory_space<vmem>>, vector<16xf32>,
        %parallel_loop3A_625 = arith.constant 96 : i32
        %parallel_loop3A_626 = arith.addi %parallel_loop3A_572, %parallel_loop3A_625 : i32
        %parallel_loop3A_627 = arith.index_cast %parallel_loop3A_626 : i32 to index
        %parallel_loop3A_628 = tpu.vector_load %arg7[%parallel_loop3A_627] {strides = array<i32>} : memref<102400xf32, #tpu.memory_space<vmem>>, vector<16xf32>,
        tpu.vector_store %arg7[%parallel_loop3A_627], %parallel_loop3A_624 {strides = array<i32>} : memref<102400xf32, #tpu.memory_space<vmem>>, vector<16xf32>,
        %parallel_loop3A_629 = arith.constant 112 : i32
        %parallel_loop3A_630 = arith.addi %parallel_loop3A_570, %parallel_loop3A_629 : i32
        %parallel_loop3A_631 = arith.index_cast %parallel_loop3A_630 : i32 to index
        %parallel_loop3A_632 = tpu.vector_load %arg5[%parallel_loop3A_631] {strides = array<i32>} : memref<768xf32, #tpu.memory_space<vmem>>, vector<16xf32>,
        %parallel_loop3A_633 = arith.constant 112 : i32
        %parallel_loop3A_634 = arith.addi %parallel_loop3A_572, %parallel_loop3A_633 : i32
        %parallel_loop3A_635 = arith.index_cast %parallel_loop3A_634 : i32 to index
        %parallel_loop3A_636 = tpu.vector_load %arg7[%parallel_loop3A_635] {strides = array<i32>} : memref<102400xf32, #tpu.memory_space<vmem>>, vector<16xf32>,
        tpu.vector_store %arg7[%parallel_loop3A_635], %parallel_loop3A_632 {strides = array<i32>} : memref<102400xf32, #tpu.memory_space<vmem>>, vector<16xf32>,
        %parallel_loop3A_637 = vector.extract_strided_slice %parallel_loop3A_89 {offsets = [8], sizes = [1], strides = [1]} : vector<16xi32> to vector<1xi32>
        %parallel_loop3A_638 = vector.extract %parallel_loop3A_637[0] : i32 from vector<1xi32>
        %parallel_loop3A_639 = arith.constant 1024 : i32
        %parallel_loop3A_640 = arith.addi %parallel_loop3A_92, %parallel_loop3A_639 : i32
        %parallel_loop3A_641 = arith.constant 0 : i32
        %parallel_loop3A_642 = arith.addi %parallel_loop3A_638, %parallel_loop3A_641 : i32
        %parallel_loop3A_643 = arith.index_cast %parallel_loop3A_642 : i32 to index
        %parallel_loop3A_644 = tpu.vector_load %arg5[%parallel_loop3A_643] {strides = array<i32>} : memref<768xf32, #tpu.memory_space<vmem>>, vector<16xf32>,
        %parallel_loop3A_645 = arith.constant 0 : i32
        %parallel_loop3A_646 = arith.addi %parallel_loop3A_640, %parallel_loop3A_645 : i32
        %parallel_loop3A_647 = arith.index_cast %parallel_loop3A_646 : i32 to index
        %parallel_loop3A_648 = tpu.vector_load %arg7[%parallel_loop3A_647] {strides = array<i32>} : memref<102400xf32, #tpu.memory_space<vmem>>, vector<16xf32>,
        tpu.vector_store %arg7[%parallel_loop3A_647], %parallel_loop3A_644 {strides = array<i32>} : memref<102400xf32, #tpu.memory_space<vmem>>, vector<16xf32>,
        %parallel_loop3A_649 = arith.constant 16 : i32
        %parallel_loop3A_650 = arith.addi %parallel_loop3A_638, %parallel_loop3A_649 : i32
        %parallel_loop3A_651 = arith.index_cast %parallel_loop3A_650 : i32 to index
        %parallel_loop3A_652 = tpu.vector_load %arg5[%parallel_loop3A_651] {strides = array<i32>} : memref<768xf32, #tpu.memory_space<vmem>>, vector<16xf32>,
        %parallel_loop3A_653 = arith.constant 16 : i32
        %parallel_loop3A_654 = arith.addi %parallel_loop3A_640, %parallel_loop3A_653 : i32
        %parallel_loop3A_655 = arith.index_cast %parallel_loop3A_654 : i32 to index
        %parallel_loop3A_656 = tpu.vector_load %arg7[%parallel_loop3A_655] {strides = array<i32>} : memref<102400xf32, #tpu.memory_space<vmem>>, vector<16xf32>,
        tpu.vector_store %arg7[%parallel_loop3A_655], %parallel_loop3A_652 {strides = array<i32>} : memref<102400xf32, #tpu.memory_space<vmem>>, vector<16xf32>,
        %parallel_loop3A_657 = arith.constant 32 : i32
        %parallel_loop3A_658 = arith.addi %parallel_loop3A_638, %parallel_loop3A_657 : i32
        %parallel_loop3A_659 = arith.index_cast %parallel_loop3A_658 : i32 to index
        %parallel_loop3A_660 = tpu.vector_load %arg5[%parallel_loop3A_659] {strides = array<i32>} : memref<768xf32, #tpu.memory_space<vmem>>, vector<16xf32>,
        %parallel_loop3A_661 = arith.constant 32 : i32
        %parallel_loop3A_662 = arith.addi %parallel_loop3A_640, %parallel_loop3A_661 : i32
        %parallel_loop3A_663 = arith.index_cast %parallel_loop3A_662 : i32 to index
        %parallel_loop3A_664 = tpu.vector_load %arg7[%parallel_loop3A_663] {strides = array<i32>} : memref<102400xf32, #tpu.memory_space<vmem>>, vector<16xf32>,
        tpu.vector_store %arg7[%parallel_loop3A_663], %parallel_loop3A_660 {strides = array<i32>} : memref<102400xf32, #tpu.memory_space<vmem>>, vector<16xf32>,
        %parallel_loop3A_665 = arith.constant 48 : i32
        %parallel_loop3A_666 = arith.addi %parallel_loop3A_638, %parallel_loop3A_665 : i32
        %parallel_loop3A_667 = arith.index_cast %parallel_loop3A_666 : i32 to index
        %parallel_loop3A_668 = tpu.vector_load %arg5[%parallel_loop3A_667] {strides = array<i32>} : memref<768xf32, #tpu.memory_space<vmem>>, vector<16xf32>,
        %parallel_loop3A_669 = arith.constant 48 : i32
        %parallel_loop3A_670 = arith.addi %parallel_loop3A_640, %parallel_loop3A_669 : i32
        %parallel_loop3A_671 = arith.index_cast %parallel_loop3A_670 : i32 to index
        %parallel_loop3A_672 = tpu.vector_load %arg7[%parallel_loop3A_671] {strides = array<i32>} : memref<102400xf32, #tpu.memory_space<vmem>>, vector<16xf32>,
        tpu.vector_store %arg7[%parallel_loop3A_671], %parallel_loop3A_668 {strides = array<i32>} : memref<102400xf32, #tpu.memory_space<vmem>>, vector<16xf32>,
        %parallel_loop3A_673 = arith.constant 64 : i32
        %parallel_loop3A_674 = arith.addi %parallel_loop3A_638, %parallel_loop3A_673 : i32
        %parallel_loop3A_675 = arith.index_cast %parallel_loop3A_674 : i32 to index
        %parallel_loop3A_676 = tpu.vector_load %arg5[%parallel_loop3A_675] {strides = array<i32>} : memref<768xf32, #tpu.memory_space<vmem>>, vector<16xf32>,
        %parallel_loop3A_677 = arith.constant 64 : i32
        %parallel_loop3A_678 = arith.addi %parallel_loop3A_640, %parallel_loop3A_677 : i32
        %parallel_loop3A_679 = arith.index_cast %parallel_loop3A_678 : i32 to index
        %parallel_loop3A_680 = tpu.vector_load %arg7[%parallel_loop3A_679] {strides = array<i32>} : memref<102400xf32, #tpu.memory_space<vmem>>, vector<16xf32>,
        tpu.vector_store %arg7[%parallel_loop3A_679], %parallel_loop3A_676 {strides = array<i32>} : memref<102400xf32, #tpu.memory_space<vmem>>, vector<16xf32>,
        %parallel_loop3A_681 = arith.constant 80 : i32
        %parallel_loop3A_682 = arith.addi %parallel_loop3A_638, %parallel_loop3A_681 : i32
        %parallel_loop3A_683 = arith.index_cast %parallel_loop3A_682 : i32 to index
        %parallel_loop3A_684 = tpu.vector_load %arg5[%parallel_loop3A_683] {strides = array<i32>} : memref<768xf32, #tpu.memory_space<vmem>>, vector<16xf32>,
        %parallel_loop3A_685 = arith.constant 80 : i32
        %parallel_loop3A_686 = arith.addi %parallel_loop3A_640, %parallel_loop3A_685 : i32
        %parallel_loop3A_687 = arith.index_cast %parallel_loop3A_686 : i32 to index
        %parallel_loop3A_688 = tpu.vector_load %arg7[%parallel_loop3A_687] {strides = array<i32>} : memref<102400xf32, #tpu.memory_space<vmem>>, vector<16xf32>,
        tpu.vector_store %arg7[%parallel_loop3A_687], %parallel_loop3A_684 {strides = array<i32>} : memref<102400xf32, #tpu.memory_space<vmem>>, vector<16xf32>,
        %parallel_loop3A_689 = arith.constant 96 : i32
        %parallel_loop3A_690 = arith.addi %parallel_loop3A_638, %parallel_loop3A_689 : i32
        %parallel_loop3A_691 = arith.index_cast %parallel_loop3A_690 : i32 to index
        %parallel_loop3A_692 = tpu.vector_load %arg5[%parallel_loop3A_691] {strides = array<i32>} : memref<768xf32, #tpu.memory_space<vmem>>, vector<16xf32>,
        %parallel_loop3A_693 = arith.constant 96 : i32
        %parallel_loop3A_694 = arith.addi %parallel_loop3A_640, %parallel_loop3A_693 : i32
        %parallel_loop3A_695 = arith.index_cast %parallel_loop3A_694 : i32 to index
        %parallel_loop3A_696 = tpu.vector_load %arg7[%parallel_loop3A_695] {strides = array<i32>} : memref<102400xf32, #tpu.memory_space<vmem>>, vector<16xf32>,
        tpu.vector_store %arg7[%parallel_loop3A_695], %parallel_loop3A_692 {strides = array<i32>} : memref<102400xf32, #tpu.memory_space<vmem>>, vector<16xf32>,
        %parallel_loop3A_697 = arith.constant 112 : i32
        %parallel_loop3A_698 = arith.addi %parallel_loop3A_638, %parallel_loop3A_697 : i32
        %parallel_loop3A_699 = arith.index_cast %parallel_loop3A_698 : i32 to index
        %parallel_loop3A_700 = tpu.vector_load %arg5[%parallel_loop3A_699] {strides = array<i32>} : memref<768xf32, #tpu.memory_space<vmem>>, vector<16xf32>,
        %parallel_loop3A_701 = arith.constant 112 : i32
        %parallel_loop3A_702 = arith.addi %parallel_loop3A_640, %parallel_loop3A_701 : i32
        %parallel_loop3A_703 = arith.index_cast %parallel_loop3A_702 : i32 to index
        %parallel_loop3A_704 = tpu.vector_load %arg7[%parallel_loop3A_703] {strides = array<i32>} : memref<102400xf32, #tpu.memory_space<vmem>>, vector<16xf32>,
        tpu.vector_store %arg7[%parallel_loop3A_703], %parallel_loop3A_700 {strides = array<i32>} : memref<102400xf32, #tpu.memory_space<vmem>>, vector<16xf32>,
        %parallel_loop3A_705 = vector.extract_strided_slice %parallel_loop3A_89 {offsets = [9], sizes = [1], strides = [1]} : vector<16xi32> to vector<1xi32>
        %parallel_loop3A_706 = vector.extract %parallel_loop3A_705[0] : i32 from vector<1xi32>
        %parallel_loop3A_707 = arith.constant 1152 : i32
        %parallel_loop3A_708 = arith.addi %parallel_loop3A_92, %parallel_loop3A_707 : i32
        %parallel_loop3A_709 = arith.constant 0 : i32
        %parallel_loop3A_710 = arith.addi %parallel_loop3A_706, %parallel_loop3A_709 : i32
        %parallel_loop3A_711 = arith.index_cast %parallel_loop3A_710 : i32 to index
        %parallel_loop3A_712 = tpu.vector_load %arg5[%parallel_loop3A_711] {strides = array<i32>} : memref<768xf32, #tpu.memory_space<vmem>>, vector<16xf32>,
        %parallel_loop3A_713 = arith.constant 0 : i32
        %parallel_loop3A_714 = arith.addi %parallel_loop3A_708, %parallel_loop3A_713 : i32
        %parallel_loop3A_715 = arith.index_cast %parallel_loop3A_714 : i32 to index
        %parallel_loop3A_716 = tpu.vector_load %arg7[%parallel_loop3A_715] {strides = array<i32>} : memref<102400xf32, #tpu.memory_space<vmem>>, vector<16xf32>,
        tpu.vector_store %arg7[%parallel_loop3A_715], %parallel_loop3A_712 {strides = array<i32>} : memref<102400xf32, #tpu.memory_space<vmem>>, vector<16xf32>,
        %parallel_loop3A_717 = arith.constant 16 : i32
        %parallel_loop3A_718 = arith.addi %parallel_loop3A_706, %parallel_loop3A_717 : i32
        %parallel_loop3A_719 = arith.index_cast %parallel_loop3A_718 : i32 to index
        %parallel_loop3A_720 = tpu.vector_load %arg5[%parallel_loop3A_719] {strides = array<i32>} : memref<768xf32, #tpu.memory_space<vmem>>, vector<16xf32>,
        %parallel_loop3A_721 = arith.constant 16 : i32
        %parallel_loop3A_722 = arith.addi %parallel_loop3A_708, %parallel_loop3A_721 : i32
        %parallel_loop3A_723 = arith.index_cast %parallel_loop3A_722 : i32 to index
        %parallel_loop3A_724 = tpu.vector_load %arg7[%parallel_loop3A_723] {strides = array<i32>} : memref<102400xf32, #tpu.memory_space<vmem>>, vector<16xf32>,
        tpu.vector_store %arg7[%parallel_loop3A_723], %parallel_loop3A_720 {strides = array<i32>} : memref<102400xf32, #tpu.memory_space<vmem>>, vector<16xf32>,
        %parallel_loop3A_725 = arith.constant 32 : i32
        %parallel_loop3A_726 = arith.addi %parallel_loop3A_706, %parallel_loop3A_725 : i32
        %parallel_loop3A_727 = arith.index_cast %parallel_loop3A_726 : i32 to index
        %parallel_loop3A_728 = tpu.vector_load %arg5[%parallel_loop3A_727] {strides = array<i32>} : memref<768xf32, #tpu.memory_space<vmem>>, vector<16xf32>,
        %parallel_loop3A_729 = arith.constant 32 : i32
        %parallel_loop3A_730 = arith.addi %parallel_loop3A_708, %parallel_loop3A_729 : i32
        %parallel_loop3A_731 = arith.index_cast %parallel_loop3A_730 : i32 to index
        %parallel_loop3A_732 = tpu.vector_load %arg7[%parallel_loop3A_731] {strides = array<i32>} : memref<102400xf32, #tpu.memory_space<vmem>>, vector<16xf32>,
        tpu.vector_store %arg7[%parallel_loop3A_731], %parallel_loop3A_728 {strides = array<i32>} : memref<102400xf32, #tpu.memory_space<vmem>>, vector<16xf32>,
        %parallel_loop3A_733 = arith.constant 48 : i32
        %parallel_loop3A_734 = arith.addi %parallel_loop3A_706, %parallel_loop3A_733 : i32
        %parallel_loop3A_735 = arith.index_cast %parallel_loop3A_734 : i32 to index
        %parallel_loop3A_736 = tpu.vector_load %arg5[%parallel_loop3A_735] {strides = array<i32>} : memref<768xf32, #tpu.memory_space<vmem>>, vector<16xf32>,
        %parallel_loop3A_737 = arith.constant 48 : i32
        %parallel_loop3A_738 = arith.addi %parallel_loop3A_708, %parallel_loop3A_737 : i32
        %parallel_loop3A_739 = arith.index_cast %parallel_loop3A_738 : i32 to index
        %parallel_loop3A_740 = tpu.vector_load %arg7[%parallel_loop3A_739] {strides = array<i32>} : memref<102400xf32, #tpu.memory_space<vmem>>, vector<16xf32>,
        tpu.vector_store %arg7[%parallel_loop3A_739], %parallel_loop3A_736 {strides = array<i32>} : memref<102400xf32, #tpu.memory_space<vmem>>, vector<16xf32>,
        %parallel_loop3A_741 = arith.constant 64 : i32
        %parallel_loop3A_742 = arith.addi %parallel_loop3A_706, %parallel_loop3A_741 : i32
        %parallel_loop3A_743 = arith.index_cast %parallel_loop3A_742 : i32 to index
        %parallel_loop3A_744 = tpu.vector_load %arg5[%parallel_loop3A_743] {strides = array<i32>} : memref<768xf32, #tpu.memory_space<vmem>>, vector<16xf32>,
        %parallel_loop3A_745 = arith.constant 64 : i32
        %parallel_loop3A_746 = arith.addi %parallel_loop3A_708, %parallel_loop3A_745 : i32
        %parallel_loop3A_747 = arith.index_cast %parallel_loop3A_746 : i32 to index
        %parallel_loop3A_748 = tpu.vector_load %arg7[%parallel_loop3A_747] {strides = array<i32>} : memref<102400xf32, #tpu.memory_space<vmem>>, vector<16xf32>,
        tpu.vector_store %arg7[%parallel_loop3A_747], %parallel_loop3A_744 {strides = array<i32>} : memref<102400xf32, #tpu.memory_space<vmem>>, vector<16xf32>,
        %parallel_loop3A_749 = arith.constant 80 : i32
        %parallel_loop3A_750 = arith.addi %parallel_loop3A_706, %parallel_loop3A_749 : i32
        %parallel_loop3A_751 = arith.index_cast %parallel_loop3A_750 : i32 to index
        %parallel_loop3A_752 = tpu.vector_load %arg5[%parallel_loop3A_751] {strides = array<i32>} : memref<768xf32, #tpu.memory_space<vmem>>, vector<16xf32>,
        %parallel_loop3A_753 = arith.constant 80 : i32
        %parallel_loop3A_754 = arith.addi %parallel_loop3A_708, %parallel_loop3A_753 : i32
        %parallel_loop3A_755 = arith.index_cast %parallel_loop3A_754 : i32 to index
        %parallel_loop3A_756 = tpu.vector_load %arg7[%parallel_loop3A_755] {strides = array<i32>} : memref<102400xf32, #tpu.memory_space<vmem>>, vector<16xf32>,
        tpu.vector_store %arg7[%parallel_loop3A_755], %parallel_loop3A_752 {strides = array<i32>} : memref<102400xf32, #tpu.memory_space<vmem>>, vector<16xf32>,
        %parallel_loop3A_757 = arith.constant 96 : i32
        %parallel_loop3A_758 = arith.addi %parallel_loop3A_706, %parallel_loop3A_757 : i32
        %parallel_loop3A_759 = arith.index_cast %parallel_loop3A_758 : i32 to index
        %parallel_loop3A_760 = tpu.vector_load %arg5[%parallel_loop3A_759] {strides = array<i32>} : memref<768xf32, #tpu.memory_space<vmem>>, vector<16xf32>,
        %parallel_loop3A_761 = arith.constant 96 : i32
        %parallel_loop3A_762 = arith.addi %parallel_loop3A_708, %parallel_loop3A_761 : i32
        %parallel_loop3A_763 = arith.index_cast %parallel_loop3A_762 : i32 to index
        %parallel_loop3A_764 = tpu.vector_load %arg7[%parallel_loop3A_763] {strides = array<i32>} : memref<102400xf32, #tpu.memory_space<vmem>>, vector<16xf32>,
        tpu.vector_store %arg7[%parallel_loop3A_763], %parallel_loop3A_760 {strides = array<i32>} : memref<102400xf32, #tpu.memory_space<vmem>>, vector<16xf32>,
        %parallel_loop3A_765 = arith.constant 112 : i32
        %parallel_loop3A_766 = arith.addi %parallel_loop3A_706, %parallel_loop3A_765 : i32
        %parallel_loop3A_767 = arith.index_cast %parallel_loop3A_766 : i32 to index
        %parallel_loop3A_768 = tpu.vector_load %arg5[%parallel_loop3A_767] {strides = array<i32>} : memref<768xf32, #tpu.memory_space<vmem>>, vector<16xf32>,
        %parallel_loop3A_769 = arith.constant 112 : i32
        %parallel_loop3A_770 = arith.addi %parallel_loop3A_708, %parallel_loop3A_769 : i32
        %parallel_loop3A_771 = arith.index_cast %parallel_loop3A_770 : i32 to index
        %parallel_loop3A_772 = tpu.vector_load %arg7[%parallel_loop3A_771] {strides = array<i32>} : memref<102400xf32, #tpu.memory_space<vmem>>, vector<16xf32>,
        tpu.vector_store %arg7[%parallel_loop3A_771], %parallel_loop3A_768 {strides = array<i32>} : memref<102400xf32, #tpu.memory_space<vmem>>, vector<16xf32>,
        %parallel_loop3A_773 = vector.extract_strided_slice %parallel_loop3A_89 {offsets = [10], sizes = [1], strides = [1]} : vector<16xi32> to vector<1xi32>
        %parallel_loop3A_774 = vector.extract %parallel_loop3A_773[0] : i32 from vector<1xi32>
        %parallel_loop3A_775 = arith.constant 1280 : i32
        %parallel_loop3A_776 = arith.addi %parallel_loop3A_92, %parallel_loop3A_775 : i32
        %parallel_loop3A_777 = arith.constant 0 : i32
        %parallel_loop3A_778 = arith.addi %parallel_loop3A_774, %parallel_loop3A_777 : i32
        %parallel_loop3A_779 = arith.index_cast %parallel_loop3A_778 : i32 to index
        %parallel_loop3A_780 = tpu.vector_load %arg5[%parallel_loop3A_779] {strides = array<i32>} : memref<768xf32, #tpu.memory_space<vmem>>, vector<16xf32>,
        %parallel_loop3A_781 = arith.constant 0 : i32
        %parallel_loop3A_782 = arith.addi %parallel_loop3A_776, %parallel_loop3A_781 : i32
        %parallel_loop3A_783 = arith.index_cast %parallel_loop3A_782 : i32 to index
        %parallel_loop3A_784 = tpu.vector_load %arg7[%parallel_loop3A_783] {strides = array<i32>} : memref<102400xf32, #tpu.memory_space<vmem>>, vector<16xf32>,
        tpu.vector_store %arg7[%parallel_loop3A_783], %parallel_loop3A_780 {strides = array<i32>} : memref<102400xf32, #tpu.memory_space<vmem>>, vector<16xf32>,
        %parallel_loop3A_785 = arith.constant 16 : i32
        %parallel_loop3A_786 = arith.addi %parallel_loop3A_774, %parallel_loop3A_785 : i32
        %parallel_loop3A_787 = arith.index_cast %parallel_loop3A_786 : i32 to index
        %parallel_loop3A_788 = tpu.vector_load %arg5[%parallel_loop3A_787] {strides = array<i32>} : memref<768xf32, #tpu.memory_space<vmem>>, vector<16xf32>,
        %parallel_loop3A_789 = arith.constant 16 : i32
        %parallel_loop3A_790 = arith.addi %parallel_loop3A_776, %parallel_loop3A_789 : i32
        %parallel_loop3A_791 = arith.index_cast %parallel_loop3A_790 : i32 to index
        %parallel_loop3A_792 = tpu.vector_load %arg7[%parallel_loop3A_791] {strides = array<i32>} : memref<102400xf32, #tpu.memory_space<vmem>>, vector<16xf32>,
        tpu.vector_store %arg7[%parallel_loop3A_791], %parallel_loop3A_788 {strides = array<i32>} : memref<102400xf32, #tpu.memory_space<vmem>>, vector<16xf32>,
        %parallel_loop3A_793 = arith.constant 32 : i32
        %parallel_loop3A_794 = arith.addi %parallel_loop3A_774, %parallel_loop3A_793 : i32
        %parallel_loop3A_795 = arith.index_cast %parallel_loop3A_794 : i32 to index
        %parallel_loop3A_796 = tpu.vector_load %arg5[%parallel_loop3A_795] {strides = array<i32>} : memref<768xf32, #tpu.memory_space<vmem>>, vector<16xf32>,
        %parallel_loop3A_797 = arith.constant 32 : i32
        %parallel_loop3A_798 = arith.addi %parallel_loop3A_776, %parallel_loop3A_797 : i32
        %parallel_loop3A_799 = arith.index_cast %parallel_loop3A_798 : i32 to index
        %parallel_loop3A_800 = tpu.vector_load %arg7[%parallel_loop3A_799] {strides = array<i32>} : memref<102400xf32, #tpu.memory_space<vmem>>, vector<16xf32>,
        tpu.vector_store %arg7[%parallel_loop3A_799], %parallel_loop3A_796 {strides = array<i32>} : memref<102400xf32, #tpu.memory_space<vmem>>, vector<16xf32>,
        %parallel_loop3A_801 = arith.constant 48 : i32
        %parallel_loop3A_802 = arith.addi %parallel_loop3A_774, %parallel_loop3A_801 : i32
        %parallel_loop3A_803 = arith.index_cast %parallel_loop3A_802 : i32 to index
        %parallel_loop3A_804 = tpu.vector_load %arg5[%parallel_loop3A_803] {strides = array<i32>} : memref<768xf32, #tpu.memory_space<vmem>>, vector<16xf32>,
        %parallel_loop3A_805 = arith.constant 48 : i32
        %parallel_loop3A_806 = arith.addi %parallel_loop3A_776, %parallel_loop3A_805 : i32
        %parallel_loop3A_807 = arith.index_cast %parallel_loop3A_806 : i32 to index
        %parallel_loop3A_808 = tpu.vector_load %arg7[%parallel_loop3A_807] {strides = array<i32>} : memref<102400xf32, #tpu.memory_space<vmem>>, vector<16xf32>,
        tpu.vector_store %arg7[%parallel_loop3A_807], %parallel_loop3A_804 {strides = array<i32>} : memref<102400xf32, #tpu.memory_space<vmem>>, vector<16xf32>,
        %parallel_loop3A_809 = arith.constant 64 : i32
        %parallel_loop3A_810 = arith.addi %parallel_loop3A_774, %parallel_loop3A_809 : i32
        %parallel_loop3A_811 = arith.index_cast %parallel_loop3A_810 : i32 to index
        %parallel_loop3A_812 = tpu.vector_load %arg5[%parallel_loop3A_811] {strides = array<i32>} : memref<768xf32, #tpu.memory_space<vmem>>, vector<16xf32>,
        %parallel_loop3A_813 = arith.constant 64 : i32
        %parallel_loop3A_814 = arith.addi %parallel_loop3A_776, %parallel_loop3A_813 : i32
        %parallel_loop3A_815 = arith.index_cast %parallel_loop3A_814 : i32 to index
        %parallel_loop3A_816 = tpu.vector_load %arg7[%parallel_loop3A_815] {strides = array<i32>} : memref<102400xf32, #tpu.memory_space<vmem>>, vector<16xf32>,
        tpu.vector_store %arg7[%parallel_loop3A_815], %parallel_loop3A_812 {strides = array<i32>} : memref<102400xf32, #tpu.memory_space<vmem>>, vector<16xf32>,
        %parallel_loop3A_817 = arith.constant 80 : i32
        %parallel_loop3A_818 = arith.addi %parallel_loop3A_774, %parallel_loop3A_817 : i32
        %parallel_loop3A_819 = arith.index_cast %parallel_loop3A_818 : i32 to index
        %parallel_loop3A_820 = tpu.vector_load %arg5[%parallel_loop3A_819] {strides = array<i32>} : memref<768xf32, #tpu.memory_space<vmem>>, vector<16xf32>,
        %parallel_loop3A_821 = arith.constant 80 : i32
        %parallel_loop3A_822 = arith.addi %parallel_loop3A_776, %parallel_loop3A_821 : i32
        %parallel_loop3A_823 = arith.index_cast %parallel_loop3A_822 : i32 to index
        %parallel_loop3A_824 = tpu.vector_load %arg7[%parallel_loop3A_823] {strides = array<i32>} : memref<102400xf32, #tpu.memory_space<vmem>>, vector<16xf32>,
        tpu.vector_store %arg7[%parallel_loop3A_823], %parallel_loop3A_820 {strides = array<i32>} : memref<102400xf32, #tpu.memory_space<vmem>>, vector<16xf32>,
        %parallel_loop3A_825 = arith.constant 96 : i32
        %parallel_loop3A_826 = arith.addi %parallel_loop3A_774, %parallel_loop3A_825 : i32
        %parallel_loop3A_827 = arith.index_cast %parallel_loop3A_826 : i32 to index
        %parallel_loop3A_828 = tpu.vector_load %arg5[%parallel_loop3A_827] {strides = array<i32>} : memref<768xf32, #tpu.memory_space<vmem>>, vector<16xf32>,
        %parallel_loop3A_829 = arith.constant 96 : i32
        %parallel_loop3A_830 = arith.addi %parallel_loop3A_776, %parallel_loop3A_829 : i32
        %parallel_loop3A_831 = arith.index_cast %parallel_loop3A_830 : i32 to index
        %parallel_loop3A_832 = tpu.vector_load %arg7[%parallel_loop3A_831] {strides = array<i32>} : memref<102400xf32, #tpu.memory_space<vmem>>, vector<16xf32>,
        tpu.vector_store %arg7[%parallel_loop3A_831], %parallel_loop3A_828 {strides = array<i32>} : memref<102400xf32, #tpu.memory_space<vmem>>, vector<16xf32>,
        %parallel_loop3A_833 = arith.constant 112 : i32
        %parallel_loop3A_834 = arith.addi %parallel_loop3A_774, %parallel_loop3A_833 : i32
        %parallel_loop3A_835 = arith.index_cast %parallel_loop3A_834 : i32 to index
        %parallel_loop3A_836 = tpu.vector_load %arg5[%parallel_loop3A_835] {strides = array<i32>} : memref<768xf32, #tpu.memory_space<vmem>>, vector<16xf32>,
        %parallel_loop3A_837 = arith.constant 112 : i32
        %parallel_loop3A_838 = arith.addi %parallel_loop3A_776, %parallel_loop3A_837 : i32
        %parallel_loop3A_839 = arith.index_cast %parallel_loop3A_838 : i32 to index
        %parallel_loop3A_840 = tpu.vector_load %arg7[%parallel_loop3A_839] {strides = array<i32>} : memref<102400xf32, #tpu.memory_space<vmem>>, vector<16xf32>,
        tpu.vector_store %arg7[%parallel_loop3A_839], %parallel_loop3A_836 {strides = array<i32>} : memref<102400xf32, #tpu.memory_space<vmem>>, vector<16xf32>,
        %parallel_loop3A_841 = vector.extract_strided_slice %parallel_loop3A_89 {offsets = [11], sizes = [1], strides = [1]} : vector<16xi32> to vector<1xi32>
        %parallel_loop3A_842 = vector.extract %parallel_loop3A_841[0] : i32 from vector<1xi32>
        %parallel_loop3A_843 = arith.constant 1408 : i32
        %parallel_loop3A_844 = arith.addi %parallel_loop3A_92, %parallel_loop3A_843 : i32
        %parallel_loop3A_845 = arith.constant 0 : i32
        %parallel_loop3A_846 = arith.addi %parallel_loop3A_842, %parallel_loop3A_845 : i32
        %parallel_loop3A_847 = arith.index_cast %parallel_loop3A_846 : i32 to index
        %parallel_loop3A_848 = tpu.vector_load %arg5[%parallel_loop3A_847] {strides = array<i32>} : memref<768xf32, #tpu.memory_space<vmem>>, vector<16xf32>,
        %parallel_loop3A_849 = arith.constant 0 : i32
        %parallel_loop3A_850 = arith.addi %parallel_loop3A_844, %parallel_loop3A_849 : i32
        %parallel_loop3A_851 = arith.index_cast %parallel_loop3A_850 : i32 to index
        %parallel_loop3A_852 = tpu.vector_load %arg7[%parallel_loop3A_851] {strides = array<i32>} : memref<102400xf32, #tpu.memory_space<vmem>>, vector<16xf32>,
        tpu.vector_store %arg7[%parallel_loop3A_851], %parallel_loop3A_848 {strides = array<i32>} : memref<102400xf32, #tpu.memory_space<vmem>>, vector<16xf32>,
        %parallel_loop3A_853 = arith.constant 16 : i32
        %parallel_loop3A_854 = arith.addi %parallel_loop3A_842, %parallel_loop3A_853 : i32
        %parallel_loop3A_855 = arith.index_cast %parallel_loop3A_854 : i32 to index
        %parallel_loop3A_856 = tpu.vector_load %arg5[%parallel_loop3A_855] {strides = array<i32>} : memref<768xf32, #tpu.memory_space<vmem>>, vector<16xf32>,
        %parallel_loop3A_857 = arith.constant 16 : i32
        %parallel_loop3A_858 = arith.addi %parallel_loop3A_844, %parallel_loop3A_857 : i32
        %parallel_loop3A_859 = arith.index_cast %parallel_loop3A_858 : i32 to index
        %parallel_loop3A_860 = tpu.vector_load %arg7[%parallel_loop3A_859] {strides = array<i32>} : memref<102400xf32, #tpu.memory_space<vmem>>, vector<16xf32>,
        tpu.vector_store %arg7[%parallel_loop3A_859], %parallel_loop3A_856 {strides = array<i32>} : memref<102400xf32, #tpu.memory_space<vmem>>, vector<16xf32>,
        %parallel_loop3A_861 = arith.constant 32 : i32
        %parallel_loop3A_862 = arith.addi %parallel_loop3A_842, %parallel_loop3A_861 : i32
        %parallel_loop3A_863 = arith.index_cast %parallel_loop3A_862 : i32 to index
        %parallel_loop3A_864 = tpu.vector_load %arg5[%parallel_loop3A_863] {strides = array<i32>} : memref<768xf32, #tpu.memory_space<vmem>>, vector<16xf32>,
        %parallel_loop3A_865 = arith.constant 32 : i32
        %parallel_loop3A_866 = arith.addi %parallel_loop3A_844, %parallel_loop3A_865 : i32
        %parallel_loop3A_867 = arith.index_cast %parallel_loop3A_866 : i32 to index
        %parallel_loop3A_868 = tpu.vector_load %arg7[%parallel_loop3A_867] {strides = array<i32>} : memref<102400xf32, #tpu.memory_space<vmem>>, vector<16xf32>,
        tpu.vector_store %arg7[%parallel_loop3A_867], %parallel_loop3A_864 {strides = array<i32>} : memref<102400xf32, #tpu.memory_space<vmem>>, vector<16xf32>,
        %parallel_loop3A_869 = arith.constant 48 : i32
        %parallel_loop3A_870 = arith.addi %parallel_loop3A_842, %parallel_loop3A_869 : i32
        %parallel_loop3A_871 = arith.index_cast %parallel_loop3A_870 : i32 to index
        %parallel_loop3A_872 = tpu.vector_load %arg5[%parallel_loop3A_871] {strides = array<i32>} : memref<768xf32, #tpu.memory_space<vmem>>, vector<16xf32>,
        %parallel_loop3A_873 = arith.constant 48 : i32
        %parallel_loop3A_874 = arith.addi %parallel_loop3A_844, %parallel_loop3A_873 : i32
        %parallel_loop3A_875 = arith.index_cast %parallel_loop3A_874 : i32 to index
        %parallel_loop3A_876 = tpu.vector_load %arg7[%parallel_loop3A_875] {strides = array<i32>} : memref<102400xf32, #tpu.memory_space<vmem>>, vector<16xf32>,
        tpu.vector_store %arg7[%parallel_loop3A_875], %parallel_loop3A_872 {strides = array<i32>} : memref<102400xf32, #tpu.memory_space<vmem>>, vector<16xf32>,
        %parallel_loop3A_877 = arith.constant 64 : i32
        %parallel_loop3A_878 = arith.addi %parallel_loop3A_842, %parallel_loop3A_877 : i32
        %parallel_loop3A_879 = arith.index_cast %parallel_loop3A_878 : i32 to index
        %parallel_loop3A_880 = tpu.vector_load %arg5[%parallel_loop3A_879] {strides = array<i32>} : memref<768xf32, #tpu.memory_space<vmem>>, vector<16xf32>,
        %parallel_loop3A_881 = arith.constant 64 : i32
        %parallel_loop3A_882 = arith.addi %parallel_loop3A_844, %parallel_loop3A_881 : i32
        %parallel_loop3A_883 = arith.index_cast %parallel_loop3A_882 : i32 to index
        %parallel_loop3A_884 = tpu.vector_load %arg7[%parallel_loop3A_883] {strides = array<i32>} : memref<102400xf32, #tpu.memory_space<vmem>>, vector<16xf32>,
        tpu.vector_store %arg7[%parallel_loop3A_883], %parallel_loop3A_880 {strides = array<i32>} : memref<102400xf32, #tpu.memory_space<vmem>>, vector<16xf32>,
        %parallel_loop3A_885 = arith.constant 80 : i32
        %parallel_loop3A_886 = arith.addi %parallel_loop3A_842, %parallel_loop3A_885 : i32
        %parallel_loop3A_887 = arith.index_cast %parallel_loop3A_886 : i32 to index
        %parallel_loop3A_888 = tpu.vector_load %arg5[%parallel_loop3A_887] {strides = array<i32>} : memref<768xf32, #tpu.memory_space<vmem>>, vector<16xf32>,
        %parallel_loop3A_889 = arith.constant 80 : i32
        %parallel_loop3A_890 = arith.addi %parallel_loop3A_844, %parallel_loop3A_889 : i32
        %parallel_loop3A_891 = arith.index_cast %parallel_loop3A_890 : i32 to index
        %parallel_loop3A_892 = tpu.vector_load %arg7[%parallel_loop3A_891] {strides = array<i32>} : memref<102400xf32, #tpu.memory_space<vmem>>, vector<16xf32>,
        tpu.vector_store %arg7[%parallel_loop3A_891], %parallel_loop3A_888 {strides = array<i32>} : memref<102400xf32, #tpu.memory_space<vmem>>, vector<16xf32>,
        %parallel_loop3A_893 = arith.constant 96 : i32
        %parallel_loop3A_894 = arith.addi %parallel_loop3A_842, %parallel_loop3A_893 : i32
        %parallel_loop3A_895 = arith.index_cast %parallel_loop3A_894 : i32 to index
        %parallel_loop3A_896 = tpu.vector_load %arg5[%parallel_loop3A_895] {strides = array<i32>} : memref<768xf32, #tpu.memory_space<vmem>>, vector<16xf32>,
        %parallel_loop3A_897 = arith.constant 96 : i32
        %parallel_loop3A_898 = arith.addi %parallel_loop3A_844, %parallel_loop3A_897 : i32
        %parallel_loop3A_899 = arith.index_cast %parallel_loop3A_898 : i32 to index
        %parallel_loop3A_900 = tpu.vector_load %arg7[%parallel_loop3A_899] {strides = array<i32>} : memref<102400xf32, #tpu.memory_space<vmem>>, vector<16xf32>,
        tpu.vector_store %arg7[%parallel_loop3A_899], %parallel_loop3A_896 {strides = array<i32>} : memref<102400xf32, #tpu.memory_space<vmem>>, vector<16xf32>,
        %parallel_loop3A_901 = arith.constant 112 : i32
        %parallel_loop3A_902 = arith.addi %parallel_loop3A_842, %parallel_loop3A_901 : i32
        %parallel_loop3A_903 = arith.index_cast %parallel_loop3A_902 : i32 to index
        %parallel_loop3A_904 = tpu.vector_load %arg5[%parallel_loop3A_903] {strides = array<i32>} : memref<768xf32, #tpu.memory_space<vmem>>, vector<16xf32>,
        %parallel_loop3A_905 = arith.constant 112 : i32
        %parallel_loop3A_906 = arith.addi %parallel_loop3A_844, %parallel_loop3A_905 : i32
        %parallel_loop3A_907 = arith.index_cast %parallel_loop3A_906 : i32 to index
        %parallel_loop3A_908 = tpu.vector_load %arg7[%parallel_loop3A_907] {strides = array<i32>} : memref<102400xf32, #tpu.memory_space<vmem>>, vector<16xf32>,
        tpu.vector_store %arg7[%parallel_loop3A_907], %parallel_loop3A_904 {strides = array<i32>} : memref<102400xf32, #tpu.memory_space<vmem>>, vector<16xf32>,
        %parallel_loop3A_909 = vector.extract_strided_slice %parallel_loop3A_89 {offsets = [12], sizes = [1], strides = [1]} : vector<16xi32> to vector<1xi32>
        %parallel_loop3A_910 = vector.extract %parallel_loop3A_909[0] : i32 from vector<1xi32>
        %parallel_loop3A_911 = arith.constant 1536 : i32
        %parallel_loop3A_912 = arith.addi %parallel_loop3A_92, %parallel_loop3A_911 : i32
        %parallel_loop3A_913 = arith.constant 0 : i32
        %parallel_loop3A_914 = arith.addi %parallel_loop3A_910, %parallel_loop3A_913 : i32
        %parallel_loop3A_915 = arith.index_cast %parallel_loop3A_914 : i32 to index
        %parallel_loop3A_916 = tpu.vector_load %arg5[%parallel_loop3A_915] {strides = array<i32>} : memref<768xf32, #tpu.memory_space<vmem>>, vector<16xf32>,
        %parallel_loop3A_917 = arith.constant 0 : i32
        %parallel_loop3A_918 = arith.addi %parallel_loop3A_912, %parallel_loop3A_917 : i32
        %parallel_loop3A_919 = arith.index_cast %parallel_loop3A_918 : i32 to index
        %parallel_loop3A_920 = tpu.vector_load %arg7[%parallel_loop3A_919] {strides = array<i32>} : memref<102400xf32, #tpu.memory_space<vmem>>, vector<16xf32>,
        tpu.vector_store %arg7[%parallel_loop3A_919], %parallel_loop3A_916 {strides = array<i32>} : memref<102400xf32, #tpu.memory_space<vmem>>, vector<16xf32>,
        %parallel_loop3A_921 = arith.constant 16 : i32
        %parallel_loop3A_922 = arith.addi %parallel_loop3A_910, %parallel_loop3A_921 : i32
        %parallel_loop3A_923 = arith.index_cast %parallel_loop3A_922 : i32 to index
        %parallel_loop3A_924 = tpu.vector_load %arg5[%parallel_loop3A_923] {strides = array<i32>} : memref<768xf32, #tpu.memory_space<vmem>>, vector<16xf32>,
        %parallel_loop3A_925 = arith.constant 16 : i32
        %parallel_loop3A_926 = arith.addi %parallel_loop3A_912, %parallel_loop3A_925 : i32
        %parallel_loop3A_927 = arith.index_cast %parallel_loop3A_926 : i32 to index
        %parallel_loop3A_928 = tpu.vector_load %arg7[%parallel_loop3A_927] {strides = array<i32>} : memref<102400xf32, #tpu.memory_space<vmem>>, vector<16xf32>,
        tpu.vector_store %arg7[%parallel_loop3A_927], %parallel_loop3A_924 {strides = array<i32>} : memref<102400xf32, #tpu.memory_space<vmem>>, vector<16xf32>,
        %parallel_loop3A_929 = arith.constant 32 : i32
        %parallel_loop3A_930 = arith.addi %parallel_loop3A_910, %parallel_loop3A_929 : i32
        %parallel_loop3A_931 = arith.index_cast %parallel_loop3A_930 : i32 to index
        %parallel_loop3A_932 = tpu.vector_load %arg5[%parallel_loop3A_931] {strides = array<i32>} : memref<768xf32, #tpu.memory_space<vmem>>, vector<16xf32>,
        %parallel_loop3A_933 = arith.constant 32 : i32
        %parallel_loop3A_934 = arith.addi %parallel_loop3A_912, %parallel_loop3A_933 : i32
        %parallel_loop3A_935 = arith.index_cast %parallel_loop3A_934 : i32 to index
        %parallel_loop3A_936 = tpu.vector_load %arg7[%parallel_loop3A_935] {strides = array<i32>} : memref<102400xf32, #tpu.memory_space<vmem>>, vector<16xf32>,
        tpu.vector_store %arg7[%parallel_loop3A_935], %parallel_loop3A_932 {strides = array<i32>} : memref<102400xf32, #tpu.memory_space<vmem>>, vector<16xf32>,
        %parallel_loop3A_937 = arith.constant 48 : i32
        %parallel_loop3A_938 = arith.addi %parallel_loop3A_910, %parallel_loop3A_937 : i32
        %parallel_loop3A_939 = arith.index_cast %parallel_loop3A_938 : i32 to index
        %parallel_loop3A_940 = tpu.vector_load %arg5[%parallel_loop3A_939] {strides = array<i32>} : memref<768xf32, #tpu.memory_space<vmem>>, vector<16xf32>,
        %parallel_loop3A_941 = arith.constant 48 : i32
        %parallel_loop3A_942 = arith.addi %parallel_loop3A_912, %parallel_loop3A_941 : i32
        %parallel_loop3A_943 = arith.index_cast %parallel_loop3A_942 : i32 to index
        %parallel_loop3A_944 = tpu.vector_load %arg7[%parallel_loop3A_943] {strides = array<i32>} : memref<102400xf32, #tpu.memory_space<vmem>>, vector<16xf32>,
        tpu.vector_store %arg7[%parallel_loop3A_943], %parallel_loop3A_940 {strides = array<i32>} : memref<102400xf32, #tpu.memory_space<vmem>>, vector<16xf32>,
        %parallel_loop3A_945 = arith.constant 64 : i32
        %parallel_loop3A_946 = arith.addi %parallel_loop3A_910, %parallel_loop3A_945 : i32
        %parallel_loop3A_947 = arith.index_cast %parallel_loop3A_946 : i32 to index
        %parallel_loop3A_948 = tpu.vector_load %arg5[%parallel_loop3A_947] {strides = array<i32>} : memref<768xf32, #tpu.memory_space<vmem>>, vector<16xf32>,
        %parallel_loop3A_949 = arith.constant 64 : i32
        %parallel_loop3A_950 = arith.addi %parallel_loop3A_912, %parallel_loop3A_949 : i32
        %parallel_loop3A_951 = arith.index_cast %parallel_loop3A_950 : i32 to index
        %parallel_loop3A_952 = tpu.vector_load %arg7[%parallel_loop3A_951] {strides = array<i32>} : memref<102400xf32, #tpu.memory_space<vmem>>, vector<16xf32>,
        tpu.vector_store %arg7[%parallel_loop3A_951], %parallel_loop3A_948 {strides = array<i32>} : memref<102400xf32, #tpu.memory_space<vmem>>, vector<16xf32>,
        %parallel_loop3A_953 = arith.constant 80 : i32
        %parallel_loop3A_954 = arith.addi %parallel_loop3A_910, %parallel_loop3A_953 : i32
        %parallel_loop3A_955 = arith.index_cast %parallel_loop3A_954 : i32 to index
        %parallel_loop3A_956 = tpu.vector_load %arg5[%parallel_loop3A_955] {strides = array<i32>} : memref<768xf32, #tpu.memory_space<vmem>>, vector<16xf32>,
        %parallel_loop3A_957 = arith.constant 80 : i32
        %parallel_loop3A_958 = arith.addi %parallel_loop3A_912, %parallel_loop3A_957 : i32
        %parallel_loop3A_959 = arith.index_cast %parallel_loop3A_958 : i32 to index
        %parallel_loop3A_960 = tpu.vector_load %arg7[%parallel_loop3A_959] {strides = array<i32>} : memref<102400xf32, #tpu.memory_space<vmem>>, vector<16xf32>,
        tpu.vector_store %arg7[%parallel_loop3A_959], %parallel_loop3A_956 {strides = array<i32>} : memref<102400xf32, #tpu.memory_space<vmem>>, vector<16xf32>,
        %parallel_loop3A_961 = arith.constant 96 : i32
        %parallel_loop3A_962 = arith.addi %parallel_loop3A_910, %parallel_loop3A_961 : i32
        %parallel_loop3A_963 = arith.index_cast %parallel_loop3A_962 : i32 to index
        %parallel_loop3A_964 = tpu.vector_load %arg5[%parallel_loop3A_963] {strides = array<i32>} : memref<768xf32, #tpu.memory_space<vmem>>, vector<16xf32>,
        %parallel_loop3A_965 = arith.constant 96 : i32
        %parallel_loop3A_966 = arith.addi %parallel_loop3A_912, %parallel_loop3A_965 : i32
        %parallel_loop3A_967 = arith.index_cast %parallel_loop3A_966 : i32 to index
        %parallel_loop3A_968 = tpu.vector_load %arg7[%parallel_loop3A_967] {strides = array<i32>} : memref<102400xf32, #tpu.memory_space<vmem>>, vector<16xf32>,
        tpu.vector_store %arg7[%parallel_loop3A_967], %parallel_loop3A_964 {strides = array<i32>} : memref<102400xf32, #tpu.memory_space<vmem>>, vector<16xf32>,
        %parallel_loop3A_969 = arith.constant 112 : i32
        %parallel_loop3A_970 = arith.addi %parallel_loop3A_910, %parallel_loop3A_969 : i32
        %parallel_loop3A_971 = arith.index_cast %parallel_loop3A_970 : i32 to index
        %parallel_loop3A_972 = tpu.vector_load %arg5[%parallel_loop3A_971] {strides = array<i32>} : memref<768xf32, #tpu.memory_space<vmem>>, vector<16xf32>,
        %parallel_loop3A_973 = arith.constant 112 : i32
        %parallel_loop3A_974 = arith.addi %parallel_loop3A_912, %parallel_loop3A_973 : i32
        %parallel_loop3A_975 = arith.index_cast %parallel_loop3A_974 : i32 to index
        %parallel_loop3A_976 = tpu.vector_load %arg7[%parallel_loop3A_975] {strides = array<i32>} : memref<102400xf32, #tpu.memory_space<vmem>>, vector<16xf32>,
        tpu.vector_store %arg7[%parallel_loop3A_975], %parallel_loop3A_972 {strides = array<i32>} : memref<102400xf32, #tpu.memory_space<vmem>>, vector<16xf32>,
        %parallel_loop3A_977 = vector.extract_strided_slice %parallel_loop3A_89 {offsets = [13], sizes = [1], strides = [1]} : vector<16xi32> to vector<1xi32>
        %parallel_loop3A_978 = vector.extract %parallel_loop3A_977[0] : i32 from vector<1xi32>
        %parallel_loop3A_979 = arith.constant 1664 : i32
        %parallel_loop3A_980 = arith.addi %parallel_loop3A_92, %parallel_loop3A_979 : i32
        %parallel_loop3A_981 = arith.constant 0 : i32
        %parallel_loop3A_982 = arith.addi %parallel_loop3A_978, %parallel_loop3A_981 : i32
        %parallel_loop3A_983 = arith.index_cast %parallel_loop3A_982 : i32 to index
        %parallel_loop3A_984 = tpu.vector_load %arg5[%parallel_loop3A_983] {strides = array<i32>} : memref<768xf32, #tpu.memory_space<vmem>>, vector<16xf32>,
        %parallel_loop3A_985 = arith.constant 0 : i32
        %parallel_loop3A_986 = arith.addi %parallel_loop3A_980, %parallel_loop3A_985 : i32
        %parallel_loop3A_987 = arith.index_cast %parallel_loop3A_986 : i32 to index
        %parallel_loop3A_988 = tpu.vector_load %arg7[%parallel_loop3A_987] {strides = array<i32>} : memref<102400xf32, #tpu.memory_space<vmem>>, vector<16xf32>,
        tpu.vector_store %arg7[%parallel_loop3A_987], %parallel_loop3A_984 {strides = array<i32>} : memref<102400xf32, #tpu.memory_space<vmem>>, vector<16xf32>,
        %parallel_loop3A_989 = arith.constant 16 : i32
        %parallel_loop3A_990 = arith.addi %parallel_loop3A_978, %parallel_loop3A_989 : i32
        %parallel_loop3A_991 = arith.index_cast %parallel_loop3A_990 : i32 to index
        %parallel_loop3A_992 = tpu.vector_load %arg5[%parallel_loop3A_991] {strides = array<i32>} : memref<768xf32, #tpu.memory_space<vmem>>, vector<16xf32>,
        %parallel_loop3A_993 = arith.constant 16 : i32
        %parallel_loop3A_994 = arith.addi %parallel_loop3A_980, %parallel_loop3A_993 : i32
        %parallel_loop3A_995 = arith.index_cast %parallel_loop3A_994 : i32 to index
        %parallel_loop3A_996 = tpu.vector_load %arg7[%parallel_loop3A_995] {strides = array<i32>} : memref<102400xf32, #tpu.memory_space<vmem>>, vector<16xf32>,
        tpu.vector_store %arg7[%parallel_loop3A_995], %parallel_loop3A_992 {strides = array<i32>} : memref<102400xf32, #tpu.memory_space<vmem>>, vector<16xf32>,
        %parallel_loop3A_997 = arith.constant 32 : i32
        %parallel_loop3A_998 = arith.addi %parallel_loop3A_978, %parallel_loop3A_997 : i32
        %parallel_loop3A_999 = arith.index_cast %parallel_loop3A_998 : i32 to index
        %parallel_loop3A_1000 = tpu.vector_load %arg5[%parallel_loop3A_999] {strides = array<i32>} : memref<768xf32, #tpu.memory_space<vmem>>, vector<16xf32>,
        %parallel_loop3A_1001 = arith.constant 32 : i32
        %parallel_loop3A_1002 = arith.addi %parallel_loop3A_980, %parallel_loop3A_1001 : i32
        %parallel_loop3A_1003 = arith.index_cast %parallel_loop3A_1002 : i32 to index
        %parallel_loop3A_1004 = tpu.vector_load %arg7[%parallel_loop3A_1003] {strides = array<i32>} : memref<102400xf32, #tpu.memory_space<vmem>>, vector<16xf32>,
        tpu.vector_store %arg7[%parallel_loop3A_1003], %parallel_loop3A_1000 {strides = array<i32>} : memref<102400xf32, #tpu.memory_space<vmem>>, vector<16xf32>,
        %parallel_loop3A_1005 = arith.constant 48 : i32
        %parallel_loop3A_1006 = arith.addi %parallel_loop3A_978, %parallel_loop3A_1005 : i32
        %parallel_loop3A_1007 = arith.index_cast %parallel_loop3A_1006 : i32 to index
        %parallel_loop3A_1008 = tpu.vector_load %arg5[%parallel_loop3A_1007] {strides = array<i32>} : memref<768xf32, #tpu.memory_space<vmem>>, vector<16xf32>,
        %parallel_loop3A_1009 = arith.constant 48 : i32
        %parallel_loop3A_1010 = arith.addi %parallel_loop3A_980, %parallel_loop3A_1009 : i32
        %parallel_loop3A_1011 = arith.index_cast %parallel_loop3A_1010 : i32 to index
        %parallel_loop3A_1012 = tpu.vector_load %arg7[%parallel_loop3A_1011] {strides = array<i32>} : memref<102400xf32, #tpu.memory_space<vmem>>, vector<16xf32>,
        tpu.vector_store %arg7[%parallel_loop3A_1011], %parallel_loop3A_1008 {strides = array<i32>} : memref<102400xf32, #tpu.memory_space<vmem>>, vector<16xf32>,
        %parallel_loop3A_1013 = arith.constant 64 : i32
        %parallel_loop3A_1014 = arith.addi %parallel_loop3A_978, %parallel_loop3A_1013 : i32
        %parallel_loop3A_1015 = arith.index_cast %parallel_loop3A_1014 : i32 to index
        %parallel_loop3A_1016 = tpu.vector_load %arg5[%parallel_loop3A_1015] {strides = array<i32>} : memref<768xf32, #tpu.memory_space<vmem>>, vector<16xf32>,
        %parallel_loop3A_1017 = arith.constant 64 : i32
        %parallel_loop3A_1018 = arith.addi %parallel_loop3A_980, %parallel_loop3A_1017 : i32
        %parallel_loop3A_1019 = arith.index_cast %parallel_loop3A_1018 : i32 to index
        %parallel_loop3A_1020 = tpu.vector_load %arg7[%parallel_loop3A_1019] {strides = array<i32>} : memref<102400xf32, #tpu.memory_space<vmem>>, vector<16xf32>,
        tpu.vector_store %arg7[%parallel_loop3A_1019], %parallel_loop3A_1016 {strides = array<i32>} : memref<102400xf32, #tpu.memory_space<vmem>>, vector<16xf32>,
        %parallel_loop3A_1021 = arith.constant 80 : i32
        %parallel_loop3A_1022 = arith.addi %parallel_loop3A_978, %parallel_loop3A_1021 : i32
        %parallel_loop3A_1023 = arith.index_cast %parallel_loop3A_1022 : i32 to index
        %parallel_loop3A_1024 = tpu.vector_load %arg5[%parallel_loop3A_1023] {strides = array<i32>} : memref<768xf32, #tpu.memory_space<vmem>>, vector<16xf32>,
        %parallel_loop3A_1025 = arith.constant 80 : i32
        %parallel_loop3A_1026 = arith.addi %parallel_loop3A_980, %parallel_loop3A_1025 : i32
        %parallel_loop3A_1027 = arith.index_cast %parallel_loop3A_1026 : i32 to index
        %parallel_loop3A_1028 = tpu.vector_load %arg7[%parallel_loop3A_1027] {strides = array<i32>} : memref<102400xf32, #tpu.memory_space<vmem>>, vector<16xf32>,
        tpu.vector_store %arg7[%parallel_loop3A_1027], %parallel_loop3A_1024 {strides = array<i32>} : memref<102400xf32, #tpu.memory_space<vmem>>, vector<16xf32>,
        %parallel_loop3A_1029 = arith.constant 96 : i32
        %parallel_loop3A_1030 = arith.addi %parallel_loop3A_978, %parallel_loop3A_1029 : i32
        %parallel_loop3A_1031 = arith.index_cast %parallel_loop3A_1030 : i32 to index
        %parallel_loop3A_1032 = tpu.vector_load %arg5[%parallel_loop3A_1031] {strides = array<i32>} : memref<768xf32, #tpu.memory_space<vmem>>, vector<16xf32>,
        %parallel_loop3A_1033 = arith.constant 96 : i32
        %parallel_loop3A_1034 = arith.addi %parallel_loop3A_980, %parallel_loop3A_1033 : i32
        %parallel_loop3A_1035 = arith.index_cast %parallel_loop3A_1034 : i32 to index
        %parallel_loop3A_1036 = tpu.vector_load %arg7[%parallel_loop3A_1035] {strides = array<i32>} : memref<102400xf32, #tpu.memory_space<vmem>>, vector<16xf32>,
        tpu.vector_store %arg7[%parallel_loop3A_1035], %parallel_loop3A_1032 {strides = array<i32>} : memref<102400xf32, #tpu.memory_space<vmem>>, vector<16xf32>,
        %parallel_loop3A_1037 = arith.constant 112 : i32
        %parallel_loop3A_1038 = arith.addi %parallel_loop3A_978, %parallel_loop3A_1037 : i32
        %parallel_loop3A_1039 = arith.index_cast %parallel_loop3A_1038 : i32 to index
        %parallel_loop3A_1040 = tpu.vector_load %arg5[%parallel_loop3A_1039] {strides = array<i32>} : memref<768xf32, #tpu.memory_space<vmem>>, vector<16xf32>,
        %parallel_loop3A_1041 = arith.constant 112 : i32
        %parallel_loop3A_1042 = arith.addi %parallel_loop3A_980, %parallel_loop3A_1041 : i32
        %parallel_loop3A_1043 = arith.index_cast %parallel_loop3A_1042 : i32 to index
        %parallel_loop3A_1044 = tpu.vector_load %arg7[%parallel_loop3A_1043] {strides = array<i32>} : memref<102400xf32, #tpu.memory_space<vmem>>, vector<16xf32>,
        tpu.vector_store %arg7[%parallel_loop3A_1043], %parallel_loop3A_1040 {strides = array<i32>} : memref<102400xf32, #tpu.memory_space<vmem>>, vector<16xf32>,
        %parallel_loop3A_1045 = vector.extract_strided_slice %parallel_loop3A_89 {offsets = [14], sizes = [1], strides = [1]} : vector<16xi32> to vector<1xi32>
        %parallel_loop3A_1046 = vector.extract %parallel_loop3A_1045[0] : i32 from vector<1xi32>
        %parallel_loop3A_1047 = arith.constant 1792 : i32
        %parallel_loop3A_1048 = arith.addi %parallel_loop3A_92, %parallel_loop3A_1047 : i32
        %parallel_loop3A_1049 = arith.constant 0 : i32
        %parallel_loop3A_1050 = arith.addi %parallel_loop3A_1046, %parallel_loop3A_1049 : i32
        %parallel_loop3A_1051 = arith.index_cast %parallel_loop3A_1050 : i32 to index
        %parallel_loop3A_1052 = tpu.vector_load %arg5[%parallel_loop3A_1051] {strides = array<i32>} : memref<768xf32, #tpu.memory_space<vmem>>, vector<16xf32>,
        %parallel_loop3A_1053 = arith.constant 0 : i32
        %parallel_loop3A_1054 = arith.addi %parallel_loop3A_1048, %parallel_loop3A_1053 : i32
        %parallel_loop3A_1055 = arith.index_cast %parallel_loop3A_1054 : i32 to index
        %parallel_loop3A_1056 = tpu.vector_load %arg7[%parallel_loop3A_1055] {strides = array<i32>} : memref<102400xf32, #tpu.memory_space<vmem>>, vector<16xf32>,
        tpu.vector_store %arg7[%parallel_loop3A_1055], %parallel_loop3A_1052 {strides = array<i32>} : memref<102400xf32, #tpu.memory_space<vmem>>, vector<16xf32>,
        %parallel_loop3A_1057 = arith.constant 16 : i32
        %parallel_loop3A_1058 = arith.addi %parallel_loop3A_1046, %parallel_loop3A_1057 : i32
        %parallel_loop3A_1059 = arith.index_cast %parallel_loop3A_1058 : i32 to index
        %parallel_loop3A_1060 = tpu.vector_load %arg5[%parallel_loop3A_1059] {strides = array<i32>} : memref<768xf32, #tpu.memory_space<vmem>>, vector<16xf32>,
        %parallel_loop3A_1061 = arith.constant 16 : i32
        %parallel_loop3A_1062 = arith.addi %parallel_loop3A_1048, %parallel_loop3A_1061 : i32
        %parallel_loop3A_1063 = arith.index_cast %parallel_loop3A_1062 : i32 to index
        %parallel_loop3A_1064 = tpu.vector_load %arg7[%parallel_loop3A_1063] {strides = array<i32>} : memref<102400xf32, #tpu.memory_space<vmem>>, vector<16xf32>,
        tpu.vector_store %arg7[%parallel_loop3A_1063], %parallel_loop3A_1060 {strides = array<i32>} : memref<102400xf32, #tpu.memory_space<vmem>>, vector<16xf32>,
        %parallel_loop3A_1065 = arith.constant 32 : i32
        %parallel_loop3A_1066 = arith.addi %parallel_loop3A_1046, %parallel_loop3A_1065 : i32
        %parallel_loop3A_1067 = arith.index_cast %parallel_loop3A_1066 : i32 to index
        %parallel_loop3A_1068 = tpu.vector_load %arg5[%parallel_loop3A_1067] {strides = array<i32>} : memref<768xf32, #tpu.memory_space<vmem>>, vector<16xf32>,
        %parallel_loop3A_1069 = arith.constant 32 : i32
        %parallel_loop3A_1070 = arith.addi %parallel_loop3A_1048, %parallel_loop3A_1069 : i32
        %parallel_loop3A_1071 = arith.index_cast %parallel_loop3A_1070 : i32 to index
        %parallel_loop3A_1072 = tpu.vector_load %arg7[%parallel_loop3A_1071] {strides = array<i32>} : memref<102400xf32, #tpu.memory_space<vmem>>, vector<16xf32>,
        tpu.vector_store %arg7[%parallel_loop3A_1071], %parallel_loop3A_1068 {strides = array<i32>} : memref<102400xf32, #tpu.memory_space<vmem>>, vector<16xf32>,
        %parallel_loop3A_1073 = arith.constant 48 : i32
        %parallel_loop3A_1074 = arith.addi %parallel_loop3A_1046, %parallel_loop3A_1073 : i32
        %parallel_loop3A_1075 = arith.index_cast %parallel_loop3A_1074 : i32 to index
        %parallel_loop3A_1076 = tpu.vector_load %arg5[%parallel_loop3A_1075] {strides = array<i32>} : memref<768xf32, #tpu.memory_space<vmem>>, vector<16xf32>,
        %parallel_loop3A_1077 = arith.constant 48 : i32
        %parallel_loop3A_1078 = arith.addi %parallel_loop3A_1048, %parallel_loop3A_1077 : i32
        %parallel_loop3A_1079 = arith.index_cast %parallel_loop3A_1078 : i32 to index
        %parallel_loop3A_1080 = tpu.vector_load %arg7[%parallel_loop3A_1079] {strides = array<i32>} : memref<102400xf32, #tpu.memory_space<vmem>>, vector<16xf32>,
        tpu.vector_store %arg7[%parallel_loop3A_1079], %parallel_loop3A_1076 {strides = array<i32>} : memref<102400xf32, #tpu.memory_space<vmem>>, vector<16xf32>,
        %parallel_loop3A_1081 = arith.constant 64 : i32
        %parallel_loop3A_1082 = arith.addi %parallel_loop3A_1046, %parallel_loop3A_1081 : i32
        %parallel_loop3A_1083 = arith.index_cast %parallel_loop3A_1082 : i32 to index
        %parallel_loop3A_1084 = tpu.vector_load %arg5[%parallel_loop3A_1083] {strides = array<i32>} : memref<768xf32, #tpu.memory_space<vmem>>, vector<16xf32>,
        %parallel_loop3A_1085 = arith.constant 64 : i32
        %parallel_loop3A_1086 = arith.addi %parallel_loop3A_1048, %parallel_loop3A_1085 : i32
        %parallel_loop3A_1087 = arith.index_cast %parallel_loop3A_1086 : i32 to index
        %parallel_loop3A_1088 = tpu.vector_load %arg7[%parallel_loop3A_1087] {strides = array<i32>} : memref<102400xf32, #tpu.memory_space<vmem>>, vector<16xf32>,
        tpu.vector_store %arg7[%parallel_loop3A_1087], %parallel_loop3A_1084 {strides = array<i32>} : memref<102400xf32, #tpu.memory_space<vmem>>, vector<16xf32>,
        %parallel_loop3A_1089 = arith.constant 80 : i32
        %parallel_loop3A_1090 = arith.addi %parallel_loop3A_1046, %parallel_loop3A_1089 : i32
        %parallel_loop3A_1091 = arith.index_cast %parallel_loop3A_1090 : i32 to index
        %parallel_loop3A_1092 = tpu.vector_load %arg5[%parallel_loop3A_1091] {strides = array<i32>} : memref<768xf32, #tpu.memory_space<vmem>>, vector<16xf32>,
        %parallel_loop3A_1093 = arith.constant 80 : i32
        %parallel_loop3A_1094 = arith.addi %parallel_loop3A_1048, %parallel_loop3A_1093 : i32
        %parallel_loop3A_1095 = arith.index_cast %parallel_loop3A_1094 : i32 to index
        %parallel_loop3A_1096 = tpu.vector_load %arg7[%parallel_loop3A_1095] {strides = array<i32>} : memref<102400xf32, #tpu.memory_space<vmem>>, vector<16xf32>,
        tpu.vector_store %arg7[%parallel_loop3A_1095], %parallel_loop3A_1092 {strides = array<i32>} : memref<102400xf32, #tpu.memory_space<vmem>>, vector<16xf32>,
        %parallel_loop3A_1097 = arith.constant 96 : i32
        %parallel_loop3A_1098 = arith.addi %parallel_loop3A_1046, %parallel_loop3A_1097 : i32
        %parallel_loop3A_1099 = arith.index_cast %parallel_loop3A_1098 : i32 to index
        %parallel_loop3A_1100 = tpu.vector_load %arg5[%parallel_loop3A_1099] {strides = array<i32>} : memref<768xf32, #tpu.memory_space<vmem>>, vector<16xf32>,
        %parallel_loop3A_1101 = arith.constant 96 : i32
        %parallel_loop3A_1102 = arith.addi %parallel_loop3A_1048, %parallel_loop3A_1101 : i32
        %parallel_loop3A_1103 = arith.index_cast %parallel_loop3A_1102 : i32 to index
        %parallel_loop3A_1104 = tpu.vector_load %arg7[%parallel_loop3A_1103] {strides = array<i32>} : memref<102400xf32, #tpu.memory_space<vmem>>, vector<16xf32>,
        tpu.vector_store %arg7[%parallel_loop3A_1103], %parallel_loop3A_1100 {strides = array<i32>} : memref<102400xf32, #tpu.memory_space<vmem>>, vector<16xf32>,
        %parallel_loop3A_1105 = arith.constant 112 : i32
        %parallel_loop3A_1106 = arith.addi %parallel_loop3A_1046, %parallel_loop3A_1105 : i32
        %parallel_loop3A_1107 = arith.index_cast %parallel_loop3A_1106 : i32 to index
        %parallel_loop3A_1108 = tpu.vector_load %arg5[%parallel_loop3A_1107] {strides = array<i32>} : memref<768xf32, #tpu.memory_space<vmem>>, vector<16xf32>,
        %parallel_loop3A_1109 = arith.constant 112 : i32
        %parallel_loop3A_1110 = arith.addi %parallel_loop3A_1048, %parallel_loop3A_1109 : i32
        %parallel_loop3A_1111 = arith.index_cast %parallel_loop3A_1110 : i32 to index
        %parallel_loop3A_1112 = tpu.vector_load %arg7[%parallel_loop3A_1111] {strides = array<i32>} : memref<102400xf32, #tpu.memory_space<vmem>>, vector<16xf32>,
        tpu.vector_store %arg7[%parallel_loop3A_1111], %parallel_loop3A_1108 {strides = array<i32>} : memref<102400xf32, #tpu.memory_space<vmem>>, vector<16xf32>,
        %parallel_loop3A_1113 = vector.extract_strided_slice %parallel_loop3A_89 {offsets = [15], sizes = [1], strides = [1]} : vector<16xi32> to vector<1xi32>
        %parallel_loop3A_1114 = vector.extract %parallel_loop3A_1113[0] : i32 from vector<1xi32>
        %parallel_loop3A_1115 = arith.constant 1920 : i32
        %parallel_loop3A_1116 = arith.addi %parallel_loop3A_92, %parallel_loop3A_1115 : i32
        %parallel_loop3A_1117 = arith.constant 0 : i32
        %parallel_loop3A_1118 = arith.addi %parallel_loop3A_1114, %parallel_loop3A_1117 : i32
        %parallel_loop3A_1119 = arith.index_cast %parallel_loop3A_1118 : i32 to index
        %parallel_loop3A_1120 = tpu.vector_load %arg5[%parallel_loop3A_1119] {strides = array<i32>} : memref<768xf32, #tpu.memory_space<vmem>>, vector<16xf32>,
        %parallel_loop3A_1121 = arith.constant 0 : i32
        %parallel_loop3A_1122 = arith.addi %parallel_loop3A_1116, %parallel_loop3A_1121 : i32
        %parallel_loop3A_1123 = arith.index_cast %parallel_loop3A_1122 : i32 to index
        %parallel_loop3A_1124 = tpu.vector_load %arg7[%parallel_loop3A_1123] {strides = array<i32>} : memref<102400xf32, #tpu.memory_space<vmem>>, vector<16xf32>,
        tpu.vector_store %arg7[%parallel_loop3A_1123], %parallel_loop3A_1120 {strides = array<i32>} : memref<102400xf32, #tpu.memory_space<vmem>>, vector<16xf32>,
        %parallel_loop3A_1125 = arith.constant 16 : i32
        %parallel_loop3A_1126 = arith.addi %parallel_loop3A_1114, %parallel_loop3A_1125 : i32
        %parallel_loop3A_1127 = arith.index_cast %parallel_loop3A_1126 : i32 to index
        %parallel_loop3A_1128 = tpu.vector_load %arg5[%parallel_loop3A_1127] {strides = array<i32>} : memref<768xf32, #tpu.memory_space<vmem>>, vector<16xf32>,
        %parallel_loop3A_1129 = arith.constant 16 : i32
        %parallel_loop3A_1130 = arith.addi %parallel_loop3A_1116, %parallel_loop3A_1129 : i32
        %parallel_loop3A_1131 = arith.index_cast %parallel_loop3A_1130 : i32 to index
        %parallel_loop3A_1132 = tpu.vector_load %arg7[%parallel_loop3A_1131] {strides = array<i32>} : memref<102400xf32, #tpu.memory_space<vmem>>, vector<16xf32>,
        tpu.vector_store %arg7[%parallel_loop3A_1131], %parallel_loop3A_1128 {strides = array<i32>} : memref<102400xf32, #tpu.memory_space<vmem>>, vector<16xf32>,
        %parallel_loop3A_1133 = arith.constant 32 : i32
        %parallel_loop3A_1134 = arith.addi %parallel_loop3A_1114, %parallel_loop3A_1133 : i32
        %parallel_loop3A_1135 = arith.index_cast %parallel_loop3A_1134 : i32 to index
        %parallel_loop3A_1136 = tpu.vector_load %arg5[%parallel_loop3A_1135] {strides = array<i32>} : memref<768xf32, #tpu.memory_space<vmem>>, vector<16xf32>,
        %parallel_loop3A_1137 = arith.constant 32 : i32
        %parallel_loop3A_1138 = arith.addi %parallel_loop3A_1116, %parallel_loop3A_1137 : i32
        %parallel_loop3A_1139 = arith.index_cast %parallel_loop3A_1138 : i32 to index
        %parallel_loop3A_1140 = tpu.vector_load %arg7[%parallel_loop3A_1139] {strides = array<i32>} : memref<102400xf32, #tpu.memory_space<vmem>>, vector<16xf32>,
        tpu.vector_store %arg7[%parallel_loop3A_1139], %parallel_loop3A_1136 {strides = array<i32>} : memref<102400xf32, #tpu.memory_space<vmem>>, vector<16xf32>,
        %parallel_loop3A_1141 = arith.constant 48 : i32
        %parallel_loop3A_1142 = arith.addi %parallel_loop3A_1114, %parallel_loop3A_1141 : i32
        %parallel_loop3A_1143 = arith.index_cast %parallel_loop3A_1142 : i32 to index
        %parallel_loop3A_1144 = tpu.vector_load %arg5[%parallel_loop3A_1143] {strides = array<i32>} : memref<768xf32, #tpu.memory_space<vmem>>, vector<16xf32>,
        %parallel_loop3A_1145 = arith.constant 48 : i32
        %parallel_loop3A_1146 = arith.addi %parallel_loop3A_1116, %parallel_loop3A_1145 : i32
        %parallel_loop3A_1147 = arith.index_cast %parallel_loop3A_1146 : i32 to index
        %parallel_loop3A_1148 = tpu.vector_load %arg7[%parallel_loop3A_1147] {strides = array<i32>} : memref<102400xf32, #tpu.memory_space<vmem>>, vector<16xf32>,
        tpu.vector_store %arg7[%parallel_loop3A_1147], %parallel_loop3A_1144 {strides = array<i32>} : memref<102400xf32, #tpu.memory_space<vmem>>, vector<16xf32>,
        %parallel_loop3A_1149 = arith.constant 64 : i32
        %parallel_loop3A_1150 = arith.addi %parallel_loop3A_1114, %parallel_loop3A_1149 : i32
        %parallel_loop3A_1151 = arith.index_cast %parallel_loop3A_1150 : i32 to index
        %parallel_loop3A_1152 = tpu.vector_load %arg5[%parallel_loop3A_1151] {strides = array<i32>} : memref<768xf32, #tpu.memory_space<vmem>>, vector<16xf32>,
        %parallel_loop3A_1153 = arith.constant 64 : i32
        %parallel_loop3A_1154 = arith.addi %parallel_loop3A_1116, %parallel_loop3A_1153 : i32
        %parallel_loop3A_1155 = arith.index_cast %parallel_loop3A_1154 : i32 to index
        %parallel_loop3A_1156 = tpu.vector_load %arg7[%parallel_loop3A_1155] {strides = array<i32>} : memref<102400xf32, #tpu.memory_space<vmem>>, vector<16xf32>,
        tpu.vector_store %arg7[%parallel_loop3A_1155], %parallel_loop3A_1152 {strides = array<i32>} : memref<102400xf32, #tpu.memory_space<vmem>>, vector<16xf32>,
        %parallel_loop3A_1157 = arith.constant 80 : i32
        %parallel_loop3A_1158 = arith.addi %parallel_loop3A_1114, %parallel_loop3A_1157 : i32
        %parallel_loop3A_1159 = arith.index_cast %parallel_loop3A_1158 : i32 to index
        %parallel_loop3A_1160 = tpu.vector_load %arg5[%parallel_loop3A_1159] {strides = array<i32>} : memref<768xf32, #tpu.memory_space<vmem>>, vector<16xf32>,
        %parallel_loop3A_1161 = arith.constant 80 : i32
        %parallel_loop3A_1162 = arith.addi %parallel_loop3A_1116, %parallel_loop3A_1161 : i32
        %parallel_loop3A_1163 = arith.index_cast %parallel_loop3A_1162 : i32 to index
        %parallel_loop3A_1164 = tpu.vector_load %arg7[%parallel_loop3A_1163] {strides = array<i32>} : memref<102400xf32, #tpu.memory_space<vmem>>, vector<16xf32>,
        tpu.vector_store %arg7[%parallel_loop3A_1163], %parallel_loop3A_1160 {strides = array<i32>} : memref<102400xf32, #tpu.memory_space<vmem>>, vector<16xf32>,
        %parallel_loop3A_1165 = arith.constant 96 : i32
        %parallel_loop3A_1166 = arith.addi %parallel_loop3A_1114, %parallel_loop3A_1165 : i32
        %parallel_loop3A_1167 = arith.index_cast %parallel_loop3A_1166 : i32 to index
        %parallel_loop3A_1168 = tpu.vector_load %arg5[%parallel_loop3A_1167] {strides = array<i32>} : memref<768xf32, #tpu.memory_space<vmem>>, vector<16xf32>,
        %parallel_loop3A_1169 = arith.constant 96 : i32
        %parallel_loop3A_1170 = arith.addi %parallel_loop3A_1116, %parallel_loop3A_1169 : i32
        %parallel_loop3A_1171 = arith.index_cast %parallel_loop3A_1170 : i32 to index
        %parallel_loop3A_1172 = tpu.vector_load %arg7[%parallel_loop3A_1171] {strides = array<i32>} : memref<102400xf32, #tpu.memory_space<vmem>>, vector<16xf32>,
        tpu.vector_store %arg7[%parallel_loop3A_1171], %parallel_loop3A_1168 {strides = array<i32>} : memref<102400xf32, #tpu.memory_space<vmem>>, vector<16xf32>,
        %parallel_loop3A_1173 = arith.constant 112 : i32
        %parallel_loop3A_1174 = arith.addi %parallel_loop3A_1114, %parallel_loop3A_1173 : i32
        %parallel_loop3A_1175 = arith.index_cast %parallel_loop3A_1174 : i32 to index
        %parallel_loop3A_1176 = tpu.vector_load %arg5[%parallel_loop3A_1175] {strides = array<i32>} : memref<768xf32, #tpu.memory_space<vmem>>, vector<16xf32>,
        %parallel_loop3A_1177 = arith.constant 112 : i32
        %parallel_loop3A_1178 = arith.addi %parallel_loop3A_1116, %parallel_loop3A_1177 : i32
        %parallel_loop3A_1179 = arith.index_cast %parallel_loop3A_1178 : i32 to index
        %parallel_loop3A_1180 = tpu.vector_load %arg7[%parallel_loop3A_1179] {strides = array<i32>} : memref<102400xf32, #tpu.memory_space<vmem>>, vector<16xf32>,
        tpu.vector_store %arg7[%parallel_loop3A_1179], %parallel_loop3A_1176 {strides = array<i32>} : memref<102400xf32, #tpu.memory_space<vmem>>, vector<16xf32>,
      } {sc.loop_unroll_factor = 1 : i64, sc.parallel_access}
      %mul3A_65 = arith.constant 400 : i32
      %mul3A_66 = arith.muli %scan3A_32, %mul3A_65 : i32
      %add3A_67 = arith.addi %mul3A_2, %mul3A_66 : i32
      %mul3A_68 = arith.constant 128 : i32
      %mul3A_69 = arith.muli %add3A_67, %mul3A_68 : i32
      %dma_start3A_70 = tpu.memref_slice %arg7[%mul3A_47] : memref<102400xf32, #tpu.memory_space<vmem>> -> memref<51200xf32, #tpu.memory_space<vmem>>
      %dma_start3A_71 = tpu.memref_slice %arg4[%mul3A_69] : memref<40960000xf32, #tpu.memory_space<hbm>> -> memref<51200xf32, #tpu.memory_space<hbm>>
      %dma_start3A_72 = tpu.memref_slice %arg4[%mul3A_69] : memref<40960000xf32, #tpu.memory_space<hbm>> -> memref<51200xf32, #tpu.memory_space<hbm>>
      %dma_start3A_73 = tpu.memref_slice %arg7[%mul3A_47] : memref<102400xf32, #tpu.memory_space<vmem>> -> memref<51200xf32, #tpu.memory_space<vmem>>
      tpu.enqueue_dma source(%dma_start3A_73 : memref<51200xf32, #tpu.memory_space<vmem>>) target(%dma_start3A_72 : memref<51200xf32, #tpu.memory_space<hbm>>) target_semaphore(%arg9 : memref<!tpu.dma_semaphore, #tpu.memory_space<semaphore_mem>>)
    }
    %scan3A_12 = arith.constant 25 : i32
    %add3A_13 = arith.constant 9200 : i32
    %add3A_14 = arith.addi %mul3A_2, %add3A_13 : i32
    %mul3A_15 = arith.constant 128 : i32
    %mul3A_16 = arith.muli %add3A_14, %mul3A_15 : i32
    %dma_wait3A = arith.constant 51200 : i32
    %dma_wait3A_17 = tpu.memref_slice %arg7[%dma_wait3A] : memref<102400xf32, #tpu.memory_space<vmem>> -> memref<51200xf32, #tpu.memory_space<vmem>>
    %dma_wait3A_18 = tpu.memref_slice %arg4[%mul3A_16] : memref<40960000xf32, #tpu.memory_space<hbm>> -> memref<51200xf32, #tpu.memory_space<hbm>>
    %dma_wait3A_19 = tpu.memref_slice %arg4[%mul3A_16] : memref<40960000xf32, #tpu.memory_space<hbm>> -> memref<51200xf32, #tpu.memory_space<hbm>>
    %dma_wait3A_20 = arith.constant 51200 : i32
    %dma_wait3A_21 = tpu.memref_slice %arg7[%dma_wait3A_20] : memref<102400xf32, #tpu.memory_space<vmem>> -> memref<51200xf32, #tpu.memory_space<vmem>>
    tpu.wait_dma2 semaphore(%arg9 : memref<!tpu.dma_semaphore, #tpu.memory_space<semaphore_mem>>) src(%dma_wait3A_21 : memref<51200xf32, #tpu.memory_space<vmem>>) dst(%dma_wait3A_19 : memref<51200xf32, #tpu.memory_space<hbm>>)
    %add3A_22 = arith.constant 9600 : i32
    %add3A_23 = arith.addi %mul3A_2, %add3A_22 : i32
    %mul3A_24 = arith.constant 128 : i32
    %mul3A_25 = arith.muli %add3A_23, %mul3A_24 : i32
    %dma_wait3A_26 = arith.constant 0 : i32
    %dma_wait3A_27 = tpu.memref_slice %arg7[%dma_wait3A_26] : memref<102400xf32, #tpu.memory_space<vmem>> -> memref<51200xf32, #tpu.memory_space<vmem>>
    %dma_wait3A_28 = tpu.memref_slice %arg4[%mul3A_25] : memref<40960000xf32, #tpu.memory_space<hbm>> -> memref<51200xf32, #tpu.memory_space<hbm>>
    %dma_wait3A_29 = tpu.memref_slice %arg4[%mul3A_25] : memref<40960000xf32, #tpu.memory_space<hbm>> -> memref<51200xf32, #tpu.memory_space<hbm>>
    %dma_wait3A_30 = arith.constant 0 : i32
    %dma_wait3A_31 = tpu.memref_slice %arg7[%dma_wait3A_30] : memref<102400xf32, #tpu.memory_space<vmem>> -> memref<51200xf32, #tpu.memory_space<vmem>>
    tpu.wait_dma2 semaphore(%arg9 : memref<!tpu.dma_semaphore, #tpu.memory_space<semaphore_mem>>) src(%dma_wait3A_31 : memref<51200xf32, #tpu.memory_space<vmem>>) dst(%dma_wait3A_29 : memref<51200xf32, #tpu.memory_space<hbm>>)
    return
  }
}

module attributes {stable_mosaic.version = 14 : i64} {
  func.func @_table_body(%arg0: memref<6x128xf32, #tpu.memory_space<vmem>>, %arg1: memref<128x128xf32, #tpu.memory_space<vmem>>, %arg2: memref<1x128xf32, #tpu.memory_space<vmem>>, %arg3: memref<6x128xf32, #tpu.memory_space<vmem>>) attributes {dimension_semantics = [], scalar_prefetch = 0 : i64, scratch_operands = 0 : i64, tpu.core_type = #tpu.core_type<tc>} {
    %get3A = arith.constant 0 : index
    %get3A_0 = arith.constant 0 : index
    %get3A_1 = vector.load %arg0[%get3A, %get3A_0] : memref<6x128xf32, #tpu.memory_space<vmem>>, vector<6x128xf32>
    %get3A_2 = arith.constant 0 : index
    %get3A_3 = arith.constant 0 : index
    %get3A_4 = vector.load %arg1[%get3A_2, %get3A_3] : memref<128x128xf32, #tpu.memory_space<vmem>>, vector<128x128xf32>
    %dot_general3A = arith.constant dense<0.000000e+00> : vector<6x128xf32>
    %dot_general3A_5 = tpu.matmul %get3A_1, %get3A_4, %dot_general3A {dimension_numbers = #tpu.dot_dimension_numbers<[1], [0], [0], [1], [0, 0, 1, 1], [], []>, transpose_lhs_hint = false} : vector<6x128xf32>, vector<128x128xf32>, vector<6x128xf32> -> vector<6x128xf32>
    %get3A_6 = arith.constant 0 : index
    %get3A_7 = arith.constant 0 : index
    %get3A_8 = vector.load %arg2[%get3A_6, %get3A_7] : memref<1x128xf32, #tpu.memory_space<vmem>>, vector<1x128xf32>
    %add3A = vector.broadcast %get3A_8 : vector<1x128xf32> to vector<6x128xf32>
    %add3A_9 = arith.addf %dot_general3A_5, %add3A : vector<6x128xf32>
    %swap3A = arith.constant 0 : index
    %swap3A_10 = arith.constant 0 : index
    %swap3A_11 = vector.load %arg3[%swap3A, %swap3A_10] : memref<6x128xf32, #tpu.memory_space<vmem>>, vector<6x128xf32>
    tpu.vector_store %arg3[%swap3A, %swap3A_10], %add3A_9 {strides = array<i32>} : memref<6x128xf32, #tpu.memory_space<vmem>>, vector<6x128xf32>,
    return
  }
}

</mosaic_0001>

<sc_bundles>
// kernel: kernel.4.cloned.1.call-start
scs
__scs_entry_jumppad:
0x0: {  	(pc) =	sbr.rel $0x88, $3  }
0x1: {  	(tag) =	ssettag $0x0;
	lr =	simm.s32 $0x1  }
0x2: {  	[smem:$0x3F9D] =	sst lr;
	_ =	strace $0xD0000000  }
0x3: {  	_ = 	snop  }
0x4: {  	_ = 	snop  }
0x5: {  	_ = 	snop  }
0x6: {  	_ = 	snop  }
0x7: {  	_ = 	snop  }
__scs_overlays_trampoline_lowered:
0x8: {  	[smem:$0x3FAC] =	sst s0  }
0x9: {  	[smem:$0x3FAD] =	sst s1  }
0xa: {  	[smem:$0x3FAE] =	sst s2  }
0xb: {  	[smem:$0x3FAF] =	sst s3  }
0xc: {  	[smem:$0x3FB0] =	sst s4  }
0xd: {  	[smem:$0x3FB1] =	sst s5  }
0xe: {  	[smem:$0x3FB2] =	sst s6  }
0xf: {  	[smem:$0x3FB3] =	sst s7  }
0x10: {  	[smem:$0x3FB4] =	sst s8  }
0x11: {  	[smem:$0x3FB5] =	sst s9;
	s0 =	simm.s32 @!p0 $0x0  }
0x12: {  	s1 =	sld [smem:$0x3F9B];
	s0 =	simm.s32 @p0 $0x1  }
0x13: {  	[smem:$0x3FB6] =	sst s0;
	s0 =	simm.s32 @!p1 $0x0  }
0x14: {  	s2 =	sld [smem:$0x3F9A];
	s0 =	simm.s32 @p1 $0x1  }
0x15: {  	[smem:$0x3FB7] =	sst s0;
	s0 =	simm.s32 @!p2 $0x0  }
0x16: {  	s3 =	sld [smem:$0x3FDB];
	s0 =	simm.s32 @p2 $0x1  }
0x17: {  	s4 =	simm.s32 $0x1BF5;
	[smem:$0x3FB9] =	sst s0  }
0x18: {  	s0 =	sld [smem:$0x3F9C];
	_ =	swait.ge [sflag:s4], $0x0  }
0x19: {  	s7 =	sld [smem:$0x3F9D]  }
0x1a: {  	s8 =	sadd.s32 $0xFFFFE003, lr  }
0x1b: {  	s9 =	sadd.s32 $0xFFFFFEF7, lr;
	s5 =	simm.s32 $0xFFFFFFFF;
	p2 =	slt.u32 s8, $0xFFFFF086  }
0x1c: {  	p1 =	slt.u32 s9, $0xF7A;
	s5 =	simm.s32 @!p2 $0x0  }
0x1d: {  	s5 =	simm.s32 @p1 $0x1;
	p0 =	seq.s32 s7, s2  }
0x1e: {  	s7 =	smul.u32 @!p0 $0xF7A, s2;
	p2 =	seq.s32 @!p0 s5, $0x0  }
0x1f: {  	s9 =	smul.u32 $0xF7A, s1;
	s8 =	simm.s32 @!p0 $0x1BF5;
	p2 =	por !p2, p0  }
0x20: {  	[sflag:s8] =	ssyncset.s32 @!p0 $0xFFFFF086;
	s6 =	sadd.s32 @!p0 s3, s7;
	s7 =	simm.s32 @!p0 $0x108  }
0x21: {  	s3 =	sadd.s32 s3, s9;
	s6 =	sadd.s32 @!p0 $0x88, s6;
	s7 =	simm.s32 @p2 $0x1082  }
0x22: {  	[simem:s7], [sflag:s8] =	dma.local @!p0 [hbm:s6], $0xF7A  }
0x23: {  	s9 =	sor.u32 $0xD0000000, s2;
	s6 =	simm.s32 $0x108;
	_ =	swait.ge @!p0 [sflag:s8], $0x0  }
0x24: {  	s3 =	sadd.s32 $0x88, s3;
	s6 =	simm.s32 @!p1 $0x1082;
	[sflag:s4] =	ssyncset.s32 $0xFFFFF086  }
0x25: {  	[simem:s6], [sflag:s4] =	dma.local [hbm:s3], $0xF7A  }
0x26: {  	[smem:$0x3F9D] =	sst s1;
	(tag) =	ssettag s2;
	_ =	strace s9  }
0x27: {  	s1 =	sld [smem:$0x3FAD]  }
0x28: {  	s2 =	sld [smem:$0x3FAE]  }
0x29: {  	s4 =	sld [smem:$0x3FB0]  }
0x2a: {  	p0 =	seq.s32 s5, $0x0;
	s5 =	sld [smem:$0x3FB1]  }
0x2b: {  	s6 =	sld [smem:$0x3FB2]  }
0x2c: {  	s7 =	sld [smem:$0x3FB3]  }
0x2d: {  	s3 =	simm.s32 $0x108;
	s8 =	sld [smem:$0x3FB4]  }
0x2e: {  	s3 =	simm.s32 @!p0 $0x1082;
	s9 =	sld [smem:$0x3FB5]  }
0x2f: {  	lr =	sadd.s32 s0, s3;
	s0 =	sld [smem:$0x3FAC]  }
0x30: {  	s3 =	sld [smem:$0x3FAF]  }
0x31: {  	[smem:$0x3FB8] =	sst s10  }
0x32: {  	s10 =	sld [smem:$0x3FB6];
	_ =	sdelay $0x3  }
0x33: {  	p0 =	seq.s32 s10, $0x1;
	s10 =	sld [smem:$0x3FB8];
	_ =	sdelay $0x3  }
0x34: {  	[smem:$0x3FB8] =	sst s10  }
0x35: {  	s10 =	sld [smem:$0x3FB7];
	_ =	sdelay $0x3  }
0x36: {  	p1 =	seq.s32 s10, $0x1;
	s10 =	sld [smem:$0x3FB8];
	_ =	sdelay $0x3  }
0x37: {  	[smem:$0x3FB8] =	sst s10  }
0x38: {  	s10 =	sld [smem:$0x3FB9]  }
0x39: {  	_ = 	snop;
	(pc) =	sbr.ind lr, $3  }
0x3a: {  	_ = 	snop  }
0x3b: {  	_ = 	snop  }
0x3c: {  	p2 =	seq.s32 s10, $0x1;
	s10 =	sld [smem:$0x3FB8]  }
0x3d: {  	_ =	shalt  }
0x3e: {  	_ =	shalt  }
0x3f: {  	_ =	shalt  }
0x40: {  	_ =	shalt  }
0x41: {  	_ =	shalt  }
0x42: {  	_ =	shalt  }
0x43: {  	_ =	shalt  }
0x44: {  	_ =	shalt  }
0x45: {  	_ =	shalt  }
0x46: {  	_ =	shalt  }
0x47: {  	_ =	shalt  }
0x48: {  	_ =	shalt  }
0x49: {  	_ =	shalt  }
0x4a: {  	_ =	shalt  }
0x4b: {  	_ =	shalt  }
0x4c: {  	_ =	shalt  }
0x4d: {  	_ =	shalt  }
0x4e: {  	_ =	shalt  }
0x4f: {  	_ =	shalt  }
0x50: {  	_ =	shalt  }
0x51: {  	_ =	shalt  }
0x52: {  	_ =	shalt  }
0x53: {  	_ =	shalt  }
0x54: {  	_ =	shalt  }
0x55: {  	_ =	shalt  }
0x56: {  	_ =	shalt  }
0x57: {  	_ =	shalt  }
0x58: {  	_ =	shalt  }
0x59: {  	_ =	shalt  }
0x5a: {  	_ =	shalt  }
0x5b: {  	_ =	shalt  }
0x5c: {  	_ =	shalt  }
0x5d: {  	_ =	shalt  }
0x5e: {  	_ =	shalt  }
0x5f: {  	_ =	shalt  }
0x60: {  	_ =	shalt  }
0x61: {  	_ =	shalt  }
0x62: {  	_ =	shalt  }
0x63: {  	_ =	shalt  }
0x64: {  	_ =	shalt  }
0x65: {  	_ =	shalt  }
0x66: {  	_ =	shalt  }
0x67: {  	_ =	shalt  }
0x68: {  	_ =	shalt  }
0x69: {  	_ =	shalt  }
0x6a: {  	_ =	shalt  }
0x6b: {  	_ =	shalt  }
0x6c: {  	_ =	shalt  }
0x6d: {  	_ =	shalt  }
0x6e: {  	_ =	shalt  }
0x6f: {  	_ =	shalt  }
0x70: {  	_ =	shalt  }
0x71: {  	_ =	shalt  }
0x72: {  	_ =	shalt  }
0x73: {  	_ =	shalt  }
0x74: {  	_ =	shalt  }
0x75: {  	_ =	shalt  }
0x76: {  	_ =	shalt  }
0x77: {  	_ =	shalt  }
0x78: {  	_ =	shalt  }
0x79: {  	_ =	shalt  }
0x7a: {  	_ =	shalt  }
0x7b: {  	_ =	shalt  }
0x7c: {  	_ =	shalt  }
0x7d: {  	_ =	shalt  }
0x7e: {  	_ =	shalt  }
0x7f: {  	_ =	shalt  }
0x80: {  	_ =	shalt  }
0x81: {  	_ =	shalt  }
0x82: {  	_ =	shalt  }
0x83: {  	_ =	shalt  }
0x84: {  	_ =	shalt  }
0x85: {  	_ =	shalt  }
0x86: {  	_ =	shalt  }
0x87: {  	_ =	shalt  }
.Lfunc_end0:
.L_simem_size_0:
called_computation_lowered:
.L_overlay_start_0:
0x88: {  	s2 =	sld [smem:$0x3FD9]  }
0x89: {  	s3 =	sld [smem:$0x3FFE];
	_ =	sdelay $0x1  }
0x8a: {  	s1 =	srdreg.scid  }
0x8b: {  	s0 =	sand.u32 $0x1, s1  }
0x8c: {  	s17 =	sshll.u32 s0, $0xA;
	s2 =	sadd.s32 s3, s2  }
0x8d: {  	s2 =	sadd.s32 s2, s17  }
0x8e: {  	[smem:$0x3FC4] =	sst s2  }
0x8f: {  	_ = 	snop  }
0x90: {  	s2 =	sld [smem:$0x3FC9]  }
0x91: {  	s18 =	sld [smem:$0x3FD0];
	(tm) =	ssettm $0x1  }
0x92: {  	s4 =	sld [smem:$0x3FFB];
	_ =	sdelay $0x3  }
0x93: {  	_ =	strace s4  }
0x94: {  	s4 =	sld [smem:$0x3FFC];
	_ =	sdelay $0x3  }
0x95: {  	_ =	strace s4  }
0x96: {  	s4 =	sld [smem:$0x3FFD];
	_ =	sdelay $0x3  }
0x97: {  	_ =	strace s4  }
0x98: {  	_ =	strace $0x8FFFFFFF  }
0x99: {  	s19 =	sld [smem:$0x3FDB];
	_ =	sdelay $0x1  }
0x9a: {  	s5 =	simm.s32 $_scs_section_size  }
0x9b: {  	s6 =	simm.s32 $_size__tile_overlayer_lowered;
	s7 =	simm.s32 $_tile_overlayer_lowered  }
0x9c: {  	s22 =	simm.s32 $0x1BFF;
	s21 =	sshll.u32 s7, $0x1;
	s4 =	sadd.s32 s5, s19  }
0x9d: {  	s8 =	simm.s32 $0x0;
	s20 =	sshll.u32 s6, $0x1;
	s6 =	sadd.s32 s21, s4  }
0x9e: {  	[timem:s8], [sflag:s22] =	dma.local [hbm:s6], s20  }
0x9f: {  	_ =	swait.ge [sflag:s22], s20  }
0xa0: {  	s5 =	ssub.s32 $0x0, s20;
	[sflag:s22] =	ssyncset.done $0x0  }
0xa1: {  	[sflag:s22] =	ssyncadd.s32 s5;
	_ =	sdelay $0x1  }
0xa2: {  	s23 =	simm.s32 $0x1B8B  }
0xa3: {  	_ =	swait.ge [sflag:s23], $0x1  }
0xa4: {  	[sflag:s23] =	ssyncset.done $0x0  }
0xa5: {  	s25 =	simm.s32 $0x1B8E;
	s24 =	sld [smem:$0x3FFE];
	[sflag:s23] =	ssyncadd.s32 $0xFFFFFFFF  }
0xa6: {  	s26 =	simm.s32 $execute0_lowered;
	[smem:$0x3FD2] =	sst s25  }
0xa7: {  	s6 =	sshll.u32 s26, $0x1;
	_ =	strace $0x80000046;
	[dreg:$0x1] =	wrdreg $0xFFFFFFFF  }
0xa8: {  	s28 =	simm.s32 $_size_execute0_lowered;
	s4 =	sadd.s32 s4, s6;
	[dreg:$0x0] =	wrdreg $0x0  }
0xa9: {  	s6 =	sshll.u32 s28, $0x1;
	[dreg:$0x2] =	wrdreg s4  }
0xaa: {  	[dreg:$0x3] =	wrdreg s6  }
0xab: {  	[dreg:$0x4] =	wrdreg $0xC0  }
0xac: {  	_ =	task [dreg:s8], $0x5FFFF  }
0xad: {  	[dreg:$0x1] =	wrdreg $0xFFFFFFFF  }
0xae: {  	[dreg:$0x0] =	wrdreg $0x60  }
0xaf: {  	[dreg:$0x2] =	wrdreg s24  }
0xb0: {  	[dreg:$0x3] =	wrdreg s2  }
0xb1: {  	[dreg:$0x4] =	wrdreg s18  }
0xb2: {  	[dreg:$0x5] =	wrdreg $0x9  }
0xb3: {  	_ =	task.clear_ibuf [dreg:s8], $0x6FFFF;
	_ =	strace $0x90000046  }
0xb4: {  	s29 =	simm.s32 $0x9;
	_ =	strace $0x80000048  }
0xb5: {  	_ =	swait.ge [sflag:s29], $0x1  }
0xb6: {  	[sflag:s29] =	ssyncadd.s32 $0xFFFFFFFF  }
0xb7: {  	_ =	strace $0x90000048  }
0xb8: {  	_ =	sfence  }
0xb9: {  	s30 =	sld [smem:$0x0];
	_ =	sdelay $0x2  }
0xba: {  	s31 =	sshll.u32 s1, $0xD;
	s1 =	sshrl.u32 s1, $0x2  }
0xbb: {  	s3 =	sand.u32 $0x4000, s31;
	s1 =	sadd.s32 s1, s30  }
0xbc: {  	s0 =	sor.u32 s3, s0;
	s1 =	sshll.u32 s1, $0x11  }
0xbd: {  	s0 =	sor.u32 s1, s0  }
0xbe: {  	s0 =	sadd.s32 $0x8F2B, s0  }
0xbf: {  	[sflag:s0] =	ssyncadd.remote.s32 $0x1  }
0xc0: {  	_ =	sfence.sel $0xFFFF  }
0xc1: {  	[dreg:$0x0] =	wrdreg $0xFFFFFFFF;
	(pc) =	sbr.abs _section_cstart, $3  }
0xc2: {  	[dreg:$0x1] =	wrdreg $0xFFFFFFFF  }
0xc3: {  	_ =	task.clear_ibuf [dreg:s8], $0x2FFFF;
	_ =	strace $0x9FFFFFFF  }
0xc4: {  	(tm) =	ssettm $0x7FFFFFFF  }
0xc5: {  	_ =	shalt  }
tec
execute0_lowered:
.L_overlay_start_1:
0x0: {  	(tag) =	ssettag $0x1  }
0x1: {  	s0 =	srdreg.scid;
	s1 =	rddreg [dreg:$0x0]  }
0x2: {  	s2 =	rddreg [dreg:$0x1];
	s0 =	sand.u32 $0x1, s0  }
0x3: {  	s5 =	stileid.u32;
	s3 =	rddreg [dreg:$0x2];
	s4 =	sshll.u32 s0, $0x4  }
0x4: {  	s10 =	simm.s32 $0x3;
	s11 =	simm.s32 $0x1;
	s5 =	sor.u32 s5, s4  }
0x5: {  	s12 =	simm.s32 $0x2;
	s0 =	ssub.s32 $0x2, s0;
	s5 =	smul.u32 $0x2710, s5  }
0x6: {  	s1 =	sadd.s32 $0xC00, s1;
	s4 =	simm.s32 $0x0;
	s6 =	sshrl.u32 s0, $0x1  }
0x7: {  	[smem:$0x7FF] =	sst s4;
	s0 =	ssub.s32 s0, s6;
	s7 =	sshrl.u32 s5, $0x3  }
0x8: {  	_ =	strace $0x80000047;
	[dreg:$0x4] =	wrdreg s1;
	s31 =	sadd.s32 s2, s7  }
0x9: {  	s13 =	simm.s32 $0x0;
	s8 =	smax.u32 s0, $0x1;
	[dreg:$0x5] =	wrdreg s31  }
.LBB2_1:
0xa: {  	s0 =	rddreg [dreg:$0x5];
	s1 =	simm.s32 $0x300  }
0xb: {  	[tilespmem:s1], [sflag:$0x1] =	stream.linear.gather [hbm4b:s0+s4], $0x190, $0x38;
	[tilespmem:$0x19680] =	vst v63  }
0xc: {  	s31 =	rddreg [dreg:$0x4]  }
0xd: {  	[tilespmem:s4], [sflag:$0x3] =	stream.linear.gather [hbm4b:s31+s4], $0x300, $0x38;
	[tilespmem:$0x19680] =	vst v63  }
0xe: {  	_ =	swait.ge [sflag:s10], $0x300  }
0xf: {  	[sflag:s10] =	ssyncset.done $0x0  }
0x10: {  	p0 =	por $0x0, $0x0;
	s15 =	simm.s32 $0x0;
	[sflag:s10] =	ssyncadd.s32 $0xFFFFFD00  }
.LBB2_2:
0x11: {  	s21 =	sand.u32 $0x1, s15;
	s14 =	sadd.s32 $0x1, s15;
	p1 =	seq.s32 s15, $0x18  }
0x12: {  	s0 =	sxor.u32 @!p1 $0x1, s21;
	s1 =	smul.u32 @!p1 $0x190, s14  }
0x13: {  	_ =	swait.ge [sflag:s11], $0x190;
	s0 =	smul.u32 @!p1 $0x640, s0  }
0x14: {  	[sflag:s11] =	ssyncset.done $0x0;
	s1 =	sadd.s32 @!p1 s5, s1  }
0x15: {  	s6 =	simm.s32 @!p1 $0x0;
	s0 =	sshrl.u32 @!p1 s0, $0x2;
	s1 =	sshrl.u32 @!p1 s1, $0x3  }
0x16: {  	[sflag:s11] =	ssyncadd.s32 $0xFFFFFE70;
	s0 =	sadd.s32 @!p1 $0x300, s0;
	s1 =	sadd.s32 @!p1 s2, s1  }
0x17: {  	[tilespmem:s0], [sflag:$0x1] =	stream.linear.gather @!p1 [hbm4b:s1+s6], $0x190, $0x38;
	[tilespmem:$0x19680] =	vst v63  }
0x18: {  	s0 =	simm.s32 $0x1  }
0x19: {  	s0 =	simm.s32 @!p0 $0x0  }
0x1a: {  	s18 =	smul.u32 $0x640, s0;
	_ =	sdelay $0x1  }
0x1b: {  	s1 =	sshrl.u32 s18, $0x2  }
0x1c: {  	s1 =	sadd.s32 $0x300, s1  }
0x1d: {  	p2 =	slt.u32 @!p1 s15, $0x2;
	v5 =	vmov s1  }
0x1e: {  	p1 =	por p1, !p2  }
0x1f: {  	_ =	swait.ge @p1 [sflag:s12], $0xC800  }
0x20: {  	[sflag:s12] =	ssyncset.done @p1 $0x0  }
0x21: {  	s19 =	simm.s32 $0x0;
	[sflag:s12] =	ssyncadd.s32 @p1 $0xFFFF3800  }
0x22: {  	v0 =	vld.idx.msk [tilespmem:v5+s19+$0x0 ss:$0x1], $0xffff;
	_ =	sdelay $0x4  }
0x23: {  	v0 =	vmax.f32 v0, $1.000000000e+00  }
0x24: {  	v0 =	vmin.f32 v0, $4.999999050e+00  }
0x25: {  	v0 =	vtrunc.f32 v0  }
0x26: {  	v0 =	vcvt.f32.s32 v0;
	_ =	sdelay $0x1  }
0x27: {  	v6 =	vshll.u32 v0, $0x7  }
0x28: {  	(v2sf) =	vpush v6, $0x0;
	_ =	sdelay $0xe  }
0x29: {  	s20 =	spop (v2sf)  }
0x2a: {  	v0 =	vld [tilespmem:s20+$0x0]  }
0x2b: {  	s0 =	smul.u32 $0x32000, s0;
	_ =	sdelay $0x1  }
0x2c: {  	s0 =	sshrl.u32 s0, $0x2  }
0x2d: {  	s22 =	sadd.s32 $0xA80, s0  }
0x2e: {  	[tilespmem:s22+$0xFFFFFC00] =	vst v0  }
0x2f: {  	v0 =	vld [tilespmem:s20+$0x10];
	_ =	sdelay $0x4  }
0x30: {  	[tilespmem:s22+$0xFFFFFC10] =	vst v0  }
0x31: {  	v0 =	vld [tilespmem:s20+$0x20];
	_ =	sdelay $0x4  }
0x32: {  	[tilespmem:s22+$0xFFFFFC20] =	vst v0  }
0x33: {  	v0 =	vld [tilespmem:s20+$0x30];
	_ =	sdelay $0x4  }
0x34: {  	[tilespmem:s22+$0xFFFFFC30] =	vst v0  }
0x35: {  	v0 =	vld [tilespmem:s20+$0x40];
	_ =	sdelay $0x4  }
0x36: {  	[tilespmem:s22+$0xFFFFFC40] =	vst v0  }
0x37: {  	v0 =	vld [tilespmem:s20+$0x50];
	_ =	sdelay $0x1  }
0x38: {  	(v2sf) =	vpush v6, $0x1;
	_ =	sdelay $0x2  }
0x39: {  	[tilespmem:s22+$0xFFFFFC50] =	vst v0  }
0x3a: {  	v0 =	vld [tilespmem:s20+$0x60];
	_ =	sdelay $0x4  }
0x3b: {  	[tilespmem:s22+$0xFFFFFC60] =	vst v0  }
0x3c: {  	v0 =	vld [tilespmem:s20+$0x70];
	_ =	sdelay $0x4  }
0x3d: {  	s23 =	spop (v2sf);
	[tilespmem:s22+$0xFFFFFC70] =	vst v0  }
0x3e: {  	v0 =	vld [tilespmem:s23+$0x0];
	_ =	sdelay $0x4  }
0x3f: {  	[tilespmem:s22+$0xFFFFFC80] =	vst v0  }
0x40: {  	v0 =	vld [tilespmem:s23+$0x10];
	_ =	sdelay $0x4  }
0x41: {  	[tilespmem:s22+$0xFFFFFC90] =	vst v0  }
0x42: {  	v0 =	vld [tilespmem:s23+$0x20];
	_ =	sdelay $0x4  }
0x43: {  	[tilespmem:s22+$0xFFFFFCA0] =	vst v0  }
0x44: {  	v0 =	vld [tilespmem:s23+$0x30];
	_ =	sdelay $0x4  }
0x45: {  	[tilespmem:s22+$0xFFFFFCB0] =	vst v0  }
0x46: {  	v0 =	vld [tilespmem:s23+$0x40];
	_ =	sdelay $0x4  }
0x47: {  	[tilespmem:s22+$0xFFFFFCC0] =	vst v0  }
0x48: {  	v0 =	vld [tilespmem:s23+$0x50];
	_ =	sdelay $0x1  }
0x49: {  	(v2sf) =	vpush v6, $0x2;
	_ =	sdelay $0x2  }
0x4a: {  	[tilespmem:s22+$0xFFFFFCD0] =	vst v0  }
0x4b: {  	v0 =	vld [tilespmem:s23+$0x60];
	_ =	sdelay $0x4  }
0x4c: {  	[tilespmem:s22+$0xFFFFFCE0] =	vst v0  }
0x4d: {  	v0 =	vld [tilespmem:s23+$0x70];
	_ =	sdelay $0x4  }
0x4e: {  	s24 =	spop (v2sf);
	[tilespmem:s22+$0xFFFFFCF0] =	vst v0  }
0x4f: {  	v0 =	vld [tilespmem:s24+$0x0];
	_ =	sdelay $0x3  }
0x50: {  	s25 =	simm.s32 $0x10  }
0x51: {  	v1 =	vld.idx.msk [tilespmem:v5+s25+$0x0 ss:$0x1], $0xffff;
	[tilespmem:s22+$0xFFFFFD00] =	vst v0  }
0x52: {  	v0 =	vld [tilespmem:s24+$0x10];
	_ =	sdelay $0x4  }
0x53: {  	[tilespmem:s22+$0xFFFFFD10] =	vst v0;
	v0 =	vmax.f32 v1, $1.000000000e+00  }
0x54: {  	v1 =	vld [tilespmem:s24+$0x20];
	v0 =	vmin.f32 v0, $4.999999050e+00  }
0x55: {  	v0 =	vtrunc.f32 v0  }
0x56: {  	v0 =	vcvt.f32.s32 v0;
	_ =	sdelay $0x1  }
0x57: {  	v3 =	vshll.u32 v0, $0x7  }
0x58: {  	[tilespmem:s22+$0xFFFFFD20] =	vst v1;
	(v2sf) =	vpush v3, $0x0  }
0x59: {  	v0 =	vld [tilespmem:s24+$0x30];
	_ =	sdelay $0x4  }
0x5a: {  	[tilespmem:s22+$0xFFFFFD30] =	vst v0  }
0x5b: {  	v0 =	vld [tilespmem:s24+$0x40];
	_ =	sdelay $0x4  }
0x5c: {  	[tilespmem:s22+$0xFFFFFD40] =	vst v0  }
0x5d: {  	v0 =	vld [tilespmem:s24+$0x50];
	_ =	sdelay $0x1  }
0x5e: {  	(v2sf) =	vpush v6, $0x3;
	s26 =	spop (v2sf)  }
0x5f: {  	v1 =	vld [tilespmem:s26+$0x0];
	_ =	sdelay $0x1  }
0x60: {  	[tilespmem:s22+$0xFFFFFD50] =	vst v0  }
0x61: {  	v0 =	vld [tilespmem:s24+$0x60]  }
0x62: {  	s19 =	sadd.s32 $0x800, s22  }
0x63: {  	[tilespmem:s19+$0xFFFFFC00] =	vst v1  }
0x64: {  	v1 =	vld [tilespmem:s26+$0x10];
	_ =	sdelay $0x1  }
0x65: {  	[tilespmem:s22+$0xFFFFFD60] =	vst v0  }
0x66: {  	v0 =	vld [tilespmem:s24+$0x70];
	_ =	sdelay $0x1  }
0x67: {  	[tilespmem:s19+$0xFFFFFC10] =	vst v1  }
0x68: {  	v1 =	vld [tilespmem:s26+$0x20];
	_ =	sdelay $0x1  }
0x69: {  	s31 =	spop (v2sf);
	[tilespmem:s22+$0xFFFFFD70] =	vst v0  }
0x6a: {  	v0 =	vld [tilespmem:s31+$0x0];
	_ =	sdelay $0x1  }
0x6b: {  	[tilespmem:s19+$0xFFFFFC20] =	vst v1  }
0x6c: {  	v1 =	vld [tilespmem:s26+$0x30];
	_ =	sdelay $0x1  }
0x6d: {  	[tilespmem:s22+$0xFFFFFD80] =	vst v0  }
0x6e: {  	v0 =	vld [tilespmem:s31+$0x10];
	_ =	sdelay $0x1  }
0x6f: {  	[tilespmem:s19+$0xFFFFFC30] =	vst v1  }
0x70: {  	v1 =	vld [tilespmem:s26+$0x40];
	_ =	sdelay $0x1  }
0x71: {  	[tilespmem:s22+$0xFFFFFD90] =	vst v0  }
0x72: {  	v0 =	vld [tilespmem:s31+$0x20];
	_ =	sdelay $0x1  }
0x73: {  	[tilespmem:s19+$0xFFFFFC40] =	vst v1  }
0x74: {  	v1 =	vld [tilespmem:s26+$0x50];
	_ =	sdelay $0x1  }
0x75: {  	(v2sf) =	vpush v3, $0x1;
	[tilespmem:s22+$0xFFFFFDA0] =	vst v0  }
0x76: {  	v0 =	vld [tilespmem:s31+$0x30];
	_ =	sdelay $0x1  }
0x77: {  	[tilespmem:s19+$0xFFFFFC50] =	vst v1  }
0x78: {  	v1 =	vld [tilespmem:s26+$0x60];
	_ =	sdelay $0x1  }
0x79: {  	[tilespmem:s22+$0xFFFFFDB0] =	vst v0  }
0x7a: {  	v0 =	vld [tilespmem:s31+$0x40];
	_ =	sdelay $0x1  }
0x7b: {  	[tilespmem:s19+$0xFFFFFC60] =	vst v1  }
0x7c: {  	v1 =	vld [tilespmem:s26+$0x70];
	_ =	sdelay $0x1  }
0x7d: {  	[tilespmem:s22+$0xFFFFFDC0] =	vst v0  }
0x7e: {  	v0 =	vld [tilespmem:s31+$0x50];
	_ =	sdelay $0x1  }
0x7f: {  	(v2sf) =	vpush v6, $0x4;
	s6 =	spop (v2sf);
	[tilespmem:s19+$0xFFFFFC70] =	vst v1  }
0x80: {  	v1 =	vld [tilespmem:s6+$0x0];
	_ =	sdelay $0x1  }
0x81: {  	[tilespmem:s22+$0xFFFFFDD0] =	vst v0  }
0x82: {  	v0 =	vld [tilespmem:s31+$0x60];
	_ =	sdelay $0x1  }
0x83: {  	[tilespmem:s19+$0xFFFFFC80] =	vst v1  }
0x84: {  	v1 =	vld [tilespmem:s6+$0x10];
	_ =	sdelay $0x1  }
0x85: {  	[tilespmem:s22+$0xFFFFFDE0] =	vst v0  }
0x86: {  	v0 =	vld [tilespmem:s31+$0x70];
	_ =	sdelay $0x1  }
0x87: {  	[tilespmem:s19+$0xFFFFFC90] =	vst v1  }
0x88: {  	v1 =	vld [tilespmem:s6+$0x20];
	_ =	sdelay $0x1  }
0x89: {  	s7 =	spop (v2sf);
	[tilespmem:s22+$0xFFFFFDF0] =	vst v0  }
0x8a: {  	v0 =	vld [tilespmem:s7+$0x0];
	_ =	sdelay $0x1  }
0x8b: {  	[tilespmem:s19+$0xFFFFFCA0] =	vst v1  }
0x8c: {  	v1 =	vld [tilespmem:s6+$0x30];
	_ =	sdelay $0x1  }
0x8d: {  	[tilespmem:s22+$0xFFFFFE00] =	vst v0  }
0x8e: {  	v0 =	vld [tilespmem:s7+$0x10];
	_ =	sdelay $0x1  }
0x8f: {  	[tilespmem:s19+$0xFFFFFCB0] =	vst v1  }
0x90: {  	v1 =	vld [tilespmem:s6+$0x40];
	_ =	sdelay $0x1  }
0x91: {  	[tilespmem:s22+$0xFFFFFE10] =	vst v0  }
0x92: {  	v0 =	vld [tilespmem:s7+$0x20];
	_ =	sdelay $0x1  }
0x93: {  	[tilespmem:s19+$0xFFFFFCC0] =	vst v1  }
0x94: {  	v1 =	vld [tilespmem:s6+$0x50];
	_ =	sdelay $0x1  }
0x95: {  	(v2sf) =	vpush v3, $0x2;
	[tilespmem:s22+$0xFFFFFE20] =	vst v0  }
0x96: {  	v0 =	vld [tilespmem:s7+$0x30];
	_ =	sdelay $0x1  }
0x97: {  	[tilespmem:s19+$0xFFFFFCD0] =	vst v1  }
0x98: {  	v1 =	vld [tilespmem:s6+$0x60];
	_ =	sdelay $0x1  }
0x99: {  	[tilespmem:s22+$0xFFFFFE30] =	vst v0  }
0x9a: {  	v0 =	vld [tilespmem:s7+$0x40];
	_ =	sdelay $0x1  }
0x9b: {  	[tilespmem:s19+$0xFFFFFCE0] =	vst v1  }
0x9c: {  	v1 =	vld [tilespmem:s6+$0x70];
	_ =	sdelay $0x1  }
0x9d: {  	[tilespmem:s22+$0xFFFFFE40] =	vst v0  }
0x9e: {  	v0 =	vld [tilespmem:s7+$0x50];
	_ =	sdelay $0x1  }
0x9f: {  	(v2sf) =	vpush v6, $0x5;
	s9 =	spop (v2sf);
	[tilespmem:s19+$0xFFFFFCF0] =	vst v1  }
0xa0: {  	v1 =	vld [tilespmem:s9+$0x0];
	_ =	sdelay $0x1  }
0xa1: {  	[tilespmem:s22+$0xFFFFFE50] =	vst v0  }
0xa2: {  	v0 =	vld [tilespmem:s7+$0x60]  }
0xa3: {  	s16 =	simm.s32 $0x20  }
0xa4: {  	v2 =	vld.idx.msk [tilespmem:v5+s16+$0x0 ss:$0x1], $0xffff;
	[tilespmem:s19+$0xFFFFFD00] =	vst v1  }
0xa5: {  	v1 =	vld [tilespmem:s9+$0x10];
	_ =	sdelay $0x1  }
0xa6: {  	[tilespmem:s22+$0xFFFFFE60] =	vst v0  }
0xa7: {  	v0 =	vld [tilespmem:s7+$0x70]  }
0xa8: {  	v2 =	vmax.f32 v2, $1.000000000e+00  }
0xa9: {  	v2 =	vmin.f32 v2, $4.999999050e+00;
	[tilespmem:s19+$0xFFFFFD10] =	vst v1  }
0xaa: {  	v1 =	vtrunc.f32 v2;
	v2 =	vld [tilespmem:s9+$0x20]  }
0xab: {  	v1 =	vcvt.f32.s32 v1  }
0xac: {  	s17 =	spop (v2sf);
	[tilespmem:s22+$0xFFFFFE70] =	vst v0  }
0xad: {  	v0 =	vshll.u32 v1, $0x7;
	v4 =	vld [tilespmem:s17+$0x0]  }
0xae: {  	(v2sf) =	vpush v0, $0x0  }
0xaf: {  	[tilespmem:s19+$0xFFFFFD20] =	vst v2  }
0xb0: {  	v1 =	vld [tilespmem:s9+$0x30];
	_ =	sdelay $0x1  }
0xb1: {  	[tilespmem:s22+$0xFFFFFE80] =	vst v4  }
0xb2: {  	v2 =	vld [tilespmem:s17+$0x10];
	_ =	sdelay $0x1  }
0xb3: {  	[tilespmem:s19+$0xFFFFFD30] =	vst v1  }
0xb4: {  	v1 =	vld [tilespmem:s9+$0x40];
	_ =	sdelay $0x1  }
0xb5: {  	[tilespmem:s22+$0xFFFFFE90] =	vst v2  }
0xb6: {  	v2 =	vld [tilespmem:s17+$0x20];
	_ =	sdelay $0x1  }
0xb7: {  	[tilespmem:s19+$0xFFFFFD40] =	vst v1  }
0xb8: {  	v1 =	vld [tilespmem:s9+$0x50]  }
0xb9: {  	s18 =	spop (v2sf)  }
0xba: {  	(v2sf) =	vpush v3, $0x3;
	v4 =	vld [tilespmem:s18+$0x0];
	[tilespmem:s22+$0xFFFFFEA0] =	vst v2  }
0xbb: {  	v2 =	vld [tilespmem:s17+$0x30];
	_ =	sdelay $0x1  }
0xbc: {  	[tilespmem:s19+$0xFFFFFD50] =	vst v1  }
0xbd: {  	s16 =	sadd.s32 $0x800, s19;
	v1 =	vld [tilespmem:s9+$0x60]  }
0xbe: {  	[tilespmem:s16+$0xFFFFFC00] =	vst v4  }
0xbf: {  	v4 =	vld [tilespmem:s18+$0x10];
	[tilespmem:s22+$0xFFFFFEB0] =	vst v2  }
0xc0: {  	v2 =	vld [tilespmem:s17+$0x40];
	_ =	sdelay $0x1  }
0xc1: {  	[tilespmem:s19+$0xFFFFFD60] =	vst v1  }
0xc2: {  	v1 =	vld [tilespmem:s9+$0x70]  }
0xc3: {  	[tilespmem:s16+$0xFFFFFC10] =	vst v4  }
0xc4: {  	v4 =	vld [tilespmem:s18+$0x20];
	[tilespmem:s22+$0xFFFFFEC0] =	vst v2  }
0xc5: {  	v2 =	vld [tilespmem:s17+$0x50];
	_ =	sdelay $0x1  }
0xc6: {  	(v2sf) =	vpush v6, $0x6;
	s20 =	spop (v2sf);
	[tilespmem:s19+$0xFFFFFD70] =	vst v1  }
0xc7: {  	v1 =	vld [tilespmem:s20+$0x0]  }
0xc8: {  	[tilespmem:s16+$0xFFFFFC20] =	vst v4  }
0xc9: {  	v4 =	vld [tilespmem:s18+$0x30];
	[tilespmem:s22+$0xFFFFFED0] =	vst v2  }
0xca: {  	v2 =	vld [tilespmem:s17+$0x60];
	_ =	sdelay $0x1  }
0xcb: {  	[tilespmem:s19+$0xFFFFFD80] =	vst v1  }
0xcc: {  	v1 =	vld [tilespmem:s20+$0x10]  }
0xcd: {  	[tilespmem:s16+$0xFFFFFC30] =	vst v4  }
0xce: {  	v4 =	vld [tilespmem:s18+$0x40];
	[tilespmem:s22+$0xFFFFFEE0] =	vst v2  }
0xcf: {  	v2 =	vld [tilespmem:s17+$0x70];
	_ =	sdelay $0x1  }
0xd0: {  	[tilespmem:s19+$0xFFFFFD90] =	vst v1  }
0xd1: {  	v1 =	vld [tilespmem:s20+$0x20]  }
0xd2: {  	[tilespmem:s16+$0xFFFFFC40] =	vst v4  }
0xd3: {  	s23 =	spop (v2sf);
	v4 =	vld [tilespmem:s18+$0x50];
	[tilespmem:s22+$0xFFFFFEF0] =	vst v2  }
0xd4: {  	v2 =	vld [tilespmem:s23+$0x0]  }
0xd5: {  	(v2sf) =	vpush v0, $0x1  }
0xd6: {  	[tilespmem:s19+$0xFFFFFDA0] =	vst v1  }
0xd7: {  	v1 =	vld [tilespmem:s20+$0x30]  }
0xd8: {  	[tilespmem:s16+$0xFFFFFC50] =	vst v4  }
0xd9: {  	v4 =	vld [tilespmem:s18+$0x60];
	[tilespmem:s22+$0xFFFFFF00] =	vst v2  }
0xda: {  	v2 =	vld [tilespmem:s23+$0x10];
	_ =	sdelay $0x1  }
0xdb: {  	[tilespmem:s19+$0xFFFFFDB0] =	vst v1  }
0xdc: {  	v1 =	vld [tilespmem:s20+$0x40]  }
0xdd: {  	[tilespmem:s16+$0xFFFFFC60] =	vst v4  }
0xde: {  	v4 =	vld [tilespmem:s18+$0x70];
	[tilespmem:s22+$0xFFFFFF10] =	vst v2  }
0xdf: {  	v2 =	vld [tilespmem:s23+$0x20];
	_ =	sdelay $0x1  }
0xe0: {  	[tilespmem:s19+$0xFFFFFDC0] =	vst v1  }
0xe1: {  	v1 =	vld [tilespmem:s20+$0x50]  }
0xe2: {  	s24 =	spop (v2sf);
	[tilespmem:s16+$0xFFFFFC70] =	vst v4  }
0xe3: {  	(v2sf) =	vpush v3, $0x4;
	v4 =	vld [tilespmem:s24+$0x0];
	[tilespmem:s22+$0xFFFFFF20] =	vst v2  }
0xe4: {  	v2 =	vld [tilespmem:s23+$0x30];
	_ =	sdelay $0x1  }
0xe5: {  	[tilespmem:s19+$0xFFFFFDD0] =	vst v1  }
0xe6: {  	v1 =	vld [tilespmem:s20+$0x60]  }
0xe7: {  	[tilespmem:s16+$0xFFFFFC80] =	vst v4  }
0xe8: {  	v4 =	vld [tilespmem:s24+$0x10];
	[tilespmem:s22+$0xFFFFFF30] =	vst v2  }
0xe9: {  	v2 =	vld [tilespmem:s23+$0x40];
	_ =	sdelay $0x1  }
0xea: {  	[tilespmem:s19+$0xFFFFFDE0] =	vst v1  }
0xeb: {  	v1 =	vld [tilespmem:s20+$0x70]  }
0xec: {  	[tilespmem:s16+$0xFFFFFC90] =	vst v4  }
0xed: {  	v4 =	vld [tilespmem:s24+$0x20];
	[tilespmem:s22+$0xFFFFFF40] =	vst v2  }
0xee: {  	v2 =	vld [tilespmem:s23+$0x50];
	_ =	sdelay $0x1  }
0xef: {  	(v2sf) =	vpush v6, $0x7;
	s25 =	spop (v2sf);
	[tilespmem:s19+$0xFFFFFDF0] =	vst v1  }
0xf0: {  	v1 =	vld [tilespmem:s25+$0x0]  }
0xf1: {  	[tilespmem:s16+$0xFFFFFCA0] =	vst v4  }
0xf2: {  	v4 =	vld [tilespmem:s24+$0x30];
	[tilespmem:s22+$0xFFFFFF50] =	vst v2  }
0xf3: {  	v2 =	vld [tilespmem:s23+$0x60];
	_ =	sdelay $0x1  }
0xf4: {  	[tilespmem:s19+$0xFFFFFE00] =	vst v1  }
0xf5: {  	v1 =	vld [tilespmem:s25+$0x10]  }
0xf6: {  	[tilespmem:s16+$0xFFFFFCB0] =	vst v4  }
0xf7: {  	v4 =	vld [tilespmem:s24+$0x40];
	[tilespmem:s22+$0xFFFFFF60] =	vst v2  }
0xf8: {  	v2 =	vld [tilespmem:s23+$0x70];
	_ =	sdelay $0x1  }
0xf9: {  	[tilespmem:s19+$0xFFFFFE10] =	vst v1  }
0xfa: {  	v1 =	vld [tilespmem:s25+$0x20]  }
0xfb: {  	[tilespmem:s16+$0xFFFFFCC0] =	vst v4  }
0xfc: {  	s26 =	spop (v2sf);
	v4 =	vld [tilespmem:s24+$0x50];
	[tilespmem:s22+$0xFFFFFF70] =	vst v2  }
0xfd: {  	v2 =	vld [tilespmem:s26+$0x0]  }
0xfe: {  	(v2sf) =	vpush v0, $0x2  }
0xff: {  	[tilespmem:s19+$0xFFFFFE20] =	vst v1  }
0x100: {  	v1 =	vld [tilespmem:s25+$0x30]  }
0x101: {  	[tilespmem:s16+$0xFFFFFCD0] =	vst v4  }
0x102: {  	v4 =	vld [tilespmem:s24+$0x60];
	[tilespmem:s22+$0xFFFFFF80] =	vst v2  }
0x103: {  	v2 =	vld [tilespmem:s26+$0x10];
	_ =	sdelay $0x1  }
0x104: {  	[tilespmem:s19+$0xFFFFFE30] =	vst v1  }
0x105: {  	v1 =	vld [tilespmem:s25+$0x40]  }
0x106: {  	[tilespmem:s16+$0xFFFFFCE0] =	vst v4  }
0x107: {  	v4 =	vld [tilespmem:s24+$0x70];
	[tilespmem:s22+$0xFFFFFF90] =	vst v2  }
0x108: {  	v2 =	vld [tilespmem:s26+$0x20];
	_ =	sdelay $0x1  }
0x109: {  	[tilespmem:s19+$0xFFFFFE40] =	vst v1  }
0x10a: {  	v1 =	vld [tilespmem:s25+$0x50]  }
0x10b: {  	s9 =	spop (v2sf);
	[tilespmem:s16+$0xFFFFFCF0] =	vst v4  }
0x10c: {  	(v2sf) =	vpush v3, $0x5;
	v4 =	vld [tilespmem:s9+$0x0];
	[tilespmem:s22+$0xFFFFFFA0] =	vst v2  }
0x10d: {  	v2 =	vld [tilespmem:s26+$0x30];
	_ =	sdelay $0x1  }
0x10e: {  	[tilespmem:s19+$0xFFFFFE50] =	vst v1  }
0x10f: {  	s31 =	simm.s32 $0x30;
	v1 =	vld [tilespmem:s25+$0x60]  }
0x110: {  	v7 =	vld.idx.msk [tilespmem:v5+s31+$0x0 ss:$0x1], $0xffff;
	[tilespmem:s16+$0xFFFFFD00] =	vst v4  }
0x111: {  	v4 =	vld [tilespmem:s9+$0x10];
	[tilespmem:s22+$0xFFFFFFB0] =	vst v2  }
0x112: {  	v2 =	vld [tilespmem:s26+$0x40];
	_ =	sdelay $0x1  }
0x113: {  	[tilespmem:s19+$0xFFFFFE60] =	vst v1  }
0x114: {  	v1 =	vld [tilespmem:s25+$0x70]  }
0x115: {  	[tilespmem:s16+$0xFFFFFD10] =	vst v4;
	v4 =	vmax.f32 v7, $1.000000000e+00  }
0x116: {  	v7 =	vld [tilespmem:s9+$0x20];
	[tilespmem:s22+$0xFFFFFFC0] =	vst v2;
	v2 =	vmin.f32 v4, $4.999999050e+00  }
0x117: {  	v4 =	vld [tilespmem:s26+$0x50];
	v2 =	vtrunc.f32 v2  }
0x118: {  	v2 =	vcvt.f32.s32 v2  }
0x119: {  	(v2sf) =	vpush v6, $0x8;
	s18 =	spop (v2sf);
	[tilespmem:s19+$0xFFFFFE70] =	vst v1  }
0x11a: {  	v8 =	vld [tilespmem:s18+$0x0];
	v1 =	vshll.u32 v2, $0x7  }
0x11b: {  	[tilespmem:s16+$0xFFFFFD20] =	vst v7;
	(v2sf) =	vpush v1, $0x0  }
0x11c: {  	v2 =	vld [tilespmem:s9+$0x30];
	[tilespmem:s22+$0xFFFFFFD0] =	vst v4  }
0x11d: {  	v4 =	vld [tilespmem:s26+$0x60];
	_ =	sdelay $0x1  }
0x11e: {  	[tilespmem:s19+$0xFFFFFE80] =	vst v8  }
0x11f: {  	v7 =	vld [tilespmem:s18+$0x10]  }
0x120: {  	[tilespmem:s16+$0xFFFFFD30] =	vst v2  }
0x121: {  	v2 =	vld [tilespmem:s9+$0x40];
	[tilespmem:s22+$0xFFFFFFE0] =	vst v4  }
0x122: {  	v4 =	vld [tilespmem:s26+$0x70];
	_ =	sdelay $0x1  }
0x123: {  	[tilespmem:s19+$0xFFFFFE90] =	vst v7  }
0x124: {  	v7 =	vld [tilespmem:s18+$0x20]  }
0x125: {  	[tilespmem:s16+$0xFFFFFD40] =	vst v2  }
0x126: {  	s6 =	spop (v2sf);
	v2 =	vld [tilespmem:s9+$0x50];
	[tilespmem:s22+$0xFFFFFFF0] =	vst v4  }
0x127: {  	v4 =	vld [tilespmem:s6+$0x0]  }
0x128: {  	(v2sf) =	vpush v0, $0x3;
	s7 =	spop (v2sf)  }
0x129: {  	v8 =	vld [tilespmem:s7+$0x0];
	[tilespmem:s19+$0xFFFFFEA0] =	vst v7  }
0x12a: {  	v7 =	vld [tilespmem:s18+$0x30]  }
0x12b: {  	[tilespmem:s16+$0xFFFFFD50] =	vst v2  }
0x12c: {  	v2 =	vld [tilespmem:s9+$0x60];
	[tilespmem:s22+$0x0] =	vst v4  }
0x12d: {  	s17 =	sadd.s32 $0x800, s16;
	v4 =	vld [tilespmem:s6+$0x10]  }
0x12e: {  	[tilespmem:s17+$0xFFFFFC00] =	vst v8  }
0x12f: {  	v8 =	vld [tilespmem:s7+$0x10];
	[tilespmem:s19+$0xFFFFFEB0] =	vst v7  }
0x130: {  	v7 =	vld [tilespmem:s18+$0x40]  }
0x131: {  	[tilespmem:s16+$0xFFFFFD60] =	vst v2  }
0x132: {  	v2 =	vld [tilespmem:s9+$0x70];
	[tilespmem:s22+$0x10] =	vst v4  }
0x133: {  	v4 =	vld [tilespmem:s6+$0x20]  }
0x134: {  	[tilespmem:s17+$0xFFFFFC10] =	vst v8  }
0x135: {  	v8 =	vld [tilespmem:s7+$0x20];
	[tilespmem:s19+$0xFFFFFEC0] =	vst v7  }
0x136: {  	v7 =	vld [tilespmem:s18+$0x50]  }
0x137: {  	s9 =	spop (v2sf);
	[tilespmem:s16+$0xFFFFFD70] =	vst v2  }
0x138: {  	(v2sf) =	vpush v3, $0x6;
	v2 =	vld [tilespmem:s9+$0x0];
	[tilespmem:s22+$0x20] =	vst v4  }
0x139: {  	v4 =	vld [tilespmem:s6+$0x30]  }
0x13a: {  	[tilespmem:s17+$0xFFFFFC20] =	vst v8  }
0x13b: {  	v8 =	vld [tilespmem:s7+$0x30];
	[tilespmem:s19+$0xFFFFFED0] =	vst v7  }
0x13c: {  	v7 =	vld [tilespmem:s18+$0x60]  }
0x13d: {  	[tilespmem:s16+$0xFFFFFD80] =	vst v2  }
0x13e: {  	v2 =	vld [tilespmem:s9+$0x10];
	[tilespmem:s22+$0x30] =	vst v4  }
0x13f: {  	v4 =	vld [tilespmem:s6+$0x40]  }
0x140: {  	[tilespmem:s17+$0xFFFFFC30] =	vst v8  }
0x141: {  	v8 =	vld [tilespmem:s7+$0x40];
	[tilespmem:s19+$0xFFFFFEE0] =	vst v7  }
0x142: {  	v7 =	vld [tilespmem:s18+$0x70]  }
0x143: {  	[tilespmem:s16+$0xFFFFFD90] =	vst v2  }
0x144: {  	v2 =	vld [tilespmem:s9+$0x20];
	[tilespmem:s22+$0x40] =	vst v4  }
0x145: {  	v4 =	vld [tilespmem:s6+$0x50]  }
0x146: {  	[tilespmem:s17+$0xFFFFFC40] =	vst v8  }
0x147: {  	(v2sf) =	vpush v6, $0x9;
	s23 =	spop (v2sf);
	v8 =	vld [tilespmem:s7+$0x50];
	[tilespmem:s19+$0xFFFFFEF0] =	vst v7  }
0x148: {  	v7 =	vld [tilespmem:s23+$0x0]  }
0x149: {  	(v2sf) =	vpush v1, $0x1;
	[tilespmem:s16+$0xFFFFFDA0] =	vst v2  }
0x14a: {  	v2 =	vld [tilespmem:s9+$0x30];
	[tilespmem:s22+$0x50] =	vst v4  }
0x14b: {  	v4 =	vld [tilespmem:s6+$0x60]  }
0x14c: {  	[tilespmem:s17+$0xFFFFFC50] =	vst v8  }
0x14d: {  	v8 =	vld [tilespmem:s7+$0x60];
	[tilespmem:s19+$0xFFFFFF00] =	vst v7  }
0x14e: {  	v7 =	vld [tilespmem:s23+$0x10]  }
0x14f: {  	[tilespmem:s16+$0xFFFFFDB0] =	vst v2  }
0x150: {  	v2 =	vld [tilespmem:s9+$0x40];
	[tilespmem:s22+$0x60] =	vst v4  }
0x151: {  	v4 =	vld [tilespmem:s6+$0x70]  }
0x152: {  	[tilespmem:s17+$0xFFFFFC60] =	vst v8  }
0x153: {  	v8 =	vld [tilespmem:s7+$0x70];
	[tilespmem:s19+$0xFFFFFF10] =	vst v7  }
0x154: {  	v7 =	vld [tilespmem:s23+$0x20]  }
0x155: {  	[tilespmem:s16+$0xFFFFFDC0] =	vst v2  }
0x156: {  	s24 =	spop (v2sf);
	v2 =	vld [tilespmem:s9+$0x50];
	[tilespmem:s22+$0x70] =	vst v4  }
0x157: {  	v4 =	vld [tilespmem:s24+$0x0]  }
0x158: {  	(v2sf) =	vpush v0, $0x4;
	s20 =	spop (v2sf);
	[tilespmem:s17+$0xFFFFFC70] =	vst v8  }
0x159: {  	v8 =	vld [tilespmem:s20+$0x0];
	[tilespmem:s19+$0xFFFFFF20] =	vst v7  }
0x15a: {  	v7 =	vld [tilespmem:s23+$0x30]  }
0x15b: {  	[tilespmem:s16+$0xFFFFFDD0] =	vst v2  }
0x15c: {  	v2 =	vld [tilespmem:s9+$0x60];
	[tilespmem:s22+$0x80] =	vst v4  }
0x15d: {  	v4 =	vld [tilespmem:s24+$0x10]  }
0x15e: {  	[tilespmem:s17+$0xFFFFFC80] =	vst v8  }
0x15f: {  	v8 =	vld [tilespmem:s20+$0x10];
	[tilespmem:s19+$0xFFFFFF30] =	vst v7  }
0x160: {  	v7 =	vld [tilespmem:s23+$0x40]  }
0x161: {  	[tilespmem:s16+$0xFFFFFDE0] =	vst v2  }
0x162: {  	v2 =	vld [tilespmem:s9+$0x70];
	[tilespmem:s22+$0x90] =	vst v4  }
0x163: {  	v4 =	vld [tilespmem:s24+$0x20]  }
0x164: {  	[tilespmem:s17+$0xFFFFFC90] =	vst v8  }
0x165: {  	v8 =	vld [tilespmem:s20+$0x20];
	[tilespmem:s19+$0xFFFFFF40] =	vst v7  }
0x166: {  	v7 =	vld [tilespmem:s23+$0x50]  }
0x167: {  	s25 =	spop (v2sf);
	[tilespmem:s16+$0xFFFFFDF0] =	vst v2  }
0x168: {  	(v2sf) =	vpush v3, $0x7;
	v2 =	vld [tilespmem:s25+$0x0];
	[tilespmem:s22+$0xA0] =	vst v4  }
0x169: {  	v4 =	vld [tilespmem:s24+$0x30]  }
0x16a: {  	[tilespmem:s17+$0xFFFFFCA0] =	vst v8  }
0x16b: {  	v8 =	vld [tilespmem:s20+$0x30];
	[tilespmem:s19+$0xFFFFFF50] =	vst v7  }
0x16c: {  	v7 =	vld [tilespmem:s23+$0x60]  }
0x16d: {  	[tilespmem:s16+$0xFFFFFE00] =	vst v2  }
0x16e: {  	v2 =	vld [tilespmem:s25+$0x10];
	[tilespmem:s22+$0xB0] =	vst v4  }
0x16f: {  	v4 =	vld [tilespmem:s24+$0x40]  }
0x170: {  	[tilespmem:s17+$0xFFFFFCB0] =	vst v8  }
0x171: {  	v8 =	vld [tilespmem:s20+$0x40];
	[tilespmem:s19+$0xFFFFFF60] =	vst v7  }
0x172: {  	v7 =	vld [tilespmem:s23+$0x70]  }
0x173: {  	[tilespmem:s16+$0xFFFFFE10] =	vst v2  }
0x174: {  	v2 =	vld [tilespmem:s25+$0x20];
	[tilespmem:s22+$0xC0] =	vst v4  }
0x175: {  	v4 =	vld [tilespmem:s24+$0x50]  }
0x176: {  	[tilespmem:s17+$0xFFFFFCC0] =	vst v8  }
0x177: {  	(v2sf) =	vpush v6, $0xA;
	s26 =	spop (v2sf);
	v8 =	vld [tilespmem:s20+$0x50];
	[tilespmem:s19+$0xFFFFFF70] =	vst v7  }
0x178: {  	v7 =	vld [tilespmem:s26+$0x0]  }
0x179: {  	(v2sf) =	vpush v1, $0x2;
	[tilespmem:s16+$0xFFFFFE20] =	vst v2  }
0x17a: {  	v2 =	vld [tilespmem:s25+$0x30];
	[tilespmem:s22+$0xD0] =	vst v4  }
0x17b: {  	v4 =	vld [tilespmem:s24+$0x60]  }
0x17c: {  	[tilespmem:s17+$0xFFFFFCD0] =	vst v8  }
0x17d: {  	v8 =	vld [tilespmem:s20+$0x60];
	[tilespmem:s19+$0xFFFFFF80] =	vst v7  }
0x17e: {  	v7 =	vld [tilespmem:s26+$0x10]  }
0x17f: {  	[tilespmem:s16+$0xFFFFFE30] =	vst v2  }
0x180: {  	v2 =	vld [tilespmem:s25+$0x40];
	[tilespmem:s22+$0xE0] =	vst v4  }
0x181: {  	v4 =	vld [tilespmem:s24+$0x70]  }
0x182: {  	[tilespmem:s17+$0xFFFFFCE0] =	vst v8  }
0x183: {  	v8 =	vld [tilespmem:s20+$0x70];
	[tilespmem:s19+$0xFFFFFF90] =	vst v7  }
0x184: {  	v7 =	vld [tilespmem:s26+$0x20]  }
0x185: {  	[tilespmem:s16+$0xFFFFFE40] =	vst v2  }
0x186: {  	s31 =	spop (v2sf);
	v2 =	vld [tilespmem:s25+$0x50];
	[tilespmem:s22+$0xF0] =	vst v4  }
0x187: {  	v4 =	vld [tilespmem:s31+$0x0]  }
0x188: {  	(v2sf) =	vpush v0, $0x5;
	s7 =	spop (v2sf);
	[tilespmem:s17+$0xFFFFFCF0] =	vst v8  }
0x189: {  	v8 =	vld [tilespmem:s7+$0x0];
	[tilespmem:s19+$0xFFFFFFA0] =	vst v7  }
0x18a: {  	v7 =	vld [tilespmem:s26+$0x30]  }
0x18b: {  	[tilespmem:s16+$0xFFFFFE50] =	vst v2  }
0x18c: {  	v2 =	vld [tilespmem:s25+$0x60];
	[tilespmem:s22+$0x100] =	vst v4  }
0x18d: {  	s18 =	simm.s32 $0x40;
	v4 =	vld [tilespmem:s31+$0x10]  }
0x18e: {  	v9 =	vld.idx.msk [tilespmem:v5+s18+$0x0 ss:$0x1], $0xffff;
	[tilespmem:s17+$0xFFFFFD00] =	vst v8  }
0x18f: {  	v8 =	vld [tilespmem:s7+$0x10];
	[tilespmem:s19+$0xFFFFFFB0] =	vst v7  }
0x190: {  	v7 =	vld [tilespmem:s26+$0x40]  }
0x191: {  	[tilespmem:s16+$0xFFFFFE60] =	vst v2  }
0x192: {  	v2 =	vld [tilespmem:s25+$0x70];
	[tilespmem:s22+$0x110] =	vst v4  }
0x193: {  	v9 =	vmax.f32 v9, $1.000000000e+00;
	v4 =	vld [tilespmem:s31+$0x20]  }
0x194: {  	[tilespmem:s17+$0xFFFFFD10] =	vst v8;
	v8 =	vmin.f32 v9, $4.999999050e+00  }
0x195: {  	v9 =	vld [tilespmem:s7+$0x20];
	[tilespmem:s19+$0xFFFFFFC0] =	vst v7;
	v7 =	vtrunc.f32 v8  }
0x196: {  	v8 =	vld [tilespmem:s26+$0x50];
	v7 =	vcvt.f32.s32 v7  }
0x197: {  	s23 =	spop (v2sf);
	[tilespmem:s16+$0xFFFFFE70] =	vst v2  }
0x198: {  	(v2sf) =	vpush v3, $0x8;
	v10 =	vld [tilespmem:s23+$0x0];
	[tilespmem:s22+$0x120] =	vst v4;
	v2 =	vshll.u32 v7, $0x7  }
0x199: {  	v4 =	vld [tilespmem:s31+$0x30];
	(v2sf) =	vpush v2, $0x0  }
0x19a: {  	[tilespmem:s17+$0xFFFFFD20] =	vst v9  }
0x19b: {  	v7 =	vld [tilespmem:s7+$0x30];
	[tilespmem:s19+$0xFFFFFFD0] =	vst v8  }
0x19c: {  	v8 =	vld [tilespmem:s26+$0x60]  }
0x19d: {  	[tilespmem:s16+$0xFFFFFE80] =	vst v10  }
0x19e: {  	v9 =	vld [tilespmem:s23+$0x10];
	[tilespmem:s22+$0x130] =	vst v4  }
0x19f: {  	v4 =	vld [tilespmem:s31+$0x40]  }
0x1a0: {  	[tilespmem:s17+$0xFFFFFD30] =	vst v7  }
0x1a1: {  	v7 =	vld [tilespmem:s7+$0x40];
	[tilespmem:s19+$0xFFFFFFE0] =	vst v8  }
0x1a2: {  	v8 =	vld [tilespmem:s26+$0x70]  }
0x1a3: {  	[tilespmem:s16+$0xFFFFFE90] =	vst v9  }
0x1a4: {  	[tilespmem:s22+$0x140] =	vst v4;
	v4 =	vld [tilespmem:s23+$0x20]  }
0x1a5: {  	v9 =	vld [tilespmem:s31+$0x50]  }
0x1a6: {  	[tilespmem:s17+$0xFFFFFD40] =	vst v7  }
0x1a7: {  	s24 =	spop (v2sf);
	(v2sf) =	vpush v6, $0xB;
	v7 =	vld [tilespmem:s7+$0x50];
	[tilespmem:s19+$0xFFFFFFF0] =	vst v8  }
0x1a8: {  	v8 =	vld [tilespmem:s24+$0x0];
	s25 =	spop (v2sf)  }
0x1a9: {  	(v2sf) =	vpush v1, $0x3;
	v10 =	vld [tilespmem:s25+$0x0];
	[tilespmem:s16+$0xFFFFFEA0] =	vst v4  }
0x1aa: {  	v4 =	vld [tilespmem:s23+$0x30];
	[tilespmem:s22+$0x150] =	vst v9  }
0x1ab: {  	v9 =	vld [tilespmem:s31+$0x60]  }
0x1ac: {  	[tilespmem:s17+$0xFFFFFD50] =	vst v7  }
0x1ad: {  	s18 =	sadd.s32 $0x800, s17;
	v7 =	vld [tilespmem:s7+$0x60];
	[tilespmem:s19+$0x0] =	vst v8  }
0x1ae: {  	v8 =	vld [tilespmem:s24+$0x10];
	[tilespmem:s18+$0xFFFFFC00] =	vst v10  }
0x1af: {  	v10 =	vld [tilespmem:s25+$0x10];
	[tilespmem:s16+$0xFFFFFEB0] =	vst v4  }
0x1b0: {  	v4 =	vld [tilespmem:s23+$0x40];
	[tilespmem:s22+$0x160] =	vst v9  }
0x1b1: {  	v9 =	vld [tilespmem:s31+$0x70]  }
0x1b2: {  	[tilespmem:s17+$0xFFFFFD60] =	vst v7  }
0x1b3: {  	v7 =	vld [tilespmem:s7+$0x70];
	[tilespmem:s19+$0x10] =	vst v8  }
0x1b4: {  	v8 =	vld [tilespmem:s24+$0x20];
	[tilespmem:s18+$0xFFFFFC10] =	vst v10  }
0x1b5: {  	v10 =	vld [tilespmem:s25+$0x20];
	[tilespmem:s16+$0xFFFFFEC0] =	vst v4  }
0x1b6: {  	s26 =	spop (v2sf);
	v4 =	vld [tilespmem:s23+$0x50];
	[tilespmem:s22+$0x170] =	vst v9  }
0x1b7: {  	v9 =	vld [tilespmem:s26+$0x0]  }
0x1b8: {  	s31 =	spop (v2sf);
	(v2sf) =	vpush v0, $0x6;
	[tilespmem:s17+$0xFFFFFD70] =	vst v7  }
0x1b9: {  	v7 =	vld [tilespmem:s31+$0x0];
	[tilespmem:s19+$0x20] =	vst v8  }
0x1ba: {  	v8 =	vld [tilespmem:s24+$0x30];
	[tilespmem:s18+$0xFFFFFC20] =	vst v10  }
0x1bb: {  	v10 =	vld [tilespmem:s25+$0x30];
	[tilespmem:s16+$0xFFFFFED0] =	vst v4  }
0x1bc: {  	v4 =	vld [tilespmem:s23+$0x60];
	[tilespmem:s22+$0x180] =	vst v9  }
0x1bd: {  	v9 =	vld [tilespmem:s26+$0x10]  }
0x1be: {  	[tilespmem:s17+$0xFFFFFD80] =	vst v7  }
0x1bf: {  	v7 =	vld [tilespmem:s31+$0x10];
	[tilespmem:s19+$0x30] =	vst v8  }
0x1c0: {  	v8 =	vld [tilespmem:s24+$0x40];
	[tilespmem:s18+$0xFFFFFC30] =	vst v10  }
0x1c1: {  	v10 =	vld [tilespmem:s25+$0x40];
	[tilespmem:s16+$0xFFFFFEE0] =	vst v4  }
0x1c2: {  	v4 =	vld [tilespmem:s23+$0x70];
	[tilespmem:s22+$0x190] =	vst v9  }
0x1c3: {  	v9 =	vld [tilespmem:s26+$0x20]  }
0x1c4: {  	[tilespmem:s17+$0xFFFFFD90] =	vst v7  }
0x1c5: {  	v7 =	vld [tilespmem:s31+$0x20];
	[tilespmem:s19+$0x40] =	vst v8  }
0x1c6: {  	v8 =	vld [tilespmem:s24+$0x50];
	[tilespmem:s18+$0xFFFFFC40] =	vst v10  }
0x1c7: {  	s7 =	spop (v2sf);
	v10 =	vld [tilespmem:s25+$0x50];
	[tilespmem:s16+$0xFFFFFEF0] =	vst v4  }
0x1c8: {  	(v2sf) =	vpush v3, $0x9;
	v4 =	vld [tilespmem:s7+$0x0];
	[tilespmem:s22+$0x1A0] =	vst v9  }
0x1c9: {  	(v2sf) =	vpush v2, $0x1;
	v9 =	vld [tilespmem:s26+$0x30]  }
0x1ca: {  	[tilespmem:s17+$0xFFFFFDA0] =	vst v7  }
0x1cb: {  	v7 =	vld [tilespmem:s31+$0x30];
	[tilespmem:s19+$0x50] =	vst v8  }
0x1cc: {  	v8 =	vld [tilespmem:s24+$0x60];
	[tilespmem:s18+$0xFFFFFC50] =	vst v10  }
0x1cd: {  	v10 =	vld [tilespmem:s25+$0x60];
	[tilespmem:s16+$0xFFFFFF00] =	vst v4  }
0x1ce: {  	v4 =	vld [tilespmem:s7+$0x10];
	[tilespmem:s22+$0x1B0] =	vst v9  }
0x1cf: {  	v9 =	vld [tilespmem:s26+$0x40]  }
0x1d0: {  	[tilespmem:s17+$0xFFFFFDB0] =	vst v7  }
0x1d1: {  	v7 =	vld [tilespmem:s31+$0x40];
	[tilespmem:s19+$0x60] =	vst v8  }
0x1d2: {  	v8 =	vld [tilespmem:s24+$0x70];
	[tilespmem:s18+$0xFFFFFC60] =	vst v10  }
0x1d3: {  	v10 =	vld [tilespmem:s25+$0x70];
	[tilespmem:s16+$0xFFFFFF10] =	vst v4  }
0x1d4: {  	v4 =	vld [tilespmem:s7+$0x20];
	[tilespmem:s22+$0x1C0] =	vst v9  }
0x1d5: {  	v9 =	vld [tilespmem:s26+$0x50]  }
0x1d6: {  	[tilespmem:s17+$0xFFFFFDC0] =	vst v7  }
0x1d7: {  	s9 =	spop (v2sf);
	(v2sf) =	vpush v6, $0xC;
	v7 =	vld [tilespmem:s31+$0x50];
	[tilespmem:s19+$0x70] =	vst v8  }
0x1d8: {  	s23 =	spop (v2sf);
	v8 =	vld [tilespmem:s9+$0x0];
	[tilespmem:s18+$0xFFFFFC70] =	vst v10  }
0x1d9: {  	(v2sf) =	vpush v1, $0x4;
	v10 =	vld [tilespmem:s23+$0x0];
	[tilespmem:s16+$0xFFFFFF20] =	vst v4  }
0x1da: {  	v4 =	vld [tilespmem:s7+$0x30];
	[tilespmem:s22+$0x1D0] =	vst v9  }
0x1db: {  	v9 =	vld [tilespmem:s26+$0x60]  }
0x1dc: {  	[tilespmem:s17+$0xFFFFFDD0] =	vst v7  }
0x1dd: {  	v7 =	vld [tilespmem:s31+$0x60];
	[tilespmem:s19+$0x80] =	vst v8  }
0x1de: {  	v8 =	vld [tilespmem:s9+$0x10];
	[tilespmem:s18+$0xFFFFFC80] =	vst v10  }
0x1df: {  	v10 =	vld [tilespmem:s23+$0x10];
	[tilespmem:s16+$0xFFFFFF30] =	vst v4  }
0x1e0: {  	v4 =	vld [tilespmem:s7+$0x40];
	[tilespmem:s22+$0x1E0] =	vst v9  }
0x1e1: {  	v9 =	vld [tilespmem:s26+$0x70]  }
0x1e2: {  	[tilespmem:s17+$0xFFFFFDE0] =	vst v7  }
0x1e3: {  	v7 =	vld [tilespmem:s31+$0x70];
	[tilespmem:s19+$0x90] =	vst v8  }
0x1e4: {  	v8 =	vld [tilespmem:s9+$0x20];
	[tilespmem:s18+$0xFFFFFC90] =	vst v10  }
0x1e5: {  	v10 =	vld [tilespmem:s23+$0x20];
	[tilespmem:s16+$0xFFFFFF40] =	vst v4  }
0x1e6: {  	s24 =	spop (v2sf);
	v4 =	vld [tilespmem:s7+$0x50];
	[tilespmem:s22+$0x1F0] =	vst v9  }
0x1e7: {  	v9 =	vld [tilespmem:s24+$0x0]  }
0x1e8: {  	s26 =	spop (v2sf);
	(v2sf) =	vpush v0, $0x7;
	[tilespmem:s17+$0xFFFFFDF0] =	vst v7  }
0x1e9: {  	v7 =	vld [tilespmem:s26+$0x0];
	[tilespmem:s19+$0xA0] =	vst v8  }
0x1ea: {  	v8 =	vld [tilespmem:s9+$0x30];
	[tilespmem:s18+$0xFFFFFCA0] =	vst v10  }
0x1eb: {  	v10 =	vld [tilespmem:s23+$0x30];
	[tilespmem:s16+$0xFFFFFF50] =	vst v4  }
0x1ec: {  	v4 =	vld [tilespmem:s7+$0x60];
	[tilespmem:s22+$0x200] =	vst v9  }
0x1ed: {  	v9 =	vld [tilespmem:s24+$0x10]  }
0x1ee: {  	[tilespmem:s17+$0xFFFFFE00] =	vst v7  }
0x1ef: {  	v7 =	vld [tilespmem:s26+$0x10];
	[tilespmem:s19+$0xB0] =	vst v8  }
0x1f0: {  	v8 =	vld [tilespmem:s9+$0x40];
	[tilespmem:s18+$0xFFFFFCB0] =	vst v10  }
0x1f1: {  	v10 =	vld [tilespmem:s23+$0x40];
	[tilespmem:s16+$0xFFFFFF60] =	vst v4  }
0x1f2: {  	v4 =	vld [tilespmem:s7+$0x70];
	[tilespmem:s22+$0x210] =	vst v9  }
0x1f3: {  	v9 =	vld [tilespmem:s24+$0x20]  }
0x1f4: {  	[tilespmem:s17+$0xFFFFFE10] =	vst v7  }
0x1f5: {  	v7 =	vld [tilespmem:s26+$0x20];
	[tilespmem:s19+$0xC0] =	vst v8  }
0x1f6: {  	v8 =	vld [tilespmem:s9+$0x50];
	[tilespmem:s18+$0xFFFFFCC0] =	vst v10  }
0x1f7: {  	s31 =	spop (v2sf);
	v10 =	vld [tilespmem:s23+$0x50];
	[tilespmem:s16+$0xFFFFFF70] =	vst v4  }
0x1f8: {  	(v2sf) =	vpush v3, $0xA;
	v4 =	vld [tilespmem:s31+$0x0];
	[tilespmem:s22+$0x220] =	vst v9  }
0x1f9: {  	(v2sf) =	vpush v2, $0x2;
	v9 =	vld [tilespmem:s24+$0x30]  }
0x1fa: {  	[tilespmem:s17+$0xFFFFFE20] =	vst v7  }
0x1fb: {  	v7 =	vld [tilespmem:s26+$0x30];
	[tilespmem:s19+$0xD0] =	vst v8  }
0x1fc: {  	v8 =	vld [tilespmem:s9+$0x60];
	[tilespmem:s18+$0xFFFFFCD0] =	vst v10  }
0x1fd: {  	v10 =	vld [tilespmem:s23+$0x60];
	[tilespmem:s16+$0xFFFFFF80] =	vst v4  }
0x1fe: {  	v4 =	vld [tilespmem:s31+$0x10];
	[tilespmem:s22+$0x230] =	vst v9  }
0x1ff: {  	v9 =	vld [tilespmem:s24+$0x40]  }
0x200: {  	[tilespmem:s17+$0xFFFFFE30] =	vst v7  }
0x201: {  	v7 =	vld [tilespmem:s26+$0x40];
	[tilespmem:s19+$0xE0] =	vst v8  }
0x202: {  	v8 =	vld [tilespmem:s9+$0x70];
	[tilespmem:s18+$0xFFFFFCE0] =	vst v10  }
0x203: {  	v10 =	vld [tilespmem:s23+$0x70];
	[tilespmem:s16+$0xFFFFFF90] =	vst v4  }
0x204: {  	v4 =	vld [tilespmem:s31+$0x20];
	[tilespmem:s22+$0x240] =	vst v9  }
0x205: {  	v9 =	vld [tilespmem:s24+$0x50]  }
0x206: {  	[tilespmem:s17+$0xFFFFFE40] =	vst v7  }
0x207: {  	s23 =	spop (v2sf);
	(v2sf) =	vpush v6, $0xD;
	v7 =	vld [tilespmem:s26+$0x50];
	[tilespmem:s19+$0xF0] =	vst v8  }
0x208: {  	s25 =	spop (v2sf);
	v8 =	vld [tilespmem:s23+$0x0];
	[tilespmem:s18+$0xFFFFFCF0] =	vst v10  }
0x209: {  	(v2sf) =	vpush v1, $0x5;
	v10 =	vld [tilespmem:s25+$0x0];
	[tilespmem:s16+$0xFFFFFFA0] =	vst v4  }
0x20a: {  	v4 =	vld [tilespmem:s31+$0x30];
	[tilespmem:s22+$0x250] =	vst v9  }
0x20b: {  	s7 =	simm.s32 $0x50;
	v9 =	vld [tilespmem:s24+$0x60]  }
0x20c: {  	v11 =	vld.idx.msk [tilespmem:v5+s7+$0x0 ss:$0x1], $0xffff;
	[tilespmem:s17+$0xFFFFFE50] =	vst v7  }
0x20d: {  	v7 =	vld [tilespmem:s26+$0x60];
	[tilespmem:s19+$0x100] =	vst v8  }
0x20e: {  	v8 =	vld [tilespmem:s23+$0x10];
	[tilespmem:s18+$0xFFFFFD00] =	vst v10  }
0x20f: {  	v10 =	vld [tilespmem:s25+$0x10];
	[tilespmem:s16+$0xFFFFFFB0] =	vst v4  }
0x210: {  	v4 =	vld [tilespmem:s31+$0x40];
	[tilespmem:s22+$0x260] =	vst v9  }
0x211: {  	v9 =	vld [tilespmem:s24+$0x70]  }
0x212: {  	[tilespmem:s17+$0xFFFFFE60] =	vst v7  }
0x213: {  	v7 =	vld [tilespmem:s26+$0x70];
	[tilespmem:s19+$0x110] =	vst v8  }
0x214: {  	v11 =	vmax.f32 v11, $1.000000000e+00;
	v8 =	vld [tilespmem:s23+$0x20];
	[tilespmem:s18+$0xFFFFFD10] =	vst v10  }
0x215: {  	v10 =	vmin.f32 v11, $4.999999050e+00;
	v11 =	vld [tilespmem:s25+$0x20];
	[tilespmem:s16+$0xFFFFFFC0] =	vst v4  }
0x216: {  	s9 =	spop (v2sf);
	v4 =	vtrunc.f32 v10;
	v10 =	vld [tilespmem:s31+$0x50];
	[tilespmem:s22+$0x270] =	vst v9  }
0x217: {  	v4 =	vcvt.f32.s32 v4;
	v9 =	vld [tilespmem:s9+$0x0]  }
0x218: {  	(v2sf) =	vpush v0, $0x8;
	s24 =	spop (v2sf);
	[tilespmem:s17+$0xFFFFFE70] =	vst v7  }
0x219: {  	v4 =	vshll.u32 v4, $0x7;
	v7 =	vld [tilespmem:s24+$0x0];
	[tilespmem:s19+$0x120] =	vst v8  }
0x21a: {  	(v2sf) =	vpush v4, $0x0;
	v8 =	vld [tilespmem:s23+$0x30];
	[tilespmem:s18+$0xFFFFFD20] =	vst v11  }
0x21b: {  	v11 =	vld [tilespmem:s25+$0x30];
	[tilespmem:s16+$0xFFFFFFD0] =	vst v10  }
0x21c: {  	v10 =	vld [tilespmem:s31+$0x60];
	[tilespmem:s22+$0x280] =	vst v9  }
0x21d: {  	v9 =	vld [tilespmem:s9+$0x10]  }
0x21e: {  	[tilespmem:s17+$0xFFFFFE80] =	vst v7  }
0x21f: {  	v7 =	vld [tilespmem:s24+$0x10];
	[tilespmem:s19+$0x130] =	vst v8  }
0x220: {  	v8 =	vld [tilespmem:s23+$0x40];
	[tilespmem:s18+$0xFFFFFD30] =	vst v11  }
0x221: {  	v11 =	vld [tilespmem:s25+$0x40];
	[tilespmem:s16+$0xFFFFFFE0] =	vst v10  }
0x222: {  	v10 =	vld [tilespmem:s31+$0x70];
	[tilespmem:s22+$0x290] =	vst v9  }
0x223: {  	s26 =	simm.s32 $0x60;
	v9 =	vld [tilespmem:s9+$0x20]  }
0x224: {  	[tilespmem:s17+$0xFFFFFE90] =	vst v7;
	v7 =	vld.idx.msk [tilespmem:v5+s26+$0x0 ss:$0x1], $0xffff  }
0x225: {  	[tilespmem:s19+$0x140] =	vst v8;
	v8 =	vld [tilespmem:s24+$0x20]  }
0x226: {  	[tilespmem:s18+$0xFFFFFD40] =	vst v11;
	v11 =	vld [tilespmem:s23+$0x50]  }
0x227: {  	s31 =	spop (v2sf);
	v12 =	vld [tilespmem:s25+$0x50];
	[tilespmem:s16+$0xFFFFFFF0] =	vst v10  }
0x228: {  	(v2sf) =	vpush v3, $0xB;
	v10 =	vld [tilespmem:s31+$0x0];
	[tilespmem:s22+$0x2A0] =	vst v9  }
0x229: {  	s7 =	spop (v2sf);
	(v2sf) =	vpush v2, $0x3;
	v9 =	vld [tilespmem:s9+$0x30]  }
0x22a: {  	v13 =	vld [tilespmem:s7+$0x0];
	[tilespmem:s17+$0xFFFFFEA0] =	vst v8  }
0x22b: {  	v8 =	vld [tilespmem:s24+$0x30];
	[tilespmem:s19+$0x150] =	vst v11  }
0x22c: {  	[tilespmem:s18+$0xFFFFFD50] =	vst v12;
	v11 =	vld [tilespmem:s23+$0x60]  }
0x22d: {  	v12 =	vld [tilespmem:s25+$0x60];
	[tilespmem:s16+$0x0] =	vst v10  }
0x22e: {  	s20 =	sadd.s32 $0x800, s18;
	v10 =	vld [tilespmem:s31+$0x10];
	[tilespmem:s22+$0x2B0] =	vst v9  }
0x22f: {  	[tilespmem:s20+$0xFFFFFC00] =	vst v13;
	v9 =	vld [tilespmem:s9+$0x40]  }
0x230: {  	v13 =	vld [tilespmem:s7+$0x10];
	[tilespmem:s17+$0xFFFFFEB0] =	vst v8  }
0x231: {  	v8 =	vld [tilespmem:s24+$0x40];
	[tilespmem:s19+$0x160] =	vst v11  }
0x232: {  	[tilespmem:s18+$0xFFFFFD60] =	vst v12;
	v11 =	vld [tilespmem:s23+$0x70]  }
0x233: {  	v12 =	vld [tilespmem:s25+$0x70];
	[tilespmem:s16+$0x10] =	vst v10  }
0x234: {  	v10 =	vld [tilespmem:s31+$0x20];
	[tilespmem:s22+$0x2C0] =	vst v9  }
0x235: {  	[tilespmem:s20+$0xFFFFFC10] =	vst v13;
	v9 =	vld [tilespmem:s9+$0x50]  }
0x236: {  	v13 =	vld [tilespmem:s7+$0x20];
	[tilespmem:s17+$0xFFFFFEC0] =	vst v8  }
0x237: {  	s23 =	spop (v2sf);
	(v2sf) =	vpush v6, $0xE;
	v8 =	vld [tilespmem:s24+$0x50];
	[tilespmem:s19+$0x170] =	vst v11  }
0x238: {  	s25 =	spop (v2sf);
	[tilespmem:s18+$0xFFFFFD70] =	vst v12;
	v11 =	vld [tilespmem:s23+$0x0]  }
0x239: {  	(v2sf) =	vpush v1, $0x6;
	v12 =	vld [tilespmem:s25+$0x0];
	[tilespmem:s16+$0x20] =	vst v10  }
0x23a: {  	v10 =	vld [tilespmem:s31+$0x30];
	[tilespmem:s22+$0x2D0] =	vst v9  }
0x23b: {  	[tilespmem:s20+$0xFFFFFC20] =	vst v13;
	v9 =	vld [tilespmem:s9+$0x60]  }
0x23c: {  	v13 =	vld [tilespmem:s7+$0x30];
	[tilespmem:s17+$0xFFFFFED0] =	vst v8  }
0x23d: {  	v8 =	vld [tilespmem:s24+$0x60];
	[tilespmem:s19+$0x180] =	vst v11  }
0x23e: {  	[tilespmem:s18+$0xFFFFFD80] =	vst v12;
	v11 =	vld [tilespmem:s23+$0x10]  }
0x23f: {  	v12 =	vld [tilespmem:s25+$0x10];
	[tilespmem:s16+$0x30] =	vst v10  }
0x240: {  	v10 =	vld [tilespmem:s31+$0x40];
	[tilespmem:s22+$0x2E0] =	vst v9  }
0x241: {  	[tilespmem:s20+$0xFFFFFC30] =	vst v13;
	v9 =	vld [tilespmem:s9+$0x70]  }
0x242: {  	v13 =	vld [tilespmem:s7+$0x40];
	[tilespmem:s17+$0xFFFFFEE0] =	vst v8  }
0x243: {  	v8 =	vld [tilespmem:s24+$0x70];
	[tilespmem:s19+$0x190] =	vst v11  }
0x244: {  	[tilespmem:s18+$0xFFFFFD90] =	vst v12;
	v11 =	vld [tilespmem:s23+$0x20]  }
0x245: {  	v12 =	vld [tilespmem:s25+$0x20];
	[tilespmem:s16+$0x40] =	vst v10  }
0x246: {  	s24 =	spop (v2sf);
	v10 =	vld [tilespmem:s31+$0x50];
	[tilespmem:s22+$0x2F0] =	vst v9  }
0x247: {  	[tilespmem:s20+$0xFFFFFC40] =	vst v13;
	v9 =	vld [tilespmem:s24+$0x0]  }
0x248: {  	(v2sf) =	vpush v0, $0x9;
	s26 =	spop (v2sf);
	v13 =	vld [tilespmem:s7+$0x50];
	[tilespmem:s17+$0xFFFFFEF0] =	vst v8  }
0x249: {  	v8 =	vld [tilespmem:s26+$0x0];
	[tilespmem:s19+$0x1A0] =	vst v11  }
0x24a: {  	(v2sf) =	vpush v4, $0x1;
	[tilespmem:s18+$0xFFFFFDA0] =	vst v12;
	v11 =	vld [tilespmem:s23+$0x30]  }
0x24b: {  	v12 =	vld [tilespmem:s25+$0x30];
	[tilespmem:s16+$0x50] =	vst v10  }
0x24c: {  	v10 =	vld [tilespmem:s31+$0x60];
	[tilespmem:s22+$0x300] =	vst v9  }
0x24d: {  	[tilespmem:s20+$0xFFFFFC50] =	vst v13;
	v9 =	vld [tilespmem:s24+$0x10]  }
0x24e: {  	v13 =	vld [tilespmem:s7+$0x60];
	[tilespmem:s17+$0xFFFFFF00] =	vst v8  }
0x24f: {  	v8 =	vld [tilespmem:s26+$0x10];
	[tilespmem:s19+$0x1B0] =	vst v11  }
0x250: {  	[tilespmem:s18+$0xFFFFFDB0] =	vst v12;
	v11 =	vld [tilespmem:s23+$0x40]  }
0x251: {  	v12 =	vld [tilespmem:s25+$0x40];
	[tilespmem:s16+$0x60] =	vst v10  }
0x252: {  	v10 =	vld [tilespmem:s31+$0x70];
	[tilespmem:s22+$0x310] =	vst v9  }
0x253: {  	[tilespmem:s20+$0xFFFFFC60] =	vst v13;
	v9 =	vld [tilespmem:s24+$0x20]  }
0x254: {  	v13 =	vld [tilespmem:s7+$0x70];
	[tilespmem:s17+$0xFFFFFF10] =	vst v8  }
0x255: {  	v8 =	vld [tilespmem:s26+$0x20];
	[tilespmem:s19+$0x1C0] =	vst v11  }
0x256: {  	[tilespmem:s18+$0xFFFFFDC0] =	vst v12;
	v11 =	vld [tilespmem:s23+$0x50]  }
0x257: {  	s31 =	spop (v2sf);
	v12 =	vld [tilespmem:s25+$0x50];
	[tilespmem:s16+$0x70] =	vst v10  }
0x258: {  	(v2sf) =	vpush v3, $0xC;
	v10 =	vld [tilespmem:s31+$0x0];
	[tilespmem:s22+$0x320] =	vst v9  }
0x259: {  	s7 =	spop (v2sf);
	(v2sf) =	vpush v2, $0x4;
	[tilespmem:s20+$0xFFFFFC70] =	vst v13;
	v9 =	vld [tilespmem:s24+$0x30]  }
0x25a: {  	v13 =	vld [tilespmem:s7+$0x0];
	[tilespmem:s17+$0xFFFFFF20] =	vst v8  }
0x25b: {  	v8 =	vld [tilespmem:s26+$0x30];
	[tilespmem:s19+$0x1D0] =	vst v11  }
0x25c: {  	[tilespmem:s18+$0xFFFFFDD0] =	vst v12;
	v11 =	vld [tilespmem:s23+$0x60]  }
0x25d: {  	v12 =	vld [tilespmem:s25+$0x60];
	[tilespmem:s16+$0x80] =	vst v10  }
0x25e: {  	v10 =	vld [tilespmem:s31+$0x10];
	[tilespmem:s22+$0x330] =	vst v9  }
0x25f: {  	[tilespmem:s20+$0xFFFFFC80] =	vst v13;
	v9 =	vld [tilespmem:s24+$0x40]  }
0x260: {  	v13 =	vld [tilespmem:s7+$0x10];
	[tilespmem:s17+$0xFFFFFF30] =	vst v8  }
0x261: {  	v8 =	vld [tilespmem:s26+$0x40];
	[tilespmem:s19+$0x1E0] =	vst v11  }
0x262: {  	[tilespmem:s18+$0xFFFFFDE0] =	vst v12;
	v11 =	vld [tilespmem:s23+$0x70]  }
0x263: {  	v12 =	vld [tilespmem:s25+$0x70];
	[tilespmem:s16+$0x90] =	vst v10  }
0x264: {  	v10 =	vld [tilespmem:s31+$0x20];
	[tilespmem:s22+$0x340] =	vst v9  }
0x265: {  	[tilespmem:s20+$0xFFFFFC90] =	vst v13;
	v9 =	vld [tilespmem:s24+$0x50]  }
0x266: {  	v13 =	vld [tilespmem:s7+$0x20];
	[tilespmem:s17+$0xFFFFFF40] =	vst v8  }
0x267: {  	s25 =	spop (v2sf);
	(v2sf) =	vpush v6, $0xF;
	v8 =	vld [tilespmem:s26+$0x50];
	[tilespmem:s19+$0x1F0] =	vst v11  }
0x268: {  	s30 =	spop (v2sf);
	[tilespmem:s18+$0xFFFFFDF0] =	vst v12;
	v6 =	vld [tilespmem:s25+$0x0]  }
0x269: {  	(v2sf) =	vpush v1, $0x7;
	v11 =	vld [tilespmem:s30+$0x0];
	[tilespmem:s16+$0xA0] =	vst v10  }
0x26a: {  	v10 =	vld [tilespmem:s31+$0x30];
	[tilespmem:s22+$0x350] =	vst v9  }
0x26b: {  	[tilespmem:s20+$0xFFFFFCA0] =	vst v13;
	v9 =	vld [tilespmem:s24+$0x60]  }
0x26c: {  	v61 =	vld [tilespmem:s7+$0x30];
	[tilespmem:s17+$0xFFFFFF50] =	vst v8  }
0x26d: {  	v8 =	vld [tilespmem:s26+$0x60];
	[tilespmem:s19+$0x200] =	vst v6  }
0x26e: {  	[tilespmem:s18+$0xFFFFFE00] =	vst v11;
	v6 =	vld [tilespmem:s25+$0x10]  }
0x26f: {  	v11 =	vld [tilespmem:s30+$0x10];
	[tilespmem:s16+$0xB0] =	vst v10  }
0x270: {  	v10 =	vld [tilespmem:s31+$0x40];
	[tilespmem:s22+$0x360] =	vst v9  }
0x271: {  	[tilespmem:s20+$0xFFFFFCB0] =	vst v61;
	v9 =	vld [tilespmem:s24+$0x70]  }
0x272: {  	v12 =	vld [tilespmem:s7+$0x40];
	[tilespmem:s17+$0xFFFFFF60] =	vst v8  }
0x273: {  	v8 =	vld [tilespmem:s26+$0x70];
	[tilespmem:s19+$0x210] =	vst v6  }
0x274: {  	[tilespmem:s18+$0xFFFFFE10] =	vst v11;
	v6 =	vld [tilespmem:s25+$0x20]  }
0x275: {  	v11 =	vld [tilespmem:s30+$0x20];
	[tilespmem:s16+$0xC0] =	vst v10  }
0x276: {  	s26 =	spop (v2sf);
	v10 =	vld [tilespmem:s31+$0x50];
	[tilespmem:s22+$0x370] =	vst v9  }
0x277: {  	[tilespmem:s20+$0xFFFFFCC0] =	vst v12;
	v9 =	vld [tilespmem:s26+$0x0]  }
0x278: {  	(v2sf) =	vpush v0, $0xA;
	s29 =	spop (v2sf);
	v12 =	vld [tilespmem:s7+$0x50];
	[tilespmem:s17+$0xFFFFFF70] =	vst v8  }
0x279: {  	v8 =	vld [tilespmem:s29+$0x0];
	[tilespmem:s19+$0x220] =	vst v6  }
0x27a: {  	(v2sf) =	vpush v4, $0x2;
	[tilespmem:s18+$0xFFFFFE20] =	vst v11;
	v6 =	vld [tilespmem:s25+$0x30]  }
0x27b: {  	v11 =	vld [tilespmem:s30+$0x30];
	[tilespmem:s16+$0xD0] =	vst v10  }
0x27c: {  	v10 =	vld [tilespmem:s31+$0x60];
	[tilespmem:s22+$0x380] =	vst v9  }
0x27d: {  	[tilespmem:s20+$0xFFFFFCD0] =	vst v12;
	v9 =	vld [tilespmem:s26+$0x10]  }
0x27e: {  	v12 =	vld [tilespmem:s7+$0x60];
	[tilespmem:s17+$0xFFFFFF80] =	vst v8  }
0x27f: {  	v8 =	vld [tilespmem:s29+$0x10];
	[tilespmem:s19+$0x230] =	vst v6  }
0x280: {  	[tilespmem:s18+$0xFFFFFE30] =	vst v11;
	v6 =	vld [tilespmem:s25+$0x40]  }
0x281: {  	v11 =	vld [tilespmem:s30+$0x40];
	[tilespmem:s16+$0xE0] =	vst v10  }
0x282: {  	v10 =	vld [tilespmem:s31+$0x70];
	[tilespmem:s22+$0x390] =	vst v9  }
0x283: {  	[tilespmem:s20+$0xFFFFFCE0] =	vst v12;
	v9 =	vld [tilespmem:s26+$0x20]  }
0x284: {  	v12 =	vld [tilespmem:s7+$0x70];
	[tilespmem:s17+$0xFFFFFF90] =	vst v8  }
0x285: {  	v8 =	vld [tilespmem:s29+$0x20];
	[tilespmem:s19+$0x240] =	vst v6  }
0x286: {  	[tilespmem:s18+$0xFFFFFE40] =	vst v11;
	v6 =	vld [tilespmem:s25+$0x50]  }
0x287: {  	s24 =	spop (v2sf);
	v11 =	vld [tilespmem:s30+$0x50];
	[tilespmem:s16+$0xF0] =	vst v10  }
0x288: {  	(v2sf) =	vpush v3, $0xD;
	v62 =	vld [tilespmem:s24+$0x0];
	[tilespmem:s22+$0x3A0] =	vst v9  }
0x289: {  	s28 =	spop (v2sf);
	(v2sf) =	vpush v2, $0x5;
	[tilespmem:s20+$0xFFFFFCF0] =	vst v12;
	v63 =	vld [tilespmem:s26+$0x30]  }
0x28a: {  	v14 =	vld [tilespmem:s28+$0x0];
	[tilespmem:s17+$0xFFFFFFA0] =	vst v8  }
0x28b: {  	v15 =	vld [tilespmem:s29+$0x30];
	[tilespmem:s19+$0x250] =	vst v6  }
0x28c: {  	[tilespmem:s18+$0xFFFFFE50] =	vst v11;
	v9 =	vld [tilespmem:s25+$0x60]  }
0x28d: {  	s31 =	smul.u32 $0x32000, s21;
	v10 =	vld [tilespmem:s30+$0x60];
	[tilespmem:s16+$0x100] =	vst v62  }
0x28e: {  	v6 =	vld [tilespmem:s24+$0x10];
	[tilespmem:s22+$0x3B0] =	vst v63  }
0x28f: {  	s0 =	sshrl.u32 s31, $0x2;
	[tilespmem:s20+$0xFFFFFD00] =	vst v14;
	v8 =	vld [tilespmem:s26+$0x40]  }
0x290: {  	s23 =	simm.s32 $0x1C0;
	s21 =	sor.u32 $0x680, s0;
	v11 =	vld [tilespmem:s28+$0x10];
	[tilespmem:s17+$0xFFFFFFB0] =	vst v15  }
.LBB2_3:
0x291: {  	p1 =	sne.s32 s23, $0x600;
	v12 =	vld [tilespmem:s29+$0x40];
	[tilespmem:s19+$0x260] =	vst v9  }
0x292: {  	[tilespmem:s18+$0xFFFFFE60] =	vst v10;
	v9 =	vld [tilespmem:s25+$0x70]  }
0x293: {  	v10 =	vld [tilespmem:s30+$0x70];
	[tilespmem:s16+$0x110] =	vst v6  }
0x294: {  	v6 =	vld [tilespmem:s24+$0x20];
	[tilespmem:s22+$0x3C0] =	vst v8  }
0x295: {  	v7 =	vmax.f32 v7, $1.000000000e+00;
	[tilespmem:s20+$0xFFFFFD10] =	vst v11;
	v8 =	vld [tilespmem:s26+$0x50]  }
0x296: {  	v7 =	vmin.f32 v7, $4.999999050e+00;
	v11 =	vld [tilespmem:s28+$0x20];
	[tilespmem:s17+$0xFFFFFFC0] =	vst v12  }
0x297: {  	v7 =	vtrunc.f32 v7;
	v12 =	vld [tilespmem:s29+$0x50];
	[tilespmem:s19+$0x270] =	vst v9;
	s1 =	spop (v2sf)  }
0x298: {  	v7 =	vcvt.f32.s32 v7;
	[tilespmem:s18+$0xFFFFFE70] =	vst v10;
	s0 =	spop (v2sf);
	v9 =	vld [tilespmem:s1+$0x0]  }
0x299: {  	v10 =	vld [tilespmem:s0+$0x0];
	(v2sf) =	vpush v1, $0x8;
	[tilespmem:s16+$0x120] =	vst v6  }
0x29a: {  	v6 =	vshll.u32 v7, $0x7;
	v7 =	vld [tilespmem:s24+$0x30];
	[tilespmem:s22+$0x3D0] =	vst v8  }
0x29b: {  	(v2sf) =	vpush v6, $0x0;
	[tilespmem:s20+$0xFFFFFD20] =	vst v11;
	v8 =	vld [tilespmem:s26+$0x60]  }
0x29c: {  	v11 =	vld [tilespmem:s28+$0x30];
	[tilespmem:s17+$0xFFFFFFD0] =	vst v12  }
0x29d: {  	v12 =	vld [tilespmem:s29+$0x60];
	[tilespmem:s19+$0x280] =	vst v9  }
0x29e: {  	[tilespmem:s18+$0xFFFFFE80] =	vst v10;
	v9 =	vld [tilespmem:s1+$0x10]  }
0x29f: {  	v10 =	vld [tilespmem:s0+$0x10];
	[tilespmem:s16+$0x130] =	vst v7  }
0x2a0: {  	v13 =	vld [tilespmem:s24+$0x40];
	[tilespmem:s22+$0x3E0] =	vst v8  }
0x2a1: {  	[tilespmem:s20+$0xFFFFFD30] =	vst v11;
	v8 =	vld [tilespmem:s26+$0x70]  }
0x2a2: {  	v11 =	vld [tilespmem:s28+$0x40];
	[tilespmem:s17+$0xFFFFFFE0] =	vst v12  }
0x2a3: {  	v12 =	vld [tilespmem:s29+$0x70];
	[tilespmem:s19+$0x290] =	vst v9  }
0x2a4: {  	s6 =	sshra.s32 s23, $0x2;
	[tilespmem:s18+$0xFFFFFE90] =	vst v10;
	v9 =	vld [tilespmem:s1+$0x20]  }
0x2a5: {  	v7 =	vld.idx.msk [tilespmem:v5+s6+$0x0 ss:$0x1], $0xffff;
	[tilespmem:s16+$0x140] =	vst v13  }
0x2a6: {  	v10 =	vld [tilespmem:s0+$0x20];
	[tilespmem:s22+$0x3F0] =	vst v8;
	s22 =	smov.u32 s19;
	s19 =	smov.u32 s16;
	s16 =	smov.u32 s17  }
0x2a7: {  	s17 =	smov.u32 s18;
	s18 =	smov.u32 s20;
	[tilespmem:s20+$0xFFFFFD40] =	vst v11;
	v8 =	vld [tilespmem:s24+$0x50]  }
0x2a8: {  	v11 =	vld [tilespmem:s28+$0x50];
	[tilespmem:s16+$0xFFFFFFF0] =	vst v12;
	s26 =	spop (v2sf)  }
0x2a9: {  	v12 =	vld [tilespmem:s26+$0x0];
	(v2sf) =	vpush v0, $0xB;
	[tilespmem:s22+$0x2A0] =	vst v9  }
0x2aa: {  	s9 =	spop (v2sf);
	(v2sf) =	vpush v4, $0x3;
	v9 =	vld [tilespmem:s1+$0x30]  }
0x2ab: {  	v13 =	vld [tilespmem:s9+$0x0];
	[tilespmem:s17+$0xFFFFFEA0] =	vst v10  }
0x2ac: {  	v10 =	vld [tilespmem:s0+$0x30];
	[tilespmem:s19+$0x150] =	vst v8  }
0x2ad: {  	[tilespmem:s20+$0xFFFFFD50] =	vst v11;
	v8 =	vld [tilespmem:s24+$0x60]  }
0x2ae: {  	v11 =	vld [tilespmem:s28+$0x60];
	[tilespmem:s16+$0x0] =	vst v12  }
0x2af: {  	s20 =	sadd.s32 $0x800, s20;
	v12 =	vld [tilespmem:s26+$0x10];
	[tilespmem:s22+$0x2B0] =	vst v9  }
0x2b0: {  	[tilespmem:s20+$0xFFFFFC00] =	vst v13;
	v9 =	vld [tilespmem:s1+$0x40]  }
0x2b1: {  	v13 =	vld [tilespmem:s9+$0x10];
	[tilespmem:s17+$0xFFFFFEB0] =	vst v10  }
0x2b2: {  	v10 =	vld [tilespmem:s0+$0x40];
	[tilespmem:s19+$0x160] =	vst v8  }
0x2b3: {  	[tilespmem:s18+$0xFFFFFD60] =	vst v11;
	v8 =	vld [tilespmem:s24+$0x70]  }
0x2b4: {  	v11 =	vld [tilespmem:s28+$0x70];
	[tilespmem:s16+$0x10] =	vst v12  }
0x2b5: {  	v12 =	vld [tilespmem:s26+$0x20];
	[tilespmem:s22+$0x2C0] =	vst v9  }
0x2b6: {  	[tilespmem:s20+$0xFFFFFC10] =	vst v13;
	v9 =	vld [tilespmem:s1+$0x50]  }
0x2b7: {  	v13 =	vld [tilespmem:s9+$0x20];
	[tilespmem:s17+$0xFFFFFEC0] =	vst v10  }
0x2b8: {  	v10 =	vld [tilespmem:s0+$0x50];
	[tilespmem:s19+$0x170] =	vst v8;
	s25 =	spop (v2sf);
	(v2sf) =	vpush v3, $0xE  }
0x2b9: {  	[tilespmem:s18+$0xFFFFFD70] =	vst v11;
	s28 =	spop (v2sf);
	v8 =	vld [tilespmem:s25+$0x0]  }
0x2ba: {  	v11 =	vld [tilespmem:s28+$0x0];
	(v2sf) =	vpush v2, $0x6;
	[tilespmem:s16+$0x20] =	vst v12  }
0x2bb: {  	v12 =	vld [tilespmem:s26+$0x30];
	[tilespmem:s22+$0x2D0] =	vst v9  }
0x2bc: {  	[tilespmem:s20+$0xFFFFFC20] =	vst v13;
	v9 =	vld [tilespmem:s1+$0x60]  }
0x2bd: {  	v13 =	vld [tilespmem:s9+$0x30];
	[tilespmem:s17+$0xFFFFFED0] =	vst v10  }
0x2be: {  	v10 =	vld [tilespmem:s0+$0x60];
	[tilespmem:s19+$0x180] =	vst v8  }
0x2bf: {  	[tilespmem:s18+$0xFFFFFD80] =	vst v11;
	v8 =	vld [tilespmem:s25+$0x10]  }
0x2c0: {  	v11 =	vld [tilespmem:s28+$0x10];
	[tilespmem:s16+$0x30] =	vst v12  }
0x2c1: {  	v12 =	vld [tilespmem:s26+$0x40];
	[tilespmem:s22+$0x2E0] =	vst v9  }
0x2c2: {  	[tilespmem:s20+$0xFFFFFC30] =	vst v13;
	v9 =	vld [tilespmem:s1+$0x70]  }
0x2c3: {  	v13 =	vld [tilespmem:s9+$0x40];
	[tilespmem:s17+$0xFFFFFEE0] =	vst v10  }
0x2c4: {  	v10 =	vld [tilespmem:s0+$0x70];
	[tilespmem:s19+$0x190] =	vst v8  }
0x2c5: {  	[tilespmem:s18+$0xFFFFFD90] =	vst v11;
	v8 =	vld [tilespmem:s25+$0x20]  }
0x2c6: {  	v11 =	vld [tilespmem:s28+$0x20];
	[tilespmem:s16+$0x40] =	vst v12  }
0x2c7: {  	v12 =	vld [tilespmem:s26+$0x50];
	[tilespmem:s22+$0x2F0] =	vst v9;
	s0 =	spop (v2sf)  }
0x2c8: {  	[tilespmem:s20+$0xFFFFFC40] =	vst v13;
	v9 =	vld [tilespmem:s0+$0x0]  }
0x2c9: {  	v13 =	vld [tilespmem:s9+$0x50];
	[tilespmem:s17+$0xFFFFFEF0] =	vst v10;
	s24 =	spop (v2sf);
	(v2sf) =	vpush v1, $0x9  }
0x2ca: {  	v10 =	vld [tilespmem:s24+$0x0];
	[tilespmem:s19+$0x1A0] =	vst v8  }
0x2cb: {  	(v2sf) =	vpush v6, $0x1;
	[tilespmem:s18+$0xFFFFFDA0] =	vst v11;
	v8 =	vld [tilespmem:s25+$0x30]  }
0x2cc: {  	v11 =	vld [tilespmem:s28+$0x30];
	[tilespmem:s16+$0x50] =	vst v12  }
0x2cd: {  	v12 =	vld [tilespmem:s26+$0x60];
	[tilespmem:s22+$0x300] =	vst v9  }
0x2ce: {  	[tilespmem:s20+$0xFFFFFC50] =	vst v13;
	v9 =	vld [tilespmem:s0+$0x10]  }
0x2cf: {  	v13 =	vld [tilespmem:s9+$0x60];
	[tilespmem:s17+$0xFFFFFF00] =	vst v10  }
0x2d0: {  	v10 =	vld [tilespmem:s24+$0x10];
	[tilespmem:s19+$0x1B0] =	vst v8  }
0x2d1: {  	[tilespmem:s18+$0xFFFFFDB0] =	vst v11;
	v8 =	vld [tilespmem:s25+$0x40]  }
0x2d2: {  	v11 =	vld [tilespmem:s28+$0x40];
	[tilespmem:s16+$0x60] =	vst v12  }
0x2d3: {  	v12 =	vld [tilespmem:s26+$0x70];
	[tilespmem:s22+$0x310] =	vst v9  }
0x2d4: {  	[tilespmem:s20+$0xFFFFFC60] =	vst v13;
	v9 =	vld [tilespmem:s0+$0x20]  }
0x2d5: {  	v13 =	vld [tilespmem:s9+$0x70];
	[tilespmem:s17+$0xFFFFFF10] =	vst v10  }
0x2d6: {  	v10 =	vld [tilespmem:s24+$0x20];
	[tilespmem:s19+$0x1C0] =	vst v8  }
0x2d7: {  	[tilespmem:s18+$0xFFFFFDC0] =	vst v11;
	v8 =	vld [tilespmem:s25+$0x50]  }
0x2d8: {  	v11 =	vld [tilespmem:s28+$0x50];
	[tilespmem:s16+$0x70] =	vst v12;
	s1 =	spop (v2sf)  }
0x2d9: {  	v12 =	vld [tilespmem:s1+$0x0];
	(v2sf) =	vpush v0, $0xC;
	[tilespmem:s22+$0x320] =	vst v9  }
0x2da: {  	[tilespmem:s20+$0xFFFFFC70] =	vst v13;
	s9 =	spop (v2sf);
	(v2sf) =	vpush v4, $0x4;
	v9 =	vld [tilespmem:s0+$0x30]  }
0x2db: {  	v13 =	vld [tilespmem:s9+$0x0];
	[tilespmem:s17+$0xFFFFFF20] =	vst v10  }
0x2dc: {  	v10 =	vld [tilespmem:s24+$0x30];
	[tilespmem:s19+$0x1D0] =	vst v8  }
0x2dd: {  	[tilespmem:s18+$0xFFFFFDD0] =	vst v11;
	v8 =	vld [tilespmem:s25+$0x60]  }
0x2de: {  	v11 =	vld [tilespmem:s28+$0x60];
	[tilespmem:s16+$0x80] =	vst v12  }
0x2df: {  	v12 =	vld [tilespmem:s1+$0x10];
	[tilespmem:s22+$0x330] =	vst v9  }
0x2e0: {  	[tilespmem:s20+$0xFFFFFC80] =	vst v13;
	v9 =	vld [tilespmem:s0+$0x40]  }
0x2e1: {  	v13 =	vld [tilespmem:s9+$0x10];
	[tilespmem:s17+$0xFFFFFF30] =	vst v10  }
0x2e2: {  	v10 =	vld [tilespmem:s24+$0x40];
	[tilespmem:s19+$0x1E0] =	vst v8  }
0x2e3: {  	[tilespmem:s18+$0xFFFFFDE0] =	vst v11;
	v8 =	vld [tilespmem:s25+$0x70]  }
0x2e4: {  	v11 =	vld [tilespmem:s28+$0x70];
	[tilespmem:s16+$0x90] =	vst v12  }
0x2e5: {  	v12 =	vld [tilespmem:s1+$0x20];
	[tilespmem:s22+$0x340] =	vst v9  }
0x2e6: {  	[tilespmem:s20+$0xFFFFFC90] =	vst v13;
	v9 =	vld [tilespmem:s0+$0x50]  }
0x2e7: {  	v13 =	vld [tilespmem:s9+$0x20];
	[tilespmem:s17+$0xFFFFFF40] =	vst v10  }
0x2e8: {  	v10 =	vld [tilespmem:s24+$0x50];
	[tilespmem:s19+$0x1F0] =	vst v8;
	s25 =	spop (v2sf);
	(v2sf) =	vpush v3, $0xF;
	v3 =	vmovc v0;
	v0 =	vmovc v1;
	v1 =	vmov v2;
	v2 =	vmov v4  }
0x2e9: {  	v4 =	vmov v6;
	[tilespmem:s18+$0xFFFFFDF0] =	vst v11;
	s30 =	spop (v2sf);
	v8 =	vld [tilespmem:s25+$0x0]  }
0x2ea: {  	v6 =	vld [tilespmem:s30+$0x0];
	(v2sf) =	vpush v1, $0x7;
	[tilespmem:s16+$0xA0] =	vst v12  }
0x2eb: {  	v11 =	vld [tilespmem:s1+$0x30];
	[tilespmem:s22+$0x350] =	vst v9  }
0x2ec: {  	[tilespmem:s20+$0xFFFFFCA0] =	vst v13;
	v9 =	vld [tilespmem:s0+$0x60]  }
0x2ed: {  	v12 =	vld [tilespmem:s9+$0x30];
	[tilespmem:s17+$0xFFFFFF50] =	vst v10  }
0x2ee: {  	v10 =	vld [tilespmem:s24+$0x60];
	[tilespmem:s19+$0x200] =	vst v8  }
0x2ef: {  	[tilespmem:s18+$0xFFFFFE00] =	vst v6;
	v6 =	vld [tilespmem:s25+$0x10]  }
0x2f0: {  	v8 =	vld [tilespmem:s30+$0x10];
	[tilespmem:s16+$0xB0] =	vst v11  }
0x2f1: {  	v11 =	vld [tilespmem:s1+$0x40];
	[tilespmem:s22+$0x360] =	vst v9  }
0x2f2: {  	[tilespmem:s20+$0xFFFFFCB0] =	vst v12;
	v9 =	vld [tilespmem:s0+$0x70]  }
0x2f3: {  	v12 =	vld [tilespmem:s9+$0x40];
	[tilespmem:s17+$0xFFFFFF60] =	vst v10  }
0x2f4: {  	v10 =	vld [tilespmem:s24+$0x70];
	[tilespmem:s19+$0x210] =	vst v6  }
0x2f5: {  	[tilespmem:s18+$0xFFFFFE10] =	vst v8;
	v6 =	vld [tilespmem:s25+$0x20]  }
0x2f6: {  	v8 =	vld [tilespmem:s30+$0x20];
	[tilespmem:s16+$0xC0] =	vst v11  }
0x2f7: {  	v11 =	vld [tilespmem:s1+$0x50];
	[tilespmem:s22+$0x370] =	vst v9;
	s26 =	spop (v2sf)  }
0x2f8: {  	[tilespmem:s20+$0xFFFFFCC0] =	vst v12;
	v9 =	vld [tilespmem:s26+$0x0]  }
0x2f9: {  	v12 =	vld [tilespmem:s9+$0x50];
	[tilespmem:s17+$0xFFFFFF70] =	vst v10;
	s29 =	spop (v2sf);
	(v2sf) =	vpush v0, $0xA  }
0x2fa: {  	v10 =	vld [tilespmem:s29+$0x0];
	[tilespmem:s19+$0x220] =	vst v6  }
0x2fb: {  	(v2sf) =	vpush v4, $0x2;
	[tilespmem:s18+$0xFFFFFE20] =	vst v8;
	v6 =	vld [tilespmem:s25+$0x30]  }
0x2fc: {  	v8 =	vld [tilespmem:s30+$0x30];
	[tilespmem:s16+$0xD0] =	vst v11  }
0x2fd: {  	v11 =	vld [tilespmem:s1+$0x60];
	[tilespmem:s22+$0x380] =	vst v9  }
0x2fe: {  	[tilespmem:s20+$0xFFFFFCD0] =	vst v12;
	v9 =	vld [tilespmem:s26+$0x10]  }
0x2ff: {  	v12 =	vld [tilespmem:s9+$0x60];
	[tilespmem:s17+$0xFFFFFF80] =	vst v10  }
0x300: {  	v10 =	vld [tilespmem:s29+$0x10];
	[tilespmem:s19+$0x230] =	vst v6  }
0x301: {  	[tilespmem:s18+$0xFFFFFE30] =	vst v8;
	v6 =	vld [tilespmem:s25+$0x40]  }
0x302: {  	v8 =	vld [tilespmem:s30+$0x40];
	[tilespmem:s16+$0xE0] =	vst v11  }
0x303: {  	v11 =	vld [tilespmem:s1+$0x70];
	[tilespmem:s22+$0x390] =	vst v9  }
0x304: {  	[tilespmem:s20+$0xFFFFFCE0] =	vst v12;
	v9 =	vld [tilespmem:s26+$0x20]  }
0x305: {  	v12 =	vld [tilespmem:s9+$0x70];
	[tilespmem:s17+$0xFFFFFF90] =	vst v10  }
0x306: {  	v10 =	vld [tilespmem:s29+$0x20];
	[tilespmem:s19+$0x240] =	vst v6  }
0x307: {  	[tilespmem:s18+$0xFFFFFE40] =	vst v8;
	v6 =	vld [tilespmem:s25+$0x50]  }
0x308: {  	v8 =	vld [tilespmem:s30+$0x50];
	[tilespmem:s16+$0xF0] =	vst v11;
	s24 =	spop (v2sf)  }
0x309: {  	v11 =	vld [tilespmem:s24+$0x0];
	(v2sf) =	vpush v3, $0xD;
	[tilespmem:s22+$0x3A0] =	vst v9  }
0x30a: {  	[tilespmem:s20+$0xFFFFFCF0] =	vst v12;
	s28 =	spop (v2sf);
	(v2sf) =	vpush v2, $0x5;
	v12 =	vld [tilespmem:s26+$0x30]  }
0x30b: {  	v13 =	vld [tilespmem:s28+$0x0];
	[tilespmem:s17+$0xFFFFFFA0] =	vst v10  }
0x30c: {  	v14 =	vld [tilespmem:s29+$0x30];
	[tilespmem:s19+$0x250] =	vst v6  }
.Ltmp0:
0x30d: {  	[tilespmem:s18+$0xFFFFFE50] =	vst v8;
	v9 =	vld [tilespmem:s25+$0x60];
	(pc) =	sbr.rel @p1 .LBB2_3-.Ltmp0, $4  }
0x30e: {  	v10 =	vld [tilespmem:s30+$0x60];
	[tilespmem:s16+$0x100] =	vst v11  }
0x30f: {  	v6 =	vld [tilespmem:s24+$0x10];
	[tilespmem:s22+$0x3B0] =	vst v12  }
0x310: {  	[tilespmem:s20+$0xFFFFFD00] =	vst v13;
	v8 =	vld [tilespmem:s26+$0x40]  }
0x311: {  	s23 =	sadd.s32 $0x40, s23;
	v11 =	vld [tilespmem:s28+$0x10];
	[tilespmem:s17+$0xFFFFFFB0] =	vst v14  }
0x312: {  	v5 =	vld [tilespmem:s29+$0x40];
	[tilespmem:s19+$0x260] =	vst v9  }
0x313: {  	[tilespmem:s18+$0xFFFFFE60] =	vst v10;
	v9 =	vld [tilespmem:s25+$0x70]  }
0x314: {  	v10 =	vld [tilespmem:s30+$0x70];
	[tilespmem:s16+$0x110] =	vst v6  }
0x315: {  	v6 =	vld [tilespmem:s24+$0x20];
	[tilespmem:s22+$0x3C0] =	vst v8  }
0x316: {  	v7 =	vmax.f32 v7, $1.000000000e+00;
	[tilespmem:s20+$0xFFFFFD10] =	vst v11;
	v8 =	vld [tilespmem:s26+$0x50]  }
0x317: {  	v43 =	vmin.f32 v7, $4.999999050e+00;
	v11 =	vld [tilespmem:s28+$0x20];
	[tilespmem:s17+$0xFFFFFFC0] =	vst v5  }
0x318: {  	v5 =	vtrunc.f32 v43;
	v44 =	vld [tilespmem:s29+$0x50];
	[tilespmem:s19+$0x270] =	vst v9;
	s25 =	spop (v2sf)  }
0x319: {  	v5 =	vcvt.f32.s32 v5;
	[tilespmem:s18+$0xFFFFFE70] =	vst v10;
	s0 =	spop (v2sf);
	v9 =	vld [tilespmem:s25+$0x0]  }
0x31a: {  	(v2sf) =	vpush v1, $0x8;
	v10 =	vld [tilespmem:s0+$0x0];
	[tilespmem:s16+$0x120] =	vst v6  }
0x31b: {  	v5 =	vshll.u32 v5, $0x7;
	v6 =	vld [tilespmem:s24+$0x30];
	[tilespmem:s22+$0x3D0] =	vst v8  }
0x31c: {  	(v2sf) =	vpush v5, $0x0;
	[tilespmem:s20+$0xFFFFFD20] =	vst v11;
	v8 =	vld [tilespmem:s26+$0x60]  }
0x31d: {  	v11 =	vld [tilespmem:s28+$0x30];
	[tilespmem:s17+$0xFFFFFFD0] =	vst v44  }
0x31e: {  	v7 =	vld [tilespmem:s29+$0x60];
	[tilespmem:s19+$0x280] =	vst v9  }
0x31f: {  	[tilespmem:s18+$0xFFFFFE80] =	vst v10;
	v9 =	vld [tilespmem:s25+$0x10]  }
0x320: {  	v10 =	vld [tilespmem:s0+$0x10];
	[tilespmem:s16+$0x130] =	vst v6  }
0x321: {  	v6 =	vld [tilespmem:s24+$0x40];
	[tilespmem:s22+$0x3E0] =	vst v8  }
0x322: {  	[tilespmem:s20+$0xFFFFFD30] =	vst v11;
	v8 =	vld [tilespmem:s26+$0x70]  }
0x323: {  	v11 =	vld [tilespmem:s28+$0x40];
	[tilespmem:s17+$0xFFFFFFE0] =	vst v7  }
0x324: {  	v7 =	vld [tilespmem:s29+$0x70];
	[tilespmem:s19+$0x290] =	vst v9  }
0x325: {  	[tilespmem:s18+$0xFFFFFE90] =	vst v10;
	v9 =	vld [tilespmem:s25+$0x20]  }
0x326: {  	[tilespmem:s16+$0x140] =	vst v6  }
0x327: {  	v45 =	vld [tilespmem:s0+$0x20];
	[tilespmem:s22+$0x3F0] =	vst v8  }
0x328: {  	v46 =	vld [tilespmem:s24+$0x50];
	[tilespmem:s20+$0xFFFFFD40] =	vst v11  }
0x329: {  	s1 =	spop (v2sf);
	v11 =	vld [tilespmem:s28+$0x50];
	[tilespmem:s17+$0xFFFFFFF0] =	vst v7  }
0x32a: {  	(v2sf) =	vpush v0, $0xB;
	v7 =	vld [tilespmem:s1+$0x0];
	[tilespmem:s19+$0x2A0] =	vst v9  }
0x32b: {  	s9 =	spop (v2sf)  }
0x32c: {  	v47 =	vld [tilespmem:s9+$0x0];
	_ =	sdelay $0x3  }
0x32d: {  	s22 =	sadd.s32 $0x800, s20;
	[tilespmem:s18+$0xFFFFFEA0] =	vst v45  }
0x32e: {  	(v2sf) =	vpush v4, $0x3;
	v6 =	vld [tilespmem:s0+$0x30];
	[tilespmem:s22+$0xFFFFFC00] =	vst v47  }
0x32f: {  	v8 =	vld [tilespmem:s9+$0x10]  }
0x330: {  	[tilespmem:s16+$0x150] =	vst v46  }
0x331: {  	v9 =	vld [tilespmem:s24+$0x60];
	[tilespmem:s20+$0xFFFFFD50] =	vst v11  }
0x332: {  	v48 =	vld [tilespmem:s28+$0x60];
	[tilespmem:s17+$0x0] =	vst v7  }
0x333: {  	v7 =	vld [tilespmem:s1+$0x10];
	[tilespmem:s18+$0xFFFFFEB0] =	vst v6  }
0x334: {  	v6 =	vld [tilespmem:s0+$0x40];
	[tilespmem:s22+$0xFFFFFC10] =	vst v8  }
0x335: {  	v8 =	vld [tilespmem:s9+$0x20]  }
0x336: {  	[tilespmem:s16+$0x160] =	vst v9  }
0x337: {  	v9 =	vld [tilespmem:s24+$0x70];
	[tilespmem:s20+$0xFFFFFD60] =	vst v48  }
0x338: {  	v10 =	vld [tilespmem:s28+$0x70];
	[tilespmem:s17+$0x10] =	vst v7  }
0x339: {  	v7 =	vld [tilespmem:s1+$0x20];
	[tilespmem:s18+$0xFFFFFEC0] =	vst v6  }
0x33a: {  	v6 =	vld [tilespmem:s0+$0x50];
	[tilespmem:s22+$0xFFFFFC20] =	vst v8  }
0x33b: {  	(v2sf) =	vpush v3, $0xE;
	v8 =	vld [tilespmem:s9+$0x30]  }
0x33c: {  	s6 =	spop (v2sf);
	(v2sf) =	vpush v2, $0x6;
	[tilespmem:s16+$0x170] =	vst v9  }
0x33d: {  	v9 =	vld [tilespmem:s6+$0x0];
	[tilespmem:s20+$0xFFFFFD70] =	vst v10;
	s31 =	spop (v2sf)  }
0x33e: {  	v10 =	vld [tilespmem:s31+$0x0];
	[tilespmem:s17+$0x20] =	vst v7  }
0x33f: {  	v7 =	vld [tilespmem:s1+$0x30];
	[tilespmem:s18+$0xFFFFFED0] =	vst v6  }
0x340: {  	v6 =	vld [tilespmem:s0+$0x60];
	[tilespmem:s22+$0xFFFFFC30] =	vst v8  }
0x341: {  	v8 =	vld [tilespmem:s9+$0x40]  }
0x342: {  	[tilespmem:s16+$0x180] =	vst v9  }
0x343: {  	v9 =	vld [tilespmem:s6+$0x10];
	[tilespmem:s20+$0xFFFFFD80] =	vst v10  }
0x344: {  	v10 =	vld [tilespmem:s31+$0x10];
	[tilespmem:s17+$0x30] =	vst v7  }
0x345: {  	v7 =	vld [tilespmem:s1+$0x40];
	[tilespmem:s18+$0xFFFFFEE0] =	vst v6  }
0x346: {  	v6 =	vld [tilespmem:s0+$0x70];
	[tilespmem:s22+$0xFFFFFC40] =	vst v8  }
0x347: {  	v8 =	vld [tilespmem:s9+$0x50]  }
0x348: {  	(v2sf) =	vpush v1, $0x9;
	[tilespmem:s16+$0x190] =	vst v9  }
0x349: {  	(v2sf) =	vpush v5, $0x1;
	v9 =	vld [tilespmem:s6+$0x20];
	[tilespmem:s20+$0xFFFFFD90] =	vst v10  }
0x34a: {  	s23 =	spop (v2sf);
	v10 =	vld [tilespmem:s31+$0x20];
	[tilespmem:s17+$0x40] =	vst v7  }
0x34b: {  	s7 =	spop (v2sf);
	v7 =	vld [tilespmem:s1+$0x50];
	[tilespmem:s18+$0xFFFFFEF0] =	vst v6  }
0x34c: {  	v6 =	vld [tilespmem:s7+$0x0];
	[tilespmem:s22+$0xFFFFFC50] =	vst v8  }
0x34d: {  	v8 =	vld [tilespmem:s9+$0x60]  }
0x34e: {  	[tilespmem:s16+$0x1A0] =	vst v9  }
0x34f: {  	v9 =	vld [tilespmem:s6+$0x30];
	[tilespmem:s20+$0xFFFFFDA0] =	vst v10  }
0x350: {  	v10 =	vld [tilespmem:s31+$0x30];
	[tilespmem:s17+$0x50] =	vst v7  }
0x351: {  	v7 =	vld [tilespmem:s1+$0x60];
	[tilespmem:s18+$0xFFFFFF00] =	vst v6  }
0x352: {  	v6 =	vld [tilespmem:s7+$0x10];
	[tilespmem:s22+$0xFFFFFC60] =	vst v8  }
0x353: {  	v8 =	vld [tilespmem:s9+$0x70]  }
0x354: {  	[tilespmem:s16+$0x1B0] =	vst v9  }
0x355: {  	v9 =	vld [tilespmem:s6+$0x40];
	[tilespmem:s20+$0xFFFFFDB0] =	vst v10  }
0x356: {  	v10 =	vld [tilespmem:s31+$0x40];
	[tilespmem:s17+$0x60] =	vst v7  }
0x357: {  	s28 =	spop (v2sf);
	v7 =	vld [tilespmem:s1+$0x70];
	[tilespmem:s18+$0xFFFFFF10] =	vst v6  }
0x358: {  	s29 =	spop (v2sf);
	v6 =	vld [tilespmem:s7+$0x20];
	[tilespmem:s22+$0xFFFFFC70] =	vst v8  }
0x359: {  	v8 =	vld [tilespmem:s29+$0x0]  }
0x35a: {  	[tilespmem:s16+$0x1C0] =	vst v9  }
0x35b: {  	v9 =	vld [tilespmem:s6+$0x50];
	[tilespmem:s20+$0xFFFFFDC0] =	vst v10  }
0x35c: {  	v10 =	vld [tilespmem:s31+$0x50];
	[tilespmem:s17+$0x70] =	vst v7  }
0x35d: {  	(v2sf) =	vpush v0, $0xC;
	v7 =	vld [tilespmem:s28+$0x0];
	[tilespmem:s18+$0xFFFFFF20] =	vst v6  }
0x35e: {  	(v2sf) =	vpush v4, $0x4;
	v6 =	vld [tilespmem:s7+$0x30];
	[tilespmem:s22+$0xFFFFFC80] =	vst v8  }
0x35f: {  	v8 =	vld [tilespmem:s29+$0x10]  }
0x360: {  	[tilespmem:s16+$0x1D0] =	vst v9  }
0x361: {  	v9 =	vld [tilespmem:s6+$0x60];
	[tilespmem:s20+$0xFFFFFDD0] =	vst v10  }
0x362: {  	v10 =	vld [tilespmem:s31+$0x60];
	[tilespmem:s17+$0x80] =	vst v7  }
0x363: {  	v7 =	vld [tilespmem:s28+$0x10];
	[tilespmem:s18+$0xFFFFFF30] =	vst v6  }
0x364: {  	v6 =	vld [tilespmem:s7+$0x40];
	[tilespmem:s22+$0xFFFFFC90] =	vst v8  }
0x365: {  	v8 =	vld [tilespmem:s29+$0x20]  }
0x366: {  	[tilespmem:s16+$0x1E0] =	vst v9  }
0x367: {  	v9 =	vld [tilespmem:s6+$0x70];
	[tilespmem:s20+$0xFFFFFDE0] =	vst v10  }
0x368: {  	v10 =	vld [tilespmem:s31+$0x70];
	[tilespmem:s17+$0x90] =	vst v7  }
0x369: {  	v7 =	vld [tilespmem:s28+$0x20];
	[tilespmem:s18+$0xFFFFFF40] =	vst v6  }
0x36a: {  	(v2sf) =	vpush v3, $0xF;
	v6 =	vld [tilespmem:s7+$0x50];
	[tilespmem:s22+$0xFFFFFCA0] =	vst v8  }
0x36b: {  	v49 =	vld [tilespmem:s29+$0x30]  }
0x36c: {  	(v2sf) =	vpush v2, $0x7;
	s30 =	spop (v2sf);
	[tilespmem:s16+$0x1F0] =	vst v9  }
0x36d: {  	s31 =	spop (v2sf);
	v50 =	vld [tilespmem:s30+$0x0];
	[tilespmem:s20+$0xFFFFFDF0] =	vst v10  }
0x36e: {  	v51 =	vld [tilespmem:s31+$0x0];
	[tilespmem:s17+$0xA0] =	vst v7  }
0x36f: {  	v7 =	vld [tilespmem:s28+$0x30];
	[tilespmem:s18+$0xFFFFFF50] =	vst v6  }
0x370: {  	v6 =	vld [tilespmem:s7+$0x60];
	[tilespmem:s22+$0xFFFFFCB0] =	vst v49  }
0x371: {  	v3 =	vld [tilespmem:s29+$0x40]  }
0x372: {  	[tilespmem:s16+$0x200] =	vst v50  }
0x373: {  	v8 =	vld [tilespmem:s30+$0x10];
	[tilespmem:s20+$0xFFFFFE00] =	vst v51  }
0x374: {  	v9 =	vld [tilespmem:s31+$0x10];
	[tilespmem:s17+$0xB0] =	vst v7  }
0x375: {  	v7 =	vld [tilespmem:s28+$0x40];
	[tilespmem:s18+$0xFFFFFF60] =	vst v6  }
0x376: {  	v6 =	vld [tilespmem:s7+$0x70];
	[tilespmem:s22+$0xFFFFFCC0] =	vst v3  }
0x377: {  	v3 =	vld [tilespmem:s29+$0x50]  }
0x378: {  	(v2sf) =	vpush v1, $0xA;
	[tilespmem:s16+$0x210] =	vst v8  }
0x379: {  	s24 =	spop (v2sf);
	(v2sf) =	vpush v5, $0x2;
	v8 =	vld [tilespmem:s30+$0x20];
	[tilespmem:s20+$0xFFFFFE10] =	vst v9  }
0x37a: {  	v9 =	vld [tilespmem:s31+$0x20];
	[tilespmem:s17+$0xC0] =	vst v7  }
0x37b: {  	s7 =	spop (v2sf);
	v7 =	vld [tilespmem:s28+$0x50];
	[tilespmem:s18+$0xFFFFFF70] =	vst v6  }
0x37c: {  	v6 =	vld [tilespmem:s7+$0x0];
	[tilespmem:s22+$0xFFFFFCD0] =	vst v3  }
0x37d: {  	v3 =	vld [tilespmem:s29+$0x60]  }
0x37e: {  	[tilespmem:s16+$0x220] =	vst v8  }
0x37f: {  	v8 =	vld [tilespmem:s30+$0x30];
	[tilespmem:s20+$0xFFFFFE20] =	vst v9  }
0x380: {  	v9 =	vld [tilespmem:s31+$0x30];
	[tilespmem:s17+$0xD0] =	vst v7  }
0x381: {  	v7 =	vld [tilespmem:s28+$0x60];
	[tilespmem:s18+$0xFFFFFF80] =	vst v6  }
0x382: {  	v6 =	vld [tilespmem:s7+$0x10];
	[tilespmem:s22+$0xFFFFFCE0] =	vst v3  }
0x383: {  	v3 =	vld [tilespmem:s29+$0x70]  }
0x384: {  	[tilespmem:s16+$0x230] =	vst v8  }
0x385: {  	v8 =	vld [tilespmem:s30+$0x40];
	[tilespmem:s20+$0xFFFFFE30] =	vst v9  }
0x386: {  	v9 =	vld [tilespmem:s31+$0x40];
	[tilespmem:s17+$0xE0] =	vst v7  }
0x387: {  	v7 =	vld [tilespmem:s28+$0x70];
	s28 =	spop (v2sf);
	[tilespmem:s18+$0xFFFFFF90] =	vst v6  }
0x388: {  	v6 =	vld [tilespmem:s7+$0x20];
	s29 =	spop (v2sf);
	[tilespmem:s22+$0xFFFFFCF0] =	vst v3  }
0x389: {  	v3 =	vld [tilespmem:s29+$0x0]  }
0x38a: {  	[tilespmem:s16+$0x240] =	vst v8  }
0x38b: {  	v8 =	vld [tilespmem:s30+$0x50];
	[tilespmem:s20+$0xFFFFFE40] =	vst v9  }
0x38c: {  	v9 =	vld [tilespmem:s31+$0x50];
	[tilespmem:s17+$0xF0] =	vst v7  }
0x38d: {  	(v2sf) =	vpush v0, $0xD;
	v7 =	vld [tilespmem:s28+$0x0];
	[tilespmem:s18+$0xFFFFFFA0] =	vst v6  }
0x38e: {  	(v2sf) =	vpush v4, $0x5;
	v6 =	vld [tilespmem:s7+$0x30];
	[tilespmem:s22+$0xFFFFFD00] =	vst v3  }
0x38f: {  	v3 =	vld [tilespmem:s29+$0x10]  }
0x390: {  	[tilespmem:s16+$0x250] =	vst v8  }
0x391: {  	v8 =	vld [tilespmem:s30+$0x60];
	[tilespmem:s20+$0xFFFFFE50] =	vst v9  }
0x392: {  	v9 =	vld [tilespmem:s31+$0x60];
	[tilespmem:s17+$0x100] =	vst v7  }
0x393: {  	v7 =	vld [tilespmem:s28+$0x10];
	[tilespmem:s18+$0xFFFFFFB0] =	vst v6  }
0x394: {  	v6 =	vld [tilespmem:s7+$0x40];
	[tilespmem:s22+$0xFFFFFD10] =	vst v3  }
0x395: {  	v3 =	vld [tilespmem:s29+$0x20]  }
0x396: {  	[tilespmem:s16+$0x260] =	vst v8  }
0x397: {  	v8 =	vld [tilespmem:s30+$0x70];
	[tilespmem:s20+$0xFFFFFE60] =	vst v9  }
0x398: {  	v9 =	vld [tilespmem:s31+$0x70];
	[tilespmem:s17+$0x110] =	vst v7  }
0x399: {  	v7 =	vld [tilespmem:s28+$0x20];
	[tilespmem:s18+$0xFFFFFFC0] =	vst v6  }
0x39a: {  	v6 =	vld [tilespmem:s7+$0x50];
	[tilespmem:s22+$0xFFFFFD20] =	vst v3  }
0x39b: {  	v3 =	vld [tilespmem:s29+$0x30]  }
0x39c: {  	v52 =	vld [tilespmem:s25+$0x30];
	(v2sf) =	vpush v2, $0x8;
	s30 =	spop (v2sf);
	[tilespmem:s16+$0x270] =	vst v8  }
0x39d: {  	s31 =	spop (v2sf);
	v8 =	vld [tilespmem:s30+$0x0];
	[tilespmem:s20+$0xFFFFFE70] =	vst v9  }
0x39e: {  	v9 =	vld [tilespmem:s31+$0x0];
	[tilespmem:s17+$0x120] =	vst v7  }
0x39f: {  	v7 =	vld [tilespmem:s28+$0x30];
	[tilespmem:s18+$0xFFFFFFD0] =	vst v6  }
0x3a0: {  	v6 =	vld [tilespmem:s7+$0x60];
	[tilespmem:s22+$0xFFFFFD30] =	vst v3  }
0x3a1: {  	[tilespmem:s19+$0x2B0] =	vst v52;
	v3 =	vld [tilespmem:s29+$0x40]  }
0x3a2: {  	v10 =	vld [tilespmem:s25+$0x40];
	[tilespmem:s16+$0x280] =	vst v8  }
0x3a3: {  	v8 =	vld [tilespmem:s30+$0x10];
	[tilespmem:s20+$0xFFFFFE80] =	vst v9  }
0x3a4: {  	v9 =	vld [tilespmem:s31+$0x10];
	[tilespmem:s17+$0x130] =	vst v7  }
0x3a5: {  	v7 =	vld [tilespmem:s28+$0x40];
	[tilespmem:s18+$0xFFFFFFE0] =	vst v6  }
0x3a6: {  	v6 =	vld [tilespmem:s7+$0x70];
	[tilespmem:s22+$0xFFFFFD40] =	vst v3  }
0x3a7: {  	[tilespmem:s19+$0x2C0] =	vst v10;
	v3 =	vld [tilespmem:s29+$0x50]  }
0x3a8: {  	v10 =	vld [tilespmem:s25+$0x50];
	(v2sf) =	vpush v1, $0xB;
	[tilespmem:s16+$0x290] =	vst v8  }
0x3a9: {  	(v2sf) =	vpush v5, $0x3;
	v8 =	vld [tilespmem:s30+$0x20];
	[tilespmem:s20+$0xFFFFFE90] =	vst v9  }
0x3aa: {  	[tilespmem:s17+$0x140] =	vst v7;
	v53 =	vld [tilespmem:s31+$0x20]  }
0x3ab: {  	s7 =	spop (v2sf);
	v54 =	vld [tilespmem:s28+$0x50];
	[tilespmem:s18+$0xFFFFFFF0] =	vst v6  }
0x3ac: {  	v6 =	vld [tilespmem:s7+$0x0];
	[tilespmem:s22+$0xFFFFFD50] =	vst v3  }
0x3ad: {  	[tilespmem:s19+$0x2D0] =	vst v10;
	v3 =	vld [tilespmem:s29+$0x60]  }
0x3ae: {  	v10 =	vld [tilespmem:s25+$0x60];
	[tilespmem:s16+$0x2A0] =	vst v8  }
0x3af: {  	v8 =	vld [tilespmem:s30+$0x30];
	[tilespmem:s20+$0xFFFFFEA0] =	vst v53  }
0x3b0: {  	v7 =	vld [tilespmem:s31+$0x30];
	[tilespmem:s17+$0x150] =	vst v54  }
0x3b1: {  	v9 =	vld [tilespmem:s28+$0x60];
	[tilespmem:s18+$0x0] =	vst v6  }
0x3b2: {  	v6 =	vld [tilespmem:s7+$0x10];
	[tilespmem:s22+$0xFFFFFD60] =	vst v3  }
0x3b3: {  	[tilespmem:s19+$0x2E0] =	vst v10;
	v3 =	vld [tilespmem:s29+$0x70]  }
0x3b4: {  	v10 =	vld [tilespmem:s25+$0x70];
	[tilespmem:s16+$0x2B0] =	vst v8  }
0x3b5: {  	v8 =	vld [tilespmem:s30+$0x40];
	[tilespmem:s20+$0xFFFFFEB0] =	vst v7  }
0x3b6: {  	v7 =	vld [tilespmem:s31+$0x40];
	[tilespmem:s17+$0x160] =	vst v9  }
0x3b7: {  	s25 =	spop (v2sf);
	v9 =	vld [tilespmem:s28+$0x70];
	[tilespmem:s18+$0x10] =	vst v6  }
0x3b8: {  	v6 =	vld [tilespmem:s7+$0x20];
	s29 =	spop (v2sf);
	[tilespmem:s22+$0xFFFFFD70] =	vst v3  }
0x3b9: {  	[tilespmem:s19+$0x2F0] =	vst v10;
	v3 =	vld [tilespmem:s29+$0x0]  }
0x3ba: {  	v10 =	vld [tilespmem:s23+$0x0];
	[tilespmem:s16+$0x2C0] =	vst v8  }
0x3bb: {  	v8 =	vld [tilespmem:s30+$0x50];
	[tilespmem:s20+$0xFFFFFEC0] =	vst v7  }
0x3bc: {  	v7 =	vld [tilespmem:s31+$0x50];
	[tilespmem:s17+$0x170] =	vst v9  }
0x3bd: {  	(v2sf) =	vpush v0, $0xE;
	v9 =	vld [tilespmem:s25+$0x0];
	[tilespmem:s18+$0x20] =	vst v6  }
0x3be: {  	(v2sf) =	vpush v4, $0x6;
	v6 =	vld [tilespmem:s7+$0x30];
	[tilespmem:s22+$0xFFFFFD80] =	vst v3  }
0x3bf: {  	[tilespmem:s19+$0x300] =	vst v10;
	v3 =	vld [tilespmem:s29+$0x10]  }
0x3c0: {  	v10 =	vld [tilespmem:s23+$0x10];
	[tilespmem:s16+$0x2D0] =	vst v8  }
0x3c1: {  	v8 =	vld [tilespmem:s30+$0x60];
	[tilespmem:s20+$0xFFFFFED0] =	vst v7  }
0x3c2: {  	v7 =	vld [tilespmem:s31+$0x60];
	[tilespmem:s17+$0x180] =	vst v9  }
0x3c3: {  	v9 =	vld [tilespmem:s25+$0x10];
	[tilespmem:s18+$0x30] =	vst v6  }
0x3c4: {  	v6 =	vld [tilespmem:s7+$0x40];
	[tilespmem:s22+$0xFFFFFD90] =	vst v3  }
0x3c5: {  	[tilespmem:s19+$0x310] =	vst v10;
	v3 =	vld [tilespmem:s29+$0x20]  }
0x3c6: {  	v10 =	vld [tilespmem:s23+$0x20];
	[tilespmem:s16+$0x2E0] =	vst v8  }
0x3c7: {  	v8 =	vld [tilespmem:s30+$0x70];
	[tilespmem:s20+$0xFFFFFEE0] =	vst v7  }
0x3c8: {  	v7 =	vld [tilespmem:s31+$0x70];
	[tilespmem:s17+$0x190] =	vst v9  }
0x3c9: {  	v9 =	vld [tilespmem:s25+$0x20];
	[tilespmem:s18+$0x40] =	vst v6  }
0x3ca: {  	v6 =	vld [tilespmem:s7+$0x50];
	[tilespmem:s22+$0xFFFFFDA0] =	vst v3  }
0x3cb: {  	[tilespmem:s19+$0x320] =	vst v10;
	v3 =	vld [tilespmem:s29+$0x30]  }
0x3cc: {  	v10 =	vld [tilespmem:s23+$0x30];
	(v2sf) =	vpush v2, $0x9;
	s30 =	spop (v2sf);
	[tilespmem:s16+$0x2F0] =	vst v8  }
0x3cd: {  	s31 =	spop (v2sf);
	v8 =	vld [tilespmem:s30+$0x0];
	[tilespmem:s20+$0xFFFFFEF0] =	vst v7  }
0x3ce: {  	v7 =	vld [tilespmem:s31+$0x0];
	[tilespmem:s17+$0x1A0] =	vst v9  }
0x3cf: {  	v9 =	vld [tilespmem:s25+$0x30];
	[tilespmem:s18+$0x50] =	vst v6  }
0x3d0: {  	v6 =	vld [tilespmem:s7+$0x60];
	[tilespmem:s22+$0xFFFFFDB0] =	vst v3  }
0x3d1: {  	[tilespmem:s19+$0x330] =	vst v10;
	v3 =	vld [tilespmem:s29+$0x40]  }
0x3d2: {  	v10 =	vld [tilespmem:s23+$0x40];
	[tilespmem:s16+$0x300] =	vst v8  }
0x3d3: {  	v8 =	vld [tilespmem:s30+$0x10];
	[tilespmem:s20+$0xFFFFFF00] =	vst v7  }
0x3d4: {  	v7 =	vld [tilespmem:s31+$0x10];
	[tilespmem:s17+$0x1B0] =	vst v9  }
0x3d5: {  	v9 =	vld [tilespmem:s25+$0x40];
	[tilespmem:s18+$0x60] =	vst v6  }
0x3d6: {  	v6 =	vld [tilespmem:s7+$0x70];
	[tilespmem:s22+$0xFFFFFDC0] =	vst v3  }
0x3d7: {  	[tilespmem:s19+$0x340] =	vst v10;
	v3 =	vld [tilespmem:s29+$0x50]  }
0x3d8: {  	v10 =	vld [tilespmem:s23+$0x50];
	(v2sf) =	vpush v1, $0xC;
	[tilespmem:s16+$0x310] =	vst v8  }
0x3d9: {  	(v2sf) =	vpush v5, $0x4;
	v8 =	vld [tilespmem:s30+$0x20];
	[tilespmem:s20+$0xFFFFFF10] =	vst v7  }
0x3da: {  	v7 =	vld [tilespmem:s31+$0x20];
	[tilespmem:s17+$0x1C0] =	vst v9  }
0x3db: {  	s1 =	spop (v2sf);
	v9 =	vld [tilespmem:s25+$0x50];
	[tilespmem:s18+$0x70] =	vst v6  }
0x3dc: {  	v6 =	vld [tilespmem:s1+$0x0];
	[tilespmem:s22+$0xFFFFFDD0] =	vst v3  }
0x3dd: {  	[tilespmem:s19+$0x350] =	vst v10;
	v3 =	vld [tilespmem:s29+$0x60]  }
0x3de: {  	v10 =	vld [tilespmem:s23+$0x60];
	[tilespmem:s16+$0x320] =	vst v8  }
0x3df: {  	v8 =	vld [tilespmem:s30+$0x30];
	[tilespmem:s20+$0xFFFFFF20] =	vst v7  }
0x3e0: {  	v7 =	vld [tilespmem:s31+$0x30];
	[tilespmem:s17+$0x1D0] =	vst v9  }
0x3e1: {  	v9 =	vld [tilespmem:s25+$0x60];
	[tilespmem:s18+$0x80] =	vst v6  }
0x3e2: {  	v6 =	vld [tilespmem:s1+$0x10];
	[tilespmem:s22+$0xFFFFFDE0] =	vst v3  }
0x3e3: {  	[tilespmem:s19+$0x360] =	vst v10;
	v3 =	vld [tilespmem:s29+$0x70]  }
0x3e4: {  	v10 =	vld [tilespmem:s23+$0x70];
	[tilespmem:s16+$0x330] =	vst v8  }
0x3e5: {  	v8 =	vld [tilespmem:s30+$0x40];
	[tilespmem:s20+$0xFFFFFF30] =	vst v7  }
0x3e6: {  	v7 =	vld [tilespmem:s31+$0x40];
	[tilespmem:s17+$0x1E0] =	vst v9  }
0x3e7: {  	s7 =	spop (v2sf);
	v9 =	vld [tilespmem:s25+$0x70];
	[tilespmem:s18+$0x90] =	vst v6  }
0x3e8: {  	s26 =	spop (v2sf);
	v6 =	vld [tilespmem:s1+$0x20];
	[tilespmem:s22+$0xFFFFFDF0] =	vst v3  }
0x3e9: {  	[tilespmem:s19+$0x370] =	vst v10;
	v3 =	vld [tilespmem:s26+$0x0]  }
0x3ea: {  	v10 =	vld [tilespmem:s24+$0x0];
	[tilespmem:s16+$0x340] =	vst v8  }
0x3eb: {  	v8 =	vld [tilespmem:s30+$0x50];
	[tilespmem:s20+$0xFFFFFF40] =	vst v7  }
0x3ec: {  	v7 =	vld [tilespmem:s31+$0x50];
	[tilespmem:s17+$0x1F0] =	vst v9  }
0x3ed: {  	(v2sf) =	vpush v0, $0xF;
	v55 =	vld [tilespmem:s7+$0x0];
	[tilespmem:s18+$0xA0] =	vst v6  }
0x3ee: {  	(v2sf) =	vpush v4, $0x7;
	v6 =	vld [tilespmem:s1+$0x30];
	[tilespmem:s22+$0xFFFFFE00] =	vst v3  }
0x3ef: {  	[tilespmem:s19+$0x380] =	vst v10;
	v3 =	vld [tilespmem:s26+$0x10]  }
0x3f0: {  	v56 =	vld [tilespmem:s24+$0x10];
	[tilespmem:s16+$0x350] =	vst v8  }
0x3f1: {  	v8 =	vld [tilespmem:s30+$0x60];
	[tilespmem:s20+$0xFFFFFF50] =	vst v7  }
0x3f2: {  	v7 =	vld [tilespmem:s31+$0x60];
	[tilespmem:s17+$0x200] =	vst v55  }
0x3f3: {  	v0 =	vld [tilespmem:s7+$0x10];
	[tilespmem:s18+$0xB0] =	vst v6  }
0x3f4: {  	v6 =	vld [tilespmem:s1+$0x40];
	[tilespmem:s22+$0xFFFFFE10] =	vst v3  }
0x3f5: {  	[tilespmem:s19+$0x390] =	vst v56;
	v3 =	vld [tilespmem:s26+$0x20]  }
0x3f6: {  	v9 =	vld [tilespmem:s24+$0x20];
	[tilespmem:s16+$0x360] =	vst v8  }
0x3f7: {  	v8 =	vld [tilespmem:s30+$0x70];
	[tilespmem:s20+$0xFFFFFF60] =	vst v7  }
0x3f8: {  	v7 =	vld [tilespmem:s31+$0x70];
	[tilespmem:s17+$0x210] =	vst v0  }
0x3f9: {  	v0 =	vld [tilespmem:s7+$0x20];
	[tilespmem:s18+$0xC0] =	vst v6  }
0x3fa: {  	v6 =	vld [tilespmem:s1+$0x50];
	[tilespmem:s22+$0xFFFFFE20] =	vst v3  }
0x3fb: {  	[tilespmem:s19+$0x3A0] =	vst v9;
	v3 =	vld [tilespmem:s26+$0x30]  }
0x3fc: {  	(v2sf) =	vpush v2, $0xA;
	s23 =	spop (v2sf);
	v9 =	vld [tilespmem:s24+$0x30];
	[tilespmem:s16+$0x370] =	vst v8  }
0x3fd: {  	s28 =	spop (v2sf);
	v8 =	vld [tilespmem:s23+$0x0];
	[tilespmem:s20+$0xFFFFFF70] =	vst v7  }
0x3fe: {  	v7 =	vld [tilespmem:s28+$0x0];
	[tilespmem:s17+$0x220] =	vst v0  }
0x3ff: {  	v0 =	vld [tilespmem:s7+$0x30];
	[tilespmem:s18+$0xD0] =	vst v6  }
0x400: {  	v6 =	vld [tilespmem:s1+$0x60];
	[tilespmem:s22+$0xFFFFFE30] =	vst v3  }
0x401: {  	[tilespmem:s19+$0x3B0] =	vst v9;
	v3 =	vld [tilespmem:s26+$0x40]  }
0x402: {  	v9 =	vld [tilespmem:s24+$0x40];
	[tilespmem:s16+$0x380] =	vst v8  }
0x403: {  	v8 =	vld [tilespmem:s23+$0x10];
	[tilespmem:s20+$0xFFFFFF80] =	vst v7  }
0x404: {  	v7 =	vld [tilespmem:s28+$0x10];
	[tilespmem:s17+$0x230] =	vst v0  }
0x405: {  	v0 =	vld [tilespmem:s7+$0x40];
	[tilespmem:s18+$0xE0] =	vst v6  }
0x406: {  	v6 =	vld [tilespmem:s1+$0x70];
	[tilespmem:s22+$0xFFFFFE40] =	vst v3  }
0x407: {  	[tilespmem:s19+$0x3C0] =	vst v9;
	v3 =	vld [tilespmem:s26+$0x50]  }
0x408: {  	(v2sf) =	vpush v1, $0xD;
	v9 =	vld [tilespmem:s24+$0x50];
	[tilespmem:s16+$0x390] =	vst v8  }
0x409: {  	(v2sf) =	vpush v5, $0x5;
	v8 =	vld [tilespmem:s23+$0x20];
	[tilespmem:s20+$0xFFFFFF90] =	vst v7  }
0x40a: {  	v7 =	vld [tilespmem:s28+$0x20];
	[tilespmem:s17+$0x240] =	vst v0  }
0x40b: {  	s31 =	spop (v2sf);
	v0 =	vld [tilespmem:s7+$0x50];
	[tilespmem:s18+$0xF0] =	vst v6  }
0x40c: {  	v6 =	vld [tilespmem:s31+$0x0];
	[tilespmem:s22+$0xFFFFFE50] =	vst v3  }
0x40d: {  	[tilespmem:s19+$0x3D0] =	vst v9;
	v3 =	vld [tilespmem:s26+$0x60]  }
0x40e: {  	v9 =	vld [tilespmem:s24+$0x60];
	[tilespmem:s16+$0x3A0] =	vst v8  }
0x40f: {  	v8 =	vld [tilespmem:s23+$0x30];
	[tilespmem:s20+$0xFFFFFFA0] =	vst v7  }
0x410: {  	v7 =	vld [tilespmem:s28+$0x30];
	[tilespmem:s17+$0x250] =	vst v0  }
0x411: {  	v0 =	vld [tilespmem:s7+$0x60];
	[tilespmem:s18+$0x100] =	vst v6  }
0x412: {  	v6 =	vld [tilespmem:s31+$0x10];
	[tilespmem:s22+$0xFFFFFE60] =	vst v3  }
0x413: {  	[tilespmem:s19+$0x3E0] =	vst v9;
	v3 =	vld [tilespmem:s26+$0x70]  }
0x414: {  	v9 =	vld [tilespmem:s24+$0x70];
	[tilespmem:s16+$0x3B0] =	vst v8  }
0x415: {  	v8 =	vld [tilespmem:s23+$0x40];
	[tilespmem:s20+$0xFFFFFFB0] =	vst v7  }
0x416: {  	v7 =	vld [tilespmem:s28+$0x40];
	[tilespmem:s17+$0x260] =	vst v0  }
0x417: {  	s25 =	spop (v2sf);
	v57 =	vld [tilespmem:s7+$0x70];
	[tilespmem:s18+$0x110] =	vst v6  }
0x418: {  	s29 =	spop (v2sf);
	v6 =	vld [tilespmem:s31+$0x20];
	[tilespmem:s22+$0xFFFFFE70] =	vst v3  }
0x419: {  	[tilespmem:s19+$0x3F0] =	vst v9;
	v58 =	vld [tilespmem:s29+$0x0]  }
0x41a: {  	[tilespmem:s16+$0x3C0] =	vst v8  }
0x41b: {  	v59 =	vld [tilespmem:s23+$0x50];
	[tilespmem:s20+$0xFFFFFFC0] =	vst v7  }
0x41c: {  	v7 =	vld [tilespmem:s28+$0x50];
	[tilespmem:s17+$0x270] =	vst v57  }
0x41d: {  	(v2sf) =	vpush v4, $0x8;
	v60 =	vld [tilespmem:s25+$0x0];
	[tilespmem:s18+$0x120] =	vst v6  }
0x41e: {  	v6 =	vld [tilespmem:s31+$0x30];
	[tilespmem:s22+$0xFFFFFE80] =	vst v58  }
0x41f: {  	v8 =	vld [tilespmem:s29+$0x10];
	_ =	sdelay $0x4  }
0x420: {  	[tilespmem:s22+$0xFFFFFE90] =	vst v8  }
0x421: {  	v8 =	vld [tilespmem:s29+$0x20];
	_ =	sdelay $0x4  }
0x422: {  	[tilespmem:s22+$0xFFFFFEA0] =	vst v8  }
0x423: {  	v8 =	vld [tilespmem:s29+$0x30];
	_ =	sdelay $0x4  }
0x424: {  	[tilespmem:s22+$0xFFFFFEB0] =	vst v8  }
0x425: {  	v8 =	vld [tilespmem:s29+$0x40];
	_ =	sdelay $0x4  }
0x426: {  	[tilespmem:s22+$0xFFFFFEC0] =	vst v8  }
0x427: {  	(v2sf) =	vpush v2, $0xB;
	v8 =	vld [tilespmem:s29+$0x50]  }
0x428: {  	(v2sf) =	vpush v1, $0xE  }
0x429: {  	(v2sf) =	vpush v5, $0x6;
	_ =	sdelay $0x2  }
0x42a: {  	[tilespmem:s22+$0xFFFFFED0] =	vst v8  }
0x42b: {  	v8 =	vld [tilespmem:s29+$0x60];
	_ =	sdelay $0x4  }
0x42c: {  	[tilespmem:s22+$0xFFFFFEE0] =	vst v8  }
0x42d: {  	v8 =	vld [tilespmem:s29+$0x70];
	_ =	sdelay $0x1  }
0x42e: {  	s6 =	spop (v2sf)  }
0x42f: {  	s1 =	spop (v2sf)  }
0x430: {  	s24 =	spop (v2sf)  }
0x431: {  	s30 =	spop (v2sf);
	[tilespmem:s22+$0xFFFFFEF0] =	vst v8  }
0x432: {  	v8 =	vld [tilespmem:s30+$0x0];
	_ =	sdelay $0x4  }
0x433: {  	[tilespmem:s22+$0xFFFFFF00] =	vst v8  }
0x434: {  	v8 =	vld [tilespmem:s30+$0x10];
	_ =	sdelay $0x4  }
0x435: {  	[tilespmem:s22+$0xFFFFFF10] =	vst v8  }
0x436: {  	v8 =	vld [tilespmem:s30+$0x20];
	_ =	sdelay $0x4  }
0x437: {  	[tilespmem:s22+$0xFFFFFF20] =	vst v8  }
0x438: {  	v8 =	vld [tilespmem:s30+$0x30];
	_ =	sdelay $0x4  }
0x439: {  	[tilespmem:s22+$0xFFFFFF30] =	vst v8  }
0x43a: {  	v8 =	vld [tilespmem:s30+$0x40];
	_ =	sdelay $0x4  }
0x43b: {  	(v2sf) =	vpush v4, $0x9;
	[tilespmem:s22+$0xFFFFFF40] =	vst v8  }
0x43c: {  	(v2sf) =	vpush v2, $0xC;
	v8 =	vld [tilespmem:s30+$0x50]  }
0x43d: {  	(v2sf) =	vpush v1, $0xF  }
0x43e: {  	(v2sf) =	vpush v5, $0x7;
	_ =	sdelay $0x2  }
0x43f: {  	[tilespmem:s22+$0xFFFFFF50] =	vst v8  }
0x440: {  	v61 =	vld [tilespmem:s30+$0x60];
	_ =	sdelay $0x4  }
0x441: {  	[tilespmem:s22+$0xFFFFFF60] =	vst v61  }
0x442: {  	v1 =	vld [tilespmem:s30+$0x70];
	_ =	sdelay $0x1  }
0x443: {  	s9 =	spop (v2sf)  }
0x444: {  	s30 =	spop (v2sf)  }
0x445: {  	s19 =	spop (v2sf)  }
0x446: {  	s7 =	spop (v2sf);
	[tilespmem:s22+$0xFFFFFF70] =	vst v1  }
0x447: {  	v1 =	vld [tilespmem:s7+$0x0];
	_ =	sdelay $0x4  }
0x448: {  	[tilespmem:s22+$0xFFFFFF80] =	vst v1  }
0x449: {  	v1 =	vld [tilespmem:s7+$0x10];
	_ =	sdelay $0x4  }
0x44a: {  	[tilespmem:s22+$0xFFFFFF90] =	vst v1  }
0x44b: {  	v1 =	vld [tilespmem:s7+$0x20];
	_ =	sdelay $0x4  }
0x44c: {  	[tilespmem:s22+$0xFFFFFFA0] =	vst v1  }
0x44d: {  	v1 =	vld [tilespmem:s7+$0x30];
	_ =	sdelay $0x4  }
0x44e: {  	[tilespmem:s22+$0xFFFFFFB0] =	vst v1  }
0x44f: {  	v1 =	vld [tilespmem:s7+$0x40];
	_ =	sdelay $0x4  }
0x450: {  	[tilespmem:s22+$0xFFFFFFC0] =	vst v1  }
0x451: {  	(v2sf) =	vpush v4, $0xA;
	v1 =	vld [tilespmem:s7+$0x50]  }
0x452: {  	(v2sf) =	vpush v2, $0xD  }
0x453: {  	(v2sf) =	vpush v5, $0x8;
	_ =	sdelay $0x1  }
0x454: {  	[tilespmem:s20+$0xFFFFFFD0] =	vst v7  }
0x455: {  	v7 =	vld [tilespmem:s28+$0x60];
	[tilespmem:s22+$0xFFFFFFD0] =	vst v1  }
0x456: {  	v1 =	vld [tilespmem:s7+$0x60];
	_ =	sdelay $0x3  }
0x457: {  	[tilespmem:s20+$0xFFFFFFE0] =	vst v7  }
0x458: {  	v7 =	vld [tilespmem:s28+$0x70];
	[tilespmem:s22+$0xFFFFFFE0] =	vst v1  }
0x459: {  	v1 =	vld [tilespmem:s7+$0x70];
	_ =	sdelay $0x2  }
0x45a: {  	s0 =	spop (v2sf)  }
0x45b: {  	[tilespmem:s20+$0xFFFFFFF0] =	vst v7;
	s29 =	spop (v2sf)  }
0x45c: {  	v7 =	vld [tilespmem:s6+$0x0];
	s28 =	spop (v2sf);
	[tilespmem:s22+$0xFFFFFFF0] =	vst v1  }
0x45d: {  	v1 =	vld [tilespmem:s28+$0x0];
	_ =	sdelay $0x3  }
0x45e: {  	[tilespmem:s20+$0x0] =	vst v7  }
0x45f: {  	v7 =	vld [tilespmem:s6+$0x10];
	[tilespmem:s22+$0x0] =	vst v1  }
0x460: {  	v1 =	vld [tilespmem:s28+$0x10];
	_ =	sdelay $0x3  }
0x461: {  	[tilespmem:s20+$0x10] =	vst v7  }
0x462: {  	v7 =	vld [tilespmem:s6+$0x20];
	[tilespmem:s22+$0x10] =	vst v1  }
0x463: {  	v1 =	vld [tilespmem:s28+$0x20];
	_ =	sdelay $0x3  }
0x464: {  	[tilespmem:s20+$0x20] =	vst v7  }
0x465: {  	v7 =	vld [tilespmem:s6+$0x30];
	[tilespmem:s22+$0x20] =	vst v1  }
0x466: {  	v1 =	vld [tilespmem:s28+$0x30];
	_ =	sdelay $0x3  }
0x467: {  	[tilespmem:s20+$0x30] =	vst v7  }
0x468: {  	v7 =	vld [tilespmem:s6+$0x40];
	[tilespmem:s22+$0x30] =	vst v1  }
0x469: {  	v1 =	vld [tilespmem:s28+$0x40];
	_ =	sdelay $0x3  }
0x46a: {  	[tilespmem:s20+$0x40] =	vst v7  }
0x46b: {  	v7 =	vld [tilespmem:s6+$0x50];
	[tilespmem:s22+$0x40] =	vst v1  }
0x46c: {  	(v2sf) =	vpush v4, $0xB;
	v1 =	vld [tilespmem:s28+$0x50]  }
0x46d: {  	(v2sf) =	vpush v2, $0xE  }
0x46e: {  	(v2sf) =	vpush v5, $0x9;
	_ =	sdelay $0x1  }
0x46f: {  	[tilespmem:s20+$0x50] =	vst v7  }
0x470: {  	v7 =	vld [tilespmem:s6+$0x60];
	[tilespmem:s22+$0x50] =	vst v1  }
0x471: {  	v1 =	vld [tilespmem:s28+$0x60];
	_ =	sdelay $0x3  }
0x472: {  	[tilespmem:s20+$0x60] =	vst v7  }
0x473: {  	v7 =	vld [tilespmem:s6+$0x70];
	[tilespmem:s22+$0x60] =	vst v1  }
0x474: {  	v1 =	vld [tilespmem:s28+$0x70];
	_ =	sdelay $0x2  }
0x475: {  	s6 =	spop (v2sf)  }
0x476: {  	[tilespmem:s20+$0x70] =	vst v7;
	s28 =	spop (v2sf)  }
0x477: {  	v7 =	vld [tilespmem:s9+$0x0];
	s7 =	spop (v2sf);
	[tilespmem:s22+$0x70] =	vst v1  }
0x478: {  	v1 =	vld [tilespmem:s7+$0x0];
	_ =	sdelay $0x3  }
0x479: {  	[tilespmem:s20+$0x80] =	vst v7  }
0x47a: {  	v7 =	vld [tilespmem:s9+$0x10];
	[tilespmem:s22+$0x80] =	vst v1  }
0x47b: {  	v1 =	vld [tilespmem:s7+$0x10];
	_ =	sdelay $0x3  }
0x47c: {  	[tilespmem:s20+$0x90] =	vst v7  }
0x47d: {  	v7 =	vld [tilespmem:s9+$0x20];
	[tilespmem:s22+$0x90] =	vst v1  }
0x47e: {  	v1 =	vld [tilespmem:s7+$0x20];
	_ =	sdelay $0x3  }
0x47f: {  	[tilespmem:s20+$0xA0] =	vst v7  }
0x480: {  	v7 =	vld [tilespmem:s9+$0x30];
	[tilespmem:s22+$0xA0] =	vst v1  }
0x481: {  	v1 =	vld [tilespmem:s7+$0x30];
	_ =	sdelay $0x3  }
0x482: {  	[tilespmem:s20+$0xB0] =	vst v7  }
0x483: {  	v7 =	vld [tilespmem:s9+$0x40];
	[tilespmem:s22+$0xB0] =	vst v1  }
0x484: {  	v1 =	vld [tilespmem:s7+$0x40];
	_ =	sdelay $0x3  }
0x485: {  	[tilespmem:s20+$0xC0] =	vst v7  }
0x486: {  	v7 =	vld [tilespmem:s9+$0x50];
	[tilespmem:s22+$0xC0] =	vst v1  }
0x487: {  	(v2sf) =	vpush v4, $0xC;
	v1 =	vld [tilespmem:s7+$0x50]  }
0x488: {  	(v2sf) =	vpush v2, $0xF  }
0x489: {  	(v2sf) =	vpush v5, $0xA;
	_ =	sdelay $0x1  }
0x48a: {  	[tilespmem:s20+$0xD0] =	vst v7  }
0x48b: {  	v62 =	vld [tilespmem:s9+$0x60];
	[tilespmem:s22+$0xD0] =	vst v1  }
0x48c: {  	v1 =	vld [tilespmem:s7+$0x60];
	_ =	sdelay $0x3  }
0x48d: {  	[tilespmem:s20+$0xE0] =	vst v62  }
0x48e: {  	v2 =	vld [tilespmem:s9+$0x70];
	[tilespmem:s22+$0xE0] =	vst v1  }
0x48f: {  	v1 =	vld [tilespmem:s7+$0x70];
	_ =	sdelay $0x2  }
0x490: {  	s9 =	spop (v2sf)  }
0x491: {  	[tilespmem:s20+$0xF0] =	vst v2;
	s26 =	spop (v2sf)  }
0x492: {  	v2 =	vld [tilespmem:s0+$0x0];
	s7 =	spop (v2sf);
	[tilespmem:s22+$0xF0] =	vst v1  }
0x493: {  	v1 =	vld [tilespmem:s7+$0x0];
	_ =	sdelay $0x3  }
0x494: {  	[tilespmem:s20+$0x100] =	vst v2  }
0x495: {  	v2 =	vld [tilespmem:s0+$0x10];
	[tilespmem:s22+$0x100] =	vst v1  }
0x496: {  	v1 =	vld [tilespmem:s7+$0x10];
	_ =	sdelay $0x3  }
0x497: {  	[tilespmem:s20+$0x110] =	vst v2  }
0x498: {  	v2 =	vld [tilespmem:s0+$0x20];
	[tilespmem:s22+$0x110] =	vst v1  }
0x499: {  	v1 =	vld [tilespmem:s7+$0x20];
	_ =	sdelay $0x3  }
0x49a: {  	[tilespmem:s20+$0x120] =	vst v2  }
0x49b: {  	v2 =	vld [tilespmem:s0+$0x30];
	[tilespmem:s22+$0x120] =	vst v1  }
0x49c: {  	v1 =	vld [tilespmem:s7+$0x30];
	_ =	sdelay $0x2  }
0x49d: {  	[tilespmem:s18+$0x130] =	vst v6  }
0x49e: {  	v6 =	vld [tilespmem:s31+$0x40];
	[tilespmem:s20+$0x130] =	vst v2  }
0x49f: {  	v2 =	vld [tilespmem:s0+$0x40];
	[tilespmem:s22+$0x130] =	vst v1  }
0x4a0: {  	v1 =	vld [tilespmem:s7+$0x40];
	_ =	sdelay $0x2  }
0x4a1: {  	[tilespmem:s18+$0x140] =	vst v6  }
0x4a2: {  	v6 =	vld [tilespmem:s31+$0x50];
	[tilespmem:s20+$0x140] =	vst v2  }
0x4a3: {  	v2 =	vld [tilespmem:s0+$0x50];
	[tilespmem:s22+$0x140] =	vst v1  }
0x4a4: {  	v1 =	vld [tilespmem:s7+$0x50]  }
0x4a5: {  	(v2sf) =	vpush v4, $0xD  }
0x4a6: {  	(v2sf) =	vpush v5, $0xB  }
0x4a7: {  	[tilespmem:s18+$0x150] =	vst v6  }
0x4a8: {  	v6 =	vld [tilespmem:s31+$0x60];
	[tilespmem:s20+$0x150] =	vst v2  }
0x4a9: {  	v2 =	vld [tilespmem:s0+$0x60];
	[tilespmem:s22+$0x150] =	vst v1  }
0x4aa: {  	v1 =	vld [tilespmem:s7+$0x60];
	_ =	sdelay $0x2  }
0x4ab: {  	[tilespmem:s18+$0x160] =	vst v6  }
0x4ac: {  	v6 =	vld [tilespmem:s31+$0x70];
	[tilespmem:s20+$0x160] =	vst v2  }
0x4ad: {  	v2 =	vld [tilespmem:s0+$0x70];
	[tilespmem:s22+$0x160] =	vst v1  }
0x4ae: {  	v1 =	vld [tilespmem:s7+$0x70];
	_ =	sdelay $0x2  }
0x4af: {  	[tilespmem:s18+$0x170] =	vst v6  }
0x4b0: {  	v6 =	vld [tilespmem:s1+$0x0];
	s0 =	spop (v2sf);
	[tilespmem:s20+$0x170] =	vst v2  }
0x4b1: {  	s31 =	spop (v2sf);
	v2 =	vld [tilespmem:s6+$0x0];
	[tilespmem:s22+$0x170] =	vst v1  }
0x4b2: {  	v1 =	vld [tilespmem:s31+$0x0];
	_ =	sdelay $0x2  }
0x4b3: {  	[tilespmem:s18+$0x180] =	vst v6  }
0x4b4: {  	v6 =	vld [tilespmem:s1+$0x10];
	[tilespmem:s20+$0x180] =	vst v2  }
0x4b5: {  	v2 =	vld [tilespmem:s6+$0x10];
	[tilespmem:s22+$0x180] =	vst v1  }
0x4b6: {  	v1 =	vld [tilespmem:s31+$0x10];
	_ =	sdelay $0x2  }
0x4b7: {  	[tilespmem:s18+$0x190] =	vst v6  }
0x4b8: {  	v6 =	vld [tilespmem:s1+$0x20];
	[tilespmem:s20+$0x190] =	vst v2  }
0x4b9: {  	v2 =	vld [tilespmem:s6+$0x20];
	[tilespmem:s22+$0x190] =	vst v1  }
0x4ba: {  	v1 =	vld [tilespmem:s31+$0x20];
	_ =	sdelay $0x2  }
0x4bb: {  	[tilespmem:s18+$0x1A0] =	vst v6  }
0x4bc: {  	v6 =	vld [tilespmem:s1+$0x30];
	[tilespmem:s20+$0x1A0] =	vst v2  }
0x4bd: {  	v2 =	vld [tilespmem:s6+$0x30];
	[tilespmem:s22+$0x1A0] =	vst v1  }
0x4be: {  	v1 =	vld [tilespmem:s31+$0x30];
	_ =	sdelay $0x2  }
0x4bf: {  	[tilespmem:s18+$0x1B0] =	vst v6  }
0x4c0: {  	v6 =	vld [tilespmem:s1+$0x40];
	[tilespmem:s20+$0x1B0] =	vst v2  }
0x4c1: {  	v2 =	vld [tilespmem:s6+$0x40];
	[tilespmem:s22+$0x1B0] =	vst v1  }
0x4c2: {  	v1 =	vld [tilespmem:s31+$0x40];
	_ =	sdelay $0x2  }
0x4c3: {  	[tilespmem:s18+$0x1C0] =	vst v6  }
0x4c4: {  	v6 =	vld [tilespmem:s1+$0x50];
	[tilespmem:s20+$0x1C0] =	vst v2  }
0x4c5: {  	v2 =	vld [tilespmem:s6+$0x50];
	[tilespmem:s22+$0x1C0] =	vst v1  }
0x4c6: {  	v1 =	vld [tilespmem:s31+$0x50]  }
0x4c7: {  	(v2sf) =	vpush v4, $0xE  }
0x4c8: {  	(v2sf) =	vpush v5, $0xC  }
0x4c9: {  	[tilespmem:s18+$0x1D0] =	vst v6  }
0x4ca: {  	v6 =	vld [tilespmem:s1+$0x60];
	[tilespmem:s20+$0x1D0] =	vst v2  }
0x4cb: {  	v2 =	vld [tilespmem:s6+$0x60];
	[tilespmem:s22+$0x1D0] =	vst v1  }
0x4cc: {  	v1 =	vld [tilespmem:s31+$0x60];
	_ =	sdelay $0x2  }
0x4cd: {  	[tilespmem:s18+$0x1E0] =	vst v6  }
0x4ce: {  	v6 =	vld [tilespmem:s1+$0x70];
	[tilespmem:s20+$0x1E0] =	vst v2  }
0x4cf: {  	v2 =	vld [tilespmem:s6+$0x70];
	[tilespmem:s22+$0x1E0] =	vst v1  }
0x4d0: {  	v1 =	vld [tilespmem:s31+$0x70];
	_ =	sdelay $0x2  }
0x4d1: {  	[tilespmem:s18+$0x1F0] =	vst v6  }
0x4d2: {  	v6 =	vld [tilespmem:s30+$0x0];
	[tilespmem:s20+$0x1F0] =	vst v2;
	s31 =	spop (v2sf)  }
0x4d3: {  	v2 =	vld [tilespmem:s9+$0x0];
	s6 =	spop (v2sf);
	[tilespmem:s22+$0x1F0] =	vst v1  }
0x4d4: {  	v1 =	vld [tilespmem:s6+$0x0];
	_ =	sdelay $0x2  }
0x4d5: {  	[tilespmem:s18+$0x200] =	vst v6  }
0x4d6: {  	v6 =	vld [tilespmem:s30+$0x10];
	[tilespmem:s20+$0x200] =	vst v2  }
0x4d7: {  	v2 =	vld [tilespmem:s9+$0x10];
	[tilespmem:s22+$0x200] =	vst v1  }
0x4d8: {  	v1 =	vld [tilespmem:s6+$0x10];
	_ =	sdelay $0x2  }
0x4d9: {  	[tilespmem:s18+$0x210] =	vst v6  }
0x4da: {  	v6 =	vld [tilespmem:s30+$0x20];
	[tilespmem:s20+$0x210] =	vst v2  }
0x4db: {  	v2 =	vld [tilespmem:s9+$0x20];
	[tilespmem:s22+$0x210] =	vst v1  }
0x4dc: {  	v1 =	vld [tilespmem:s6+$0x20];
	_ =	sdelay $0x2  }
0x4dd: {  	[tilespmem:s18+$0x220] =	vst v6  }
0x4de: {  	v6 =	vld [tilespmem:s30+$0x30];
	[tilespmem:s20+$0x220] =	vst v2  }
0x4df: {  	v2 =	vld [tilespmem:s9+$0x30];
	[tilespmem:s22+$0x220] =	vst v1  }
0x4e0: {  	v1 =	vld [tilespmem:s6+$0x30];
	_ =	sdelay $0x2  }
0x4e1: {  	[tilespmem:s18+$0x230] =	vst v6  }
0x4e2: {  	v6 =	vld [tilespmem:s30+$0x40];
	[tilespmem:s20+$0x230] =	vst v2  }
0x4e3: {  	v2 =	vld [tilespmem:s9+$0x40];
	[tilespmem:s22+$0x230] =	vst v1  }
0x4e4: {  	v1 =	vld [tilespmem:s6+$0x40];
	_ =	sdelay $0x2  }
0x4e5: {  	[tilespmem:s18+$0x240] =	vst v6  }
0x4e6: {  	v6 =	vld [tilespmem:s30+$0x50];
	[tilespmem:s20+$0x240] =	vst v2  }
0x4e7: {  	v2 =	vld [tilespmem:s9+$0x50];
	[tilespmem:s22+$0x240] =	vst v1  }
0x4e8: {  	v1 =	vld [tilespmem:s6+$0x50]  }
0x4e9: {  	(v2sf) =	vpush v4, $0xF  }
0x4ea: {  	(v2sf) =	vpush v5, $0xD  }
0x4eb: {  	[tilespmem:s18+$0x250] =	vst v6  }
0x4ec: {  	v63 =	vld [tilespmem:s30+$0x60];
	[tilespmem:s20+$0x250] =	vst v2  }
0x4ed: {  	v2 =	vld [tilespmem:s9+$0x60];
	[tilespmem:s22+$0x250] =	vst v1  }
0x4ee: {  	v1 =	vld [tilespmem:s6+$0x60];
	_ =	sdelay $0x2  }
0x4ef: {  	[tilespmem:s18+$0x260] =	vst v63  }
0x4f0: {  	[tilespmem:s20+$0x260] =	vst v2;
	v4 =	vld [tilespmem:s30+$0x70]  }
0x4f1: {  	v2 =	vld [tilespmem:s9+$0x70];
	[tilespmem:s22+$0x260] =	vst v1  }
0x4f2: {  	v1 =	vld [tilespmem:s6+$0x70];
	_ =	sdelay $0x2  }
0x4f3: {  	[tilespmem:s18+$0x270] =	vst v4  }
0x4f4: {  	[tilespmem:s20+$0x270] =	vst v2;
	v4 =	vld [tilespmem:s29+$0x0];
	s7 =	spop (v2sf)  }
0x4f5: {  	v2 =	vld [tilespmem:s0+$0x0];
	s9 =	spop (v2sf);
	[tilespmem:s22+$0x270] =	vst v1  }
0x4f6: {  	v1 =	vld [tilespmem:s9+$0x0];
	_ =	sdelay $0x1  }
0x4f7: {  	[tilespmem:s17+$0x280] =	vst v60  }
0x4f8: {  	v3 =	vld [tilespmem:s25+$0x10];
	[tilespmem:s18+$0x280] =	vst v4  }
0x4f9: {  	[tilespmem:s20+$0x280] =	vst v2;
	v4 =	vld [tilespmem:s29+$0x10]  }
0x4fa: {  	v2 =	vld [tilespmem:s0+$0x10];
	[tilespmem:s22+$0x280] =	vst v1  }
0x4fb: {  	v1 =	vld [tilespmem:s9+$0x10];
	_ =	sdelay $0x1  }
0x4fc: {  	[tilespmem:s17+$0x290] =	vst v3  }
0x4fd: {  	v3 =	vld [tilespmem:s25+$0x20];
	[tilespmem:s18+$0x290] =	vst v4  }
0x4fe: {  	[tilespmem:s20+$0x290] =	vst v2;
	v4 =	vld [tilespmem:s29+$0x20]  }
0x4ff: {  	v2 =	vld [tilespmem:s0+$0x20];
	[tilespmem:s22+$0x290] =	vst v1  }
0x500: {  	v1 =	vld [tilespmem:s9+$0x20];
	_ =	sdelay $0x1  }
0x501: {  	[tilespmem:s17+$0x2A0] =	vst v3  }
0x502: {  	v3 =	vld [tilespmem:s25+$0x30];
	[tilespmem:s18+$0x2A0] =	vst v4  }
0x503: {  	[tilespmem:s20+$0x2A0] =	vst v2;
	v4 =	vld [tilespmem:s29+$0x30]  }
0x504: {  	v2 =	vld [tilespmem:s0+$0x30];
	[tilespmem:s22+$0x2A0] =	vst v1  }
0x505: {  	v1 =	vld [tilespmem:s9+$0x30];
	_ =	sdelay $0x1  }
0x506: {  	[tilespmem:s17+$0x2B0] =	vst v3  }
0x507: {  	v3 =	vld [tilespmem:s25+$0x40];
	[tilespmem:s18+$0x2B0] =	vst v4  }
0x508: {  	[tilespmem:s20+$0x2B0] =	vst v2;
	v4 =	vld [tilespmem:s29+$0x40]  }
0x509: {  	v2 =	vld [tilespmem:s0+$0x40];
	[tilespmem:s22+$0x2B0] =	vst v1  }
0x50a: {  	v1 =	vld [tilespmem:s9+$0x40];
	_ =	sdelay $0x1  }
0x50b: {  	[tilespmem:s17+$0x2C0] =	vst v3  }
0x50c: {  	v3 =	vld [tilespmem:s25+$0x50];
	[tilespmem:s18+$0x2C0] =	vst v4  }
0x50d: {  	[tilespmem:s20+$0x2C0] =	vst v2;
	v4 =	vld [tilespmem:s29+$0x50]  }
0x50e: {  	v2 =	vld [tilespmem:s0+$0x50];
	[tilespmem:s22+$0x2C0] =	vst v1  }
0x50f: {  	v1 =	vld [tilespmem:s9+$0x50];
	_ =	sdelay $0x1  }
0x510: {  	[tilespmem:s17+$0x2D0] =	vst v3;
	(v2sf) =	vpush v5, $0xE  }
0x511: {  	v3 =	vld [tilespmem:s25+$0x60];
	[tilespmem:s18+$0x2D0] =	vst v4  }
0x512: {  	[tilespmem:s20+$0x2D0] =	vst v2;
	v4 =	vld [tilespmem:s29+$0x60]  }
0x513: {  	v2 =	vld [tilespmem:s0+$0x60];
	[tilespmem:s22+$0x2D0] =	vst v1  }
0x514: {  	v1 =	vld [tilespmem:s9+$0x60];
	_ =	sdelay $0x1  }
0x515: {  	[tilespmem:s17+$0x2E0] =	vst v3  }
0x516: {  	v3 =	vld [tilespmem:s25+$0x70];
	[tilespmem:s18+$0x2E0] =	vst v4  }
0x517: {  	[tilespmem:s20+$0x2E0] =	vst v2;
	v4 =	vld [tilespmem:s29+$0x70]  }
0x518: {  	v2 =	vld [tilespmem:s0+$0x70];
	[tilespmem:s22+$0x2E0] =	vst v1  }
0x519: {  	v1 =	vld [tilespmem:s9+$0x70];
	_ =	sdelay $0x1  }
0x51a: {  	[tilespmem:s17+$0x2F0] =	vst v3  }
0x51b: {  	v3 =	vld [tilespmem:s24+$0x0];
	[tilespmem:s18+$0x2F0] =	vst v4  }
0x51c: {  	[tilespmem:s20+$0x2F0] =	vst v2;
	v4 =	vld [tilespmem:s28+$0x0]  }
0x51d: {  	s29 =	spop (v2sf);
	v2 =	vld [tilespmem:s31+$0x0];
	[tilespmem:s22+$0x2F0] =	vst v1  }
0x51e: {  	v1 =	vld [tilespmem:s29+$0x0];
	_ =	sdelay $0x1  }
0x51f: {  	[tilespmem:s17+$0x300] =	vst v3  }
0x520: {  	v3 =	vld [tilespmem:s24+$0x10];
	[tilespmem:s18+$0x300] =	vst v4  }
0x521: {  	[tilespmem:s20+$0x300] =	vst v2;
	v4 =	vld [tilespmem:s28+$0x10]  }
0x522: {  	v2 =	vld [tilespmem:s31+$0x10];
	[tilespmem:s22+$0x300] =	vst v1  }
0x523: {  	v1 =	vld [tilespmem:s29+$0x10];
	_ =	sdelay $0x1  }
0x524: {  	[tilespmem:s17+$0x310] =	vst v3  }
0x525: {  	v3 =	vld [tilespmem:s24+$0x20];
	[tilespmem:s18+$0x310] =	vst v4  }
0x526: {  	[tilespmem:s20+$0x310] =	vst v2;
	v4 =	vld [tilespmem:s28+$0x20]  }
0x527: {  	v2 =	vld [tilespmem:s31+$0x20];
	[tilespmem:s22+$0x310] =	vst v1  }
0x528: {  	v1 =	vld [tilespmem:s29+$0x20];
	_ =	sdelay $0x1  }
0x529: {  	[tilespmem:s17+$0x320] =	vst v3  }
0x52a: {  	v3 =	vld [tilespmem:s24+$0x30];
	[tilespmem:s18+$0x320] =	vst v4  }
0x52b: {  	[tilespmem:s20+$0x320] =	vst v2;
	v4 =	vld [tilespmem:s28+$0x30]  }
0x52c: {  	v2 =	vld [tilespmem:s31+$0x30];
	[tilespmem:s22+$0x320] =	vst v1  }
0x52d: {  	v1 =	vld [tilespmem:s29+$0x30];
	_ =	sdelay $0x1  }
0x52e: {  	[tilespmem:s17+$0x330] =	vst v3  }
0x52f: {  	v3 =	vld [tilespmem:s24+$0x40];
	[tilespmem:s18+$0x330] =	vst v4  }
0x530: {  	[tilespmem:s20+$0x330] =	vst v2;
	v4 =	vld [tilespmem:s28+$0x40]  }
0x531: {  	v2 =	vld [tilespmem:s31+$0x40];
	[tilespmem:s22+$0x330] =	vst v1  }
0x532: {  	v1 =	vld [tilespmem:s29+$0x40];
	_ =	sdelay $0x1  }
0x533: {  	[tilespmem:s17+$0x340] =	vst v3  }
0x534: {  	v3 =	vld [tilespmem:s24+$0x50];
	[tilespmem:s18+$0x340] =	vst v4  }
0x535: {  	[tilespmem:s20+$0x340] =	vst v2;
	v4 =	vld [tilespmem:s28+$0x50]  }
0x536: {  	v2 =	vld [tilespmem:s31+$0x50];
	[tilespmem:s22+$0x340] =	vst v1  }
0x537: {  	v1 =	vld [tilespmem:s29+$0x50];
	_ =	sdelay $0x1  }
0x538: {  	[tilespmem:s17+$0x350] =	vst v3;
	(v2sf) =	vpush v5, $0xF  }
0x539: {  	v3 =	vld [tilespmem:s24+$0x60];
	[tilespmem:s18+$0x350] =	vst v4  }
0x53a: {  	[tilespmem:s20+$0x350] =	vst v2;
	v4 =	vld [tilespmem:s28+$0x60]  }
0x53b: {  	v2 =	vld [tilespmem:s31+$0x60];
	[tilespmem:s22+$0x350] =	vst v1  }
0x53c: {  	v1 =	vld [tilespmem:s29+$0x60];
	_ =	sdelay $0x1  }
0x53d: {  	[tilespmem:s17+$0x360] =	vst v3  }
0x53e: {  	v3 =	vld [tilespmem:s24+$0x70];
	[tilespmem:s18+$0x360] =	vst v4  }
0x53f: {  	[tilespmem:s20+$0x360] =	vst v2;
	v4 =	vld [tilespmem:s28+$0x70]  }
0x540: {  	v2 =	vld [tilespmem:s31+$0x70];
	[tilespmem:s22+$0x360] =	vst v1  }
0x541: {  	v1 =	vld [tilespmem:s29+$0x70];
	_ =	sdelay $0x1  }
0x542: {  	[tilespmem:s17+$0x370] =	vst v3  }
0x543: {  	v3 =	vld [tilespmem:s19+$0x0];
	[tilespmem:s18+$0x370] =	vst v4  }
0x544: {  	[tilespmem:s20+$0x370] =	vst v2;
	v4 =	vld [tilespmem:s26+$0x0]  }
0x545: {  	s30 =	spop (v2sf);
	v2 =	vld [tilespmem:s7+$0x0];
	[tilespmem:s22+$0x370] =	vst v1  }
0x546: {  	v1 =	vld [tilespmem:s30+$0x0];
	_ =	sdelay $0x1  }
0x547: {  	[tilespmem:s17+$0x380] =	vst v3  }
0x548: {  	v3 =	vld [tilespmem:s19+$0x10];
	[tilespmem:s18+$0x380] =	vst v4  }
0x549: {  	[tilespmem:s20+$0x380] =	vst v2;
	v4 =	vld [tilespmem:s26+$0x10]  }
0x54a: {  	v2 =	vld [tilespmem:s7+$0x10];
	[tilespmem:s22+$0x380] =	vst v1  }
0x54b: {  	v1 =	vld [tilespmem:s30+$0x10];
	_ =	sdelay $0x1  }
0x54c: {  	[tilespmem:s17+$0x390] =	vst v3  }
0x54d: {  	v3 =	vld [tilespmem:s19+$0x20];
	[tilespmem:s18+$0x390] =	vst v4  }
0x54e: {  	[tilespmem:s20+$0x390] =	vst v2;
	v4 =	vld [tilespmem:s26+$0x20]  }
0x54f: {  	v2 =	vld [tilespmem:s7+$0x20];
	[tilespmem:s22+$0x390] =	vst v1  }
0x550: {  	v1 =	vld [tilespmem:s30+$0x20];
	_ =	sdelay $0x1  }
0x551: {  	[tilespmem:s17+$0x3A0] =	vst v3  }
0x552: {  	v3 =	vld [tilespmem:s19+$0x30];
	[tilespmem:s18+$0x3A0] =	vst v4  }
0x553: {  	[tilespmem:s20+$0x3A0] =	vst v2;
	v4 =	vld [tilespmem:s26+$0x30]  }
0x554: {  	v2 =	vld [tilespmem:s7+$0x30];
	[tilespmem:s22+$0x3A0] =	vst v1  }
0x555: {  	v1 =	vld [tilespmem:s30+$0x30];
	_ =	sdelay $0x1  }
0x556: {  	[tilespmem:s17+$0x3B0] =	vst v3  }
0x557: {  	v3 =	vld [tilespmem:s19+$0x40];
	[tilespmem:s18+$0x3B0] =	vst v4  }
0x558: {  	[tilespmem:s20+$0x3B0] =	vst v2;
	v4 =	vld [tilespmem:s26+$0x40]  }
0x559: {  	v2 =	vld [tilespmem:s7+$0x40];
	[tilespmem:s22+$0x3B0] =	vst v1  }
0x55a: {  	v1 =	vld [tilespmem:s30+$0x40];
	_ =	sdelay $0x1  }
0x55b: {  	[tilespmem:s17+$0x3C0] =	vst v3  }
0x55c: {  	v3 =	vld [tilespmem:s19+$0x50];
	[tilespmem:s18+$0x3C0] =	vst v4  }
0x55d: {  	[tilespmem:s20+$0x3C0] =	vst v2;
	v4 =	vld [tilespmem:s26+$0x50]  }
0x55e: {  	v2 =	vld [tilespmem:s7+$0x50];
	[tilespmem:s22+$0x3C0] =	vst v1  }
0x55f: {  	v1 =	vld [tilespmem:s30+$0x50]  }
0x560: {  	[tilespmem:s16+$0x3D0] =	vst v59  }
0x561: {  	v0 =	vld [tilespmem:s23+$0x60];
	[tilespmem:s17+$0x3D0] =	vst v3  }
0x562: {  	v3 =	vld [tilespmem:s19+$0x60];
	[tilespmem:s18+$0x3D0] =	vst v4  }
0x563: {  	[tilespmem:s20+$0x3D0] =	vst v2;
	v4 =	vld [tilespmem:s26+$0x60]  }
0x564: {  	v2 =	vld [tilespmem:s7+$0x60];
	[tilespmem:s22+$0x3D0] =	vst v1  }
0x565: {  	v1 =	vld [tilespmem:s30+$0x60]  }
0x566: {  	[tilespmem:s16+$0x3E0] =	vst v0  }
0x567: {  	v0 =	vld [tilespmem:s23+$0x70];
	[tilespmem:s17+$0x3E0] =	vst v3  }
0x568: {  	v3 =	vld [tilespmem:s19+$0x70];
	[tilespmem:s18+$0x3E0] =	vst v4  }
0x569: {  	[tilespmem:s20+$0x3E0] =	vst v2;
	v4 =	vld [tilespmem:s26+$0x70]  }
0x56a: {  	v2 =	vld [tilespmem:s7+$0x70];
	[tilespmem:s22+$0x3E0] =	vst v1  }
0x56b: {  	v1 =	vld [tilespmem:s30+$0x70]  }
0x56c: {  	p1 =	sne.s32 s14, $0x19;
	[tilespmem:s16+$0x3F0] =	vst v0;
	s31 =	smul.u32 $0x190, s15  }
.Ltmp1:
0x56d: {  	[tilespmem:s17+$0x3F0] =	vst v3;
	(pc) =	sbr.rel @p1 .LBB2_2-.Ltmp1, $4  }
0x56e: {  	s0 =	sadd.s32 s5, s31;
	[tilespmem:s18+$0x3F0] =	vst v4  }
0x56f: {  	s0 =	sshll.u32 s0, $0x4;
	[tilespmem:s20+$0x3F0] =	vst v2  }
0x570: {  	p0 =	por !p0, !p0;
	s15 =	smov.u32 s14;
	s0 =	sadd.s32 s3, s0;
	[tilespmem:s22+$0x3F0] =	vst v1  }
0x571: {  	[hbm4b:s0+s4] =	stream.linear.scatter [tilespmem:s21], [sflag:$0x2], $0xC800, $0x38;
	[tilespmem:$0x19680] =	vst v63  }
0x572: {  	s13 =	sadd.s32 $0x1, s13  }
0x573: {  	_ =	swait.ge [sflag:s12], $0xC800;
	p0 =	sne.s32 s13, s8  }
.Ltmp2:
0x574: {  	[sflag:s12] =	ssyncset.done $0x0;
	(pc) =	sbr.rel @p0 .LBB2_1-.Ltmp2, $4  }
0x575: {  	[sflag:s12] =	ssyncadd.s32 $0xFFFF3800  }
0x576: {  	_ =	swait.ge [sflag:s12], $0xC800  }
0x577: {  	[sflag:s12] =	ssyncset.done $0x0  }
0x578: {  	[sflag:s12] =	ssyncadd.s32 $0xFFFF3800  }
0x579: {  	_ =	sfence.sel $0x180000  }
0x57a: {  	[bflag:$0x0] =	sbarrier.arrive $0xFFFF  }
0x57b: {  	_ =	strace $0x90000047  }
0x57c: {  	s0 =	stileid.u32;
	[bflag:$0x2] =	sbarrier.arrive $0xFFFF  }
0x57d: {  	p0 =	sne.s32 s0, $0x0;
	s0 =	rddreg [dreg:$0x3]  }
0x57e: {  	s0 =	sadd.s32 @!p0 $0x100000, s0  }
0x57f: {  	[sflag:s0] =	ssyncadd.tile.s32 @!p0 $0x1;
	_ =	shalt  }
.Lfunc_end2:
_tile_overlayer_lowered:
.L_overlay_start_2:
0x580: {  	(tag) =	ssettag $0x2  }
0x581: {  	s0 =	rddreg [dreg:$0x0];
	s2 =	stileid.u32  }
0x582: {  	s1 =	rddreg [dreg:$0x1];
	p0 =	sne.s32 s2, $0x0  }
0x583: {  	s3 =	rddreg [dreg:$0x2];
	[bflag:$0x3] =	sbarrier.arrive $0xFFFF;
	s2 =	simm.s32 @!p0 $0x1C03  }
0x584: {  	[timem:s3], [sflag:s2] =	dma.local @!p0 [hbm:s0], s1  }
0x585: {  	s0 =	simm.s32 @!p0 $0x3  }
0x586: {  	_ =	swait.ge @!p0 [sflag:s0], s1  }
0x587: {  	s1 =	ssub.s32 @!p0 $0x0, s1;
	[sflag:s0] =	ssyncset.done @!p0 $0x0  }
0x588: {  	[sflag:s0] =	ssyncadd.s32 @!p0 s1  }
0x589: {  	[bflag:$0x3] =	sbarrier.arrive $0xFFFF  }
0x58a: {  	_ =	shalt  }

</sc_bundles>
